<compile_context>
chip_gen: v7x
topology: tpu7x:2x2x1
jax: 0.10.2.dev20260603
libtpu: 0.0.44.dev20260713+nightly
codegen_flags: <defaults>
</compile_context>

<pallas_src>
import functools

import jax
import jax.numpy as jnp
from jax import lax
from jax.experimental import pallas as pl
from jax.experimental.pallas import tpu as pltpu
from jax.experimental.pallas import tpu_sc as plsc

L = 16
NC = 2
NS = 16
NW = NC * NS
BATCH = 16384
D = 32
B_PER_W = BATCH // NW


def _mf_body(uids_hbm, mids_hbm, utab_hbm, mtab_hbm, out_hbm,
             uidx_v, midx_v, blk_v, comp_v, outb_v, usem):
    wid = lax.axis_index("s") * NC + lax.axis_index("c")
    base = wid * B_PER_W

    pltpu.sync_copy(uids_hbm.at[pl.ds(base, B_PER_W)], uidx_v)
    pltpu.sync_copy(mids_hbm.at[pl.ds(base, B_PER_W)], midx_v)

    lanes = lax.iota(jnp.int32, L)

    def fetch(tab, vec):
        lb = vec & ~127
        copies = []
        for j in range(L):
            lbj = pl.multiple_of(lb[j], 128)
            copies.append(pltpu.async_copy(
                tab.at[:, :, pl.ds(lbj, 128)], blk_v.at[j], usem))
        for cp in copies:
            cp.wait()

    def grp_body(g, carry):
        g0 = g * L
        uvec = uidx_v[pl.ds(g0, L)]
        mvec = midx_v[pl.ds(g0, L)]

        fetch(utab_hbm, uvec)
        uoff = uvec & 127
        for a in range(4):
            av = jnp.full((L,), a, jnp.int32)
            for s in range(8):
                sv = jnp.full((L,), s, jnp.int32)
                u = plsc.load_gather(blk_v, [lanes, av, sv, uoff])
                comp_v[a * 8 + s, pl.ds(0, L)] = u

        fetch(mtab_hbm, mvec)
        moff = mvec & 127
        acc = jnp.zeros((L,), jnp.float32)
        for a in range(4):
            av = jnp.full((L,), a, jnp.int32)
            for s in range(8):
                sv = jnp.full((L,), s, jnp.int32)
                m = plsc.load_gather(blk_v, [lanes, av, sv, moff])
                acc = acc + comp_v[a * 8 + s, pl.ds(0, L)] * m
        outb_v[pl.ds(g0, L)] = acc
        return carry

    lax.fori_loop(0, B_PER_W // L, grp_body, 0)
    pltpu.sync_copy(outb_v, out_hbm.at[pl.ds(base, B_PER_W)])


def kernel(user_ids, movie_ids, user_table, movie_table):
    n_users = user_table.shape[0]
    n_movies = movie_table.shape[0]
    utab3 = user_table.T.reshape(4, 8, n_users)
    mtab3 = movie_table.T.reshape(4, 8, n_movies)
    mesh = plsc.VectorSubcoreMesh(core_axis_name="c", subcore_axis_name="s")
    f = functools.partial(
        pl.kernel,
        mesh=mesh,
        out_type=jax.ShapeDtypeStruct((BATCH,), jnp.float32),
        scratch_types=[
            pltpu.VMEM((B_PER_W,), jnp.int32),
            pltpu.VMEM((B_PER_W,), jnp.int32),
            pltpu.VMEM((L, 4, 8, 128), jnp.float32),
            pltpu.VMEM((D, L), jnp.float32),
            pltpu.VMEM((B_PER_W,), jnp.float32),
            pltpu.SemaphoreType.DMA,
        ],
        compiler_params=pltpu.CompilerParams(
            use_tc_tiling_on_sc=True, needs_layout_passes=False),
    )(_mf_body)
    return f(user_ids.astype(jnp.int32), movie_ids.astype(jnp.int32),
             utab3, mtab3)

# --- scband reference (transcript-rebuilt; emitter-appended) ---
"""Pipeline reference for scband-matrix-factorization-74251394613301 (READ-ONLY COPY).

The authoritative reference and input builder live on the scoring server;
editing this copy changes nothing except your own understanding.
"""

import jax, jax.numpy as jnp
import numpy as np

N_USERS = 1000000
N_MOVIES = 1000000
EMBED_DIM = 32
BATCH = 16384

def setup_inputs(seed: int = 0) -> dict:
    key = jax.random.key(seed)
    k1, k2, k3, k4 = jax.random.split(key, 4)
    user_ids = jax.random.randint(k1, (BATCH,), 0, N_USERS, dtype=jnp.int64 if jax.config.jax_enable_x64 else jnp.int32)
    movie_ids = jax.random.randint(k2, (BATCH,), 0, N_MOVIES, dtype=jnp.int64 if jax.config.jax_enable_x64 else jnp.int32)
    user_table = jax.random.normal(k3, (N_USERS, EMBED_DIM), dtype=jnp.float32) * 0.01
    movie_table = jax.random.normal(k4, (N_MOVIES, EMBED_DIM), dtype=jnp.float32) * 0.01
    return {"user_ids": user_ids, "movie_ids": movie_ids, "user_table": user_table, "movie_table": movie_table}

def reference(user_ids, movie_ids, user_table, movie_table):
    u = jnp.take(user_table, user_ids, axis=0)
    m = jnp.take(movie_table, movie_ids, axis=0)
    return (u * m).sum(axis=-1)

if __name__ == "__main__":
    import jax
    _d = setup_inputs()
    print(jax.jit(kernel)(*tuple(_d.values())))

</pallas_src>

<mosaic_0001>
#map = affine_map<(d0, d1) -> (0)>
#map1 = affine_map<(d0, d1) -> (0, 0, 0)>
module attributes {stable_mosaic.version = 14 : i64} {
  func.func @_mf_body(%arg0: i32, %arg1: i32, %arg2: memref<16384xi32, #tpu.memory_space<hbm>>, %arg3: memref<16384xi32, #tpu.memory_space<hbm>>, %arg4: memref<4x8x1000000xf32, #tpu.memory_space<hbm>>, %arg5: memref<4x8x1000000xf32, #tpu.memory_space<hbm>>, %arg6: memref<16384xf32, #tpu.memory_space<hbm>>, %arg7: memref<512xi32, #tpu.memory_space<vmem>>, %arg8: memref<512xi32, #tpu.memory_space<vmem>>, %arg9: memref<16x4x8x128xf32, #tpu.memory_space<vmem>>, %arg10: memref<32x16xf32, #tpu.memory_space<vmem>>, %arg11: memref<512xf32, #tpu.memory_space<vmem>>, %arg12: memref<!tpu.dma_semaphore, #tpu.memory_space<semaphore_mem>>) attributes {dimension_semantics = [#tpu.dimension_semantics<core_parallel>, #tpu.dimension_semantics<subcore_parallel>], iteration_bounds = array<i64: 2, 16>, scalar_prefetch = 0 : i64, scratch_operands = 6 : i64, tpu.core_type = #tpu.core_type<sc_vector_subcore>, window_params = [{transform_indices = #map}, {transform_indices = #map}, {transform_indices = #map1}, {transform_indices = #map1}, {transform_indices = #map}]} {
    %mul3A = arith.constant 2 : i32
    %mul3A_0 = arith.muli %arg1, %mul3A : i32
    %add3A = arith.addi %mul3A_0, %arg0 : i32
    %mul3A_1 = arith.constant 512 : i32
    %mul3A_2 = arith.muli %add3A, %mul3A_1 : i32
    "tpu.region"() ({
      %run_scoped3A = tpu.sem_alloc : memref<!tpu.dma_semaphore, #tpu.memory_space<semaphore_mem>>
      %dma_start3A = tpu.memref_slice %arg2[%mul3A_2] : memref<16384xi32, #tpu.memory_space<hbm>> -> memref<512xi32, #tpu.memory_space<hbm>>
      %dma_start3A_8 = tpu.memref_slice %arg2[%mul3A_2] : memref<16384xi32, #tpu.memory_space<hbm>> -> memref<512xi32, #tpu.memory_space<hbm>>
      tpu.enqueue_dma source(%dma_start3A_8 : memref<512xi32, #tpu.memory_space<hbm>>) target(%arg7 : memref<512xi32, #tpu.memory_space<vmem>>) target_semaphore(%run_scoped3A : memref<!tpu.dma_semaphore, #tpu.memory_space<semaphore_mem>>)
      %dma_wait3A = tpu.memref_slice %arg2[%mul3A_2] : memref<16384xi32, #tpu.memory_space<hbm>> -> memref<512xi32, #tpu.memory_space<hbm>>
      %dma_wait3A_9 = tpu.memref_slice %arg2[%mul3A_2] : memref<16384xi32, #tpu.memory_space<hbm>> -> memref<512xi32, #tpu.memory_space<hbm>>
      tpu.wait_dma2 semaphore(%run_scoped3A : memref<!tpu.dma_semaphore, #tpu.memory_space<semaphore_mem>>) src(%dma_wait3A_9 : memref<512xi32, #tpu.memory_space<hbm>>) dst(%arg7 : memref<512xi32, #tpu.memory_space<vmem>>)
      tpu.yield
    }) : () -> ()
    "tpu.region"() ({
      %run_scoped3A = tpu.sem_alloc : memref<!tpu.dma_semaphore, #tpu.memory_space<semaphore_mem>>
      %dma_start3A = tpu.memref_slice %arg3[%mul3A_2] : memref<16384xi32, #tpu.memory_space<hbm>> -> memref<512xi32, #tpu.memory_space<hbm>>
      %dma_start3A_8 = tpu.memref_slice %arg3[%mul3A_2] : memref<16384xi32, #tpu.memory_space<hbm>> -> memref<512xi32, #tpu.memory_space<hbm>>
      tpu.enqueue_dma source(%dma_start3A_8 : memref<512xi32, #tpu.memory_space<hbm>>) target(%arg8 : memref<512xi32, #tpu.memory_space<vmem>>) target_semaphore(%run_scoped3A : memref<!tpu.dma_semaphore, #tpu.memory_space<semaphore_mem>>)
      %dma_wait3A = tpu.memref_slice %arg3[%mul3A_2] : memref<16384xi32, #tpu.memory_space<hbm>> -> memref<512xi32, #tpu.memory_space<hbm>>
      %dma_wait3A_9 = tpu.memref_slice %arg3[%mul3A_2] : memref<16384xi32, #tpu.memory_space<hbm>> -> memref<512xi32, #tpu.memory_space<hbm>>
      tpu.wait_dma2 semaphore(%run_scoped3A : memref<!tpu.dma_semaphore, #tpu.memory_space<semaphore_mem>>) src(%dma_wait3A_9 : memref<512xi32, #tpu.memory_space<hbm>>) dst(%arg8 : memref<512xi32, #tpu.memory_space<vmem>>)
      tpu.yield
    }) : () -> ()
    %iota3A = tpu.iota {dimensions = array<i32: 0>} : vector<16xi32>
    %scan3A = arith.constant 0 : i32
    %scan3A_3 = arith.constant 0 : i32
    %scan3A_4 = arith.constant 32 : i32
    %scan3A_5 = arith.addi %scan3A_3, %scan3A_4 : i32
    %scan3A_6 = arith.constant 1 : i32
    scf.for %scan3A_8 = %scan3A_3 to %scan3A_5 step %scan3A_6  : i32 {
      %mul3A_9 = arith.constant 16 : i32
      %mul3A_10 = arith.muli %scan3A_8, %mul3A_9 : i32
      %get3A = arith.index_cast %mul3A_10 : i32 to index
      %get3A_11 = tpu.vector_load %arg7[%get3A] {strides = array<i32>} : memref<512xi32, #tpu.memory_space<vmem>>, vector<16xi32>,
      %get3A_12 = arith.index_cast %mul3A_10 : i32 to index
      %get3A_13 = tpu.vector_load %arg8[%get3A_12] {strides = array<i32>} : memref<512xi32, #tpu.memory_space<vmem>>, vector<16xi32>,
      %and3A = arith.constant -128 : i32
      %and3A_14 = vector.broadcast %and3A : i32 to vector<16xi32>
      %and3A_15 = arith.andi %get3A_11, %and3A_14 : vector<16xi32>
      %slice3A = vector.extract_strided_slice %and3A_15 {offsets = [0], sizes = [1], strides = [1]} : vector<16xi32> to vector<1xi32>
      %squeeze3A = vector.extract %slice3A[0] : i32 from vector<1xi32>
      %multiple_of3A = tpu.assume_multiple %squeeze3A, 128 : i32
      %dma_start3A = arith.constant 0 : i32
      %dma_start3A_16 = arith.constant 0 : i32
      %dma_start3A_17 = arith.constant 0 : i32
      %dma_start3A_18 = arith.constant 0 : i32
      %dma_start3A_19 = tpu.memref_slice %arg9[%dma_start3A, %dma_start3A_16, %dma_start3A_17, %dma_start3A_18] : memref<16x4x8x128xf32, #tpu.memory_space<vmem>> -> memref<1x4x8x128xf32, #tpu.memory_space<vmem>>
      %dma_start3A_20 = tpu.memref_squeeze %dma_start3A_19 : memref<1x4x8x128xf32, #tpu.memory_space<vmem>> -> memref<4x8x128xf32, #tpu.memory_space<vmem>>
      %dma_start3A_21 = arith.constant 0 : i32
      %dma_start3A_22 = arith.constant 0 : i32
      %dma_start3A_23 = tpu.memref_slice %arg4[%dma_start3A_21, %dma_start3A_22, %multiple_of3A] : memref<4x8x1000000xf32, #tpu.memory_space<hbm>> -> memref<4x8x128xf32, #tpu.memory_space<hbm>>
      %dma_start3A_24 = arith.constant 0 : i32
      %dma_start3A_25 = arith.constant 0 : i32
      %dma_start3A_26 = arith.constant 0 : i32
      %dma_start3A_27 = tpu.memref_slice %arg9[%dma_start3A, %dma_start3A_24, %dma_start3A_25, %dma_start3A_26] : memref<16x4x8x128xf32, #tpu.memory_space<vmem>> -> memref<1x4x8x128xf32, #tpu.memory_space<vmem>>
      %dma_start3A_28 = tpu.memref_squeeze %dma_start3A_27 : memref<1x4x8x128xf32, #tpu.memory_space<vmem>> -> memref<4x8x128xf32, #tpu.memory_space<vmem>>
      %dma_start3A_29 = arith.constant 0 : i32
      %dma_start3A_30 = arith.constant 0 : i32
      %dma_start3A_31 = tpu.memref_slice %arg4[%dma_start3A_29, %dma_start3A_30, %multiple_of3A] : memref<4x8x1000000xf32, #tpu.memory_space<hbm>> -> memref<4x8x128xf32, #tpu.memory_space<hbm>>
      tpu.enqueue_dma source(%dma_start3A_31 : memref<4x8x128xf32, #tpu.memory_space<hbm>>) target(%dma_start3A_28 : memref<4x8x128xf32, #tpu.memory_space<vmem>>) target_semaphore(%arg12 : memref<!tpu.dma_semaphore, #tpu.memory_space<semaphore_mem>>)
      %slice3A_32 = vector.extract_strided_slice %and3A_15 {offsets = [1], sizes = [1], strides = [1]} : vector<16xi32> to vector<1xi32>
      %squeeze3A_33 = vector.extract %slice3A_32[0] : i32 from vector<1xi32>
      %multiple_of3A_34 = tpu.assume_multiple %squeeze3A_33, 128 : i32
      %dma_start3A_35 = arith.constant 1 : i32
      %dma_start3A_36 = arith.constant 0 : i32
      %dma_start3A_37 = arith.constant 0 : i32
      %dma_start3A_38 = arith.constant 0 : i32
      %dma_start3A_39 = tpu.memref_slice %arg9[%dma_start3A_35, %dma_start3A_36, %dma_start3A_37, %dma_start3A_38] : memref<16x4x8x128xf32, #tpu.memory_space<vmem>> -> memref<1x4x8x128xf32, #tpu.memory_space<vmem>>
      %dma_start3A_40 = tpu.memref_squeeze %dma_start3A_39 : memref<1x4x8x128xf32, #tpu.memory_space<vmem>> -> memref<4x8x128xf32, #tpu.memory_space<vmem>>
      %dma_start3A_41 = arith.constant 0 : i32
      %dma_start3A_42 = arith.constant 0 : i32
      %dma_start3A_43 = tpu.memref_slice %arg4[%dma_start3A_41, %dma_start3A_42, %multiple_of3A_34] : memref<4x8x1000000xf32, #tpu.memory_space<hbm>> -> memref<4x8x128xf32, #tpu.memory_space<hbm>>
      %dma_start3A_44 = arith.constant 0 : i32
      %dma_start3A_45 = arith.constant 0 : i32
      %dma_start3A_46 = arith.constant 0 : i32
      %dma_start3A_47 = tpu.memref_slice %arg9[%dma_start3A_35, %dma_start3A_44, %dma_start3A_45, %dma_start3A_46] : memref<16x4x8x128xf32, #tpu.memory_space<vmem>> -> memref<1x4x8x128xf32, #tpu.memory_space<vmem>>
      %dma_start3A_48 = tpu.memref_squeeze %dma_start3A_47 : memref<1x4x8x128xf32, #tpu.memory_space<vmem>> -> memref<4x8x128xf32, #tpu.memory_space<vmem>>
      %dma_start3A_49 = arith.constant 0 : i32
      %dma_start3A_50 = arith.constant 0 : i32
      %dma_start3A_51 = tpu.memref_slice %arg4[%dma_start3A_49, %dma_start3A_50, %multiple_of3A_34] : memref<4x8x1000000xf32, #tpu.memory_space<hbm>> -> memref<4x8x128xf32, #tpu.memory_space<hbm>>
      tpu.enqueue_dma source(%dma_start3A_51 : memref<4x8x128xf32, #tpu.memory_space<hbm>>) target(%dma_start3A_48 : memref<4x8x128xf32, #tpu.memory_space<vmem>>) target_semaphore(%arg12 : memref<!tpu.dma_semaphore, #tpu.memory_space<semaphore_mem>>)
      %slice3A_52 = vector.extract_strided_slice %and3A_15 {offsets = [2], sizes = [1], strides = [1]} : vector<16xi32> to vector<1xi32>
      %squeeze3A_53 = vector.extract %slice3A_52[0] : i32 from vector<1xi32>
      %multiple_of3A_54 = tpu.assume_multiple %squeeze3A_53, 128 : i32
      %dma_start3A_55 = arith.constant 2 : i32
      %dma_start3A_56 = arith.constant 0 : i32
      %dma_start3A_57 = arith.constant 0 : i32
      %dma_start3A_58 = arith.constant 0 : i32
      %dma_start3A_59 = tpu.memref_slice %arg9[%dma_start3A_55, %dma_start3A_56, %dma_start3A_57, %dma_start3A_58] : memref<16x4x8x128xf32, #tpu.memory_space<vmem>> -> memref<1x4x8x128xf32, #tpu.memory_space<vmem>>
      %dma_start3A_60 = tpu.memref_squeeze %dma_start3A_59 : memref<1x4x8x128xf32, #tpu.memory_space<vmem>> -> memref<4x8x128xf32, #tpu.memory_space<vmem>>
      %dma_start3A_61 = arith.constant 0 : i32
      %dma_start3A_62 = arith.constant 0 : i32
      %dma_start3A_63 = tpu.memref_slice %arg4[%dma_start3A_61, %dma_start3A_62, %multiple_of3A_54] : memref<4x8x1000000xf32, #tpu.memory_space<hbm>> -> memref<4x8x128xf32, #tpu.memory_space<hbm>>
      %dma_start3A_64 = arith.constant 0 : i32
      %dma_start3A_65 = arith.constant 0 : i32
      %dma_start3A_66 = arith.constant 0 : i32
      %dma_start3A_67 = tpu.memref_slice %arg9[%dma_start3A_55, %dma_start3A_64, %dma_start3A_65, %dma_start3A_66] : memref<16x4x8x128xf32, #tpu.memory_space<vmem>> -> memref<1x4x8x128xf32, #tpu.memory_space<vmem>>
      %dma_start3A_68 = tpu.memref_squeeze %dma_start3A_67 : memref<1x4x8x128xf32, #tpu.memory_space<vmem>> -> memref<4x8x128xf32, #tpu.memory_space<vmem>>
      %dma_start3A_69 = arith.constant 0 : i32
      %dma_start3A_70 = arith.constant 0 : i32
      %dma_start3A_71 = tpu.memref_slice %arg4[%dma_start3A_69, %dma_start3A_70, %multiple_of3A_54] : memref<4x8x1000000xf32, #tpu.memory_space<hbm>> -> memref<4x8x128xf32, #tpu.memory_space<hbm>>
      tpu.enqueue_dma source(%dma_start3A_71 : memref<4x8x128xf32, #tpu.memory_space<hbm>>) target(%dma_start3A_68 : memref<4x8x128xf32, #tpu.memory_space<vmem>>) target_semaphore(%arg12 : memref<!tpu.dma_semaphore, #tpu.memory_space<semaphore_mem>>)
      %slice3A_72 = vector.extract_strided_slice %and3A_15 {offsets = [3], sizes = [1], strides = [1]} : vector<16xi32> to vector<1xi32>
      %squeeze3A_73 = vector.extract %slice3A_72[0] : i32 from vector<1xi32>
      %multiple_of3A_74 = tpu.assume_multiple %squeeze3A_73, 128 : i32
      %dma_start3A_75 = arith.constant 3 : i32
      %dma_start3A_76 = arith.constant 0 : i32
      %dma_start3A_77 = arith.constant 0 : i32
      %dma_start3A_78 = arith.constant 0 : i32
      %dma_start3A_79 = tpu.memref_slice %arg9[%dma_start3A_75, %dma_start3A_76, %dma_start3A_77, %dma_start3A_78] : memref<16x4x8x128xf32, #tpu.memory_space<vmem>> -> memref<1x4x8x128xf32, #tpu.memory_space<vmem>>
      %dma_start3A_80 = tpu.memref_squeeze %dma_start3A_79 : memref<1x4x8x128xf32, #tpu.memory_space<vmem>> -> memref<4x8x128xf32, #tpu.memory_space<vmem>>
      %dma_start3A_81 = arith.constant 0 : i32
      %dma_start3A_82 = arith.constant 0 : i32
      %dma_start3A_83 = tpu.memref_slice %arg4[%dma_start3A_81, %dma_start3A_82, %multiple_of3A_74] : memref<4x8x1000000xf32, #tpu.memory_space<hbm>> -> memref<4x8x128xf32, #tpu.memory_space<hbm>>
      %dma_start3A_84 = arith.constant 0 : i32
      %dma_start3A_85 = arith.constant 0 : i32
      %dma_start3A_86 = arith.constant 0 : i32
      %dma_start3A_87 = tpu.memref_slice %arg9[%dma_start3A_75, %dma_start3A_84, %dma_start3A_85, %dma_start3A_86] : memref<16x4x8x128xf32, #tpu.memory_space<vmem>> -> memref<1x4x8x128xf32, #tpu.memory_space<vmem>>
      %dma_start3A_88 = tpu.memref_squeeze %dma_start3A_87 : memref<1x4x8x128xf32, #tpu.memory_space<vmem>> -> memref<4x8x128xf32, #tpu.memory_space<vmem>>
      %dma_start3A_89 = arith.constant 0 : i32
      %dma_start3A_90 = arith.constant 0 : i32
      %dma_start3A_91 = tpu.memref_slice %arg4[%dma_start3A_89, %dma_start3A_90, %multiple_of3A_74] : memref<4x8x1000000xf32, #tpu.memory_space<hbm>> -> memref<4x8x128xf32, #tpu.memory_space<hbm>>
      tpu.enqueue_dma source(%dma_start3A_91 : memref<4x8x128xf32, #tpu.memory_space<hbm>>) target(%dma_start3A_88 : memref<4x8x128xf32, #tpu.memory_space<vmem>>) target_semaphore(%arg12 : memref<!tpu.dma_semaphore, #tpu.memory_space<semaphore_mem>>)
      %slice3A_92 = vector.extract_strided_slice %and3A_15 {offsets = [4], sizes = [1], strides = [1]} : vector<16xi32> to vector<1xi32>
      %squeeze3A_93 = vector.extract %slice3A_92[0] : i32 from vector<1xi32>
      %multiple_of3A_94 = tpu.assume_multiple %squeeze3A_93, 128 : i32
      %dma_start3A_95 = arith.constant 4 : i32
      %dma_start3A_96 = arith.constant 0 : i32
      %dma_start3A_97 = arith.constant 0 : i32
      %dma_start3A_98 = arith.constant 0 : i32
      %dma_start3A_99 = tpu.memref_slice %arg9[%dma_start3A_95, %dma_start3A_96, %dma_start3A_97, %dma_start3A_98] : memref<16x4x8x128xf32, #tpu.memory_space<vmem>> -> memref<1x4x8x128xf32, #tpu.memory_space<vmem>>
      %dma_start3A_100 = tpu.memref_squeeze %dma_start3A_99 : memref<1x4x8x128xf32, #tpu.memory_space<vmem>> -> memref<4x8x128xf32, #tpu.memory_space<vmem>>
      %dma_start3A_101 = arith.constant 0 : i32
      %dma_start3A_102 = arith.constant 0 : i32
      %dma_start3A_103 = tpu.memref_slice %arg4[%dma_start3A_101, %dma_start3A_102, %multiple_of3A_94] : memref<4x8x1000000xf32, #tpu.memory_space<hbm>> -> memref<4x8x128xf32, #tpu.memory_space<hbm>>
      %dma_start3A_104 = arith.constant 0 : i32
      %dma_start3A_105 = arith.constant 0 : i32
      %dma_start3A_106 = arith.constant 0 : i32
      %dma_start3A_107 = tpu.memref_slice %arg9[%dma_start3A_95, %dma_start3A_104, %dma_start3A_105, %dma_start3A_106] : memref<16x4x8x128xf32, #tpu.memory_space<vmem>> -> memref<1x4x8x128xf32, #tpu.memory_space<vmem>>
      %dma_start3A_108 = tpu.memref_squeeze %dma_start3A_107 : memref<1x4x8x128xf32, #tpu.memory_space<vmem>> -> memref<4x8x128xf32, #tpu.memory_space<vmem>>
      %dma_start3A_109 = arith.constant 0 : i32
      %dma_start3A_110 = arith.constant 0 : i32
      %dma_start3A_111 = tpu.memref_slice %arg4[%dma_start3A_109, %dma_start3A_110, %multiple_of3A_94] : memref<4x8x1000000xf32, #tpu.memory_space<hbm>> -> memref<4x8x128xf32, #tpu.memory_space<hbm>>
      tpu.enqueue_dma source(%dma_start3A_111 : memref<4x8x128xf32, #tpu.memory_space<hbm>>) target(%dma_start3A_108 : memref<4x8x128xf32, #tpu.memory_space<vmem>>) target_semaphore(%arg12 : memref<!tpu.dma_semaphore, #tpu.memory_space<semaphore_mem>>)
      %slice3A_112 = vector.extract_strided_slice %and3A_15 {offsets = [5], sizes = [1], strides = [1]} : vector<16xi32> to vector<1xi32>
      %squeeze3A_113 = vector.extract %slice3A_112[0] : i32 from vector<1xi32>
      %multiple_of3A_114 = tpu.assume_multiple %squeeze3A_113, 128 : i32
      %dma_start3A_115 = arith.constant 5 : i32
      %dma_start3A_116 = arith.constant 0 : i32
      %dma_start3A_117 = arith.constant 0 : i32
      %dma_start3A_118 = arith.constant 0 : i32
      %dma_start3A_119 = tpu.memref_slice %arg9[%dma_start3A_115, %dma_start3A_116, %dma_start3A_117, %dma_start3A_118] : memref<16x4x8x128xf32, #tpu.memory_space<vmem>> -> memref<1x4x8x128xf32, #tpu.memory_space<vmem>>
      %dma_start3A_120 = tpu.memref_squeeze %dma_start3A_119 : memref<1x4x8x128xf32, #tpu.memory_space<vmem>> -> memref<4x8x128xf32, #tpu.memory_space<vmem>>
      %dma_start3A_121 = arith.constant 0 : i32
      %dma_start3A_122 = arith.constant 0 : i32
      %dma_start3A_123 = tpu.memref_slice %arg4[%dma_start3A_121, %dma_start3A_122, %multiple_of3A_114] : memref<4x8x1000000xf32, #tpu.memory_space<hbm>> -> memref<4x8x128xf32, #tpu.memory_space<hbm>>
      %dma_start3A_124 = arith.constant 0 : i32
      %dma_start3A_125 = arith.constant 0 : i32
      %dma_start3A_126 = arith.constant 0 : i32
      %dma_start3A_127 = tpu.memref_slice %arg9[%dma_start3A_115, %dma_start3A_124, %dma_start3A_125, %dma_start3A_126] : memref<16x4x8x128xf32, #tpu.memory_space<vmem>> -> memref<1x4x8x128xf32, #tpu.memory_space<vmem>>
      %dma_start3A_128 = tpu.memref_squeeze %dma_start3A_127 : memref<1x4x8x128xf32, #tpu.memory_space<vmem>> -> memref<4x8x128xf32, #tpu.memory_space<vmem>>
      %dma_start3A_129 = arith.constant 0 : i32
      %dma_start3A_130 = arith.constant 0 : i32
      %dma_start3A_131 = tpu.memref_slice %arg4[%dma_start3A_129, %dma_start3A_130, %multiple_of3A_114] : memref<4x8x1000000xf32, #tpu.memory_space<hbm>> -> memref<4x8x128xf32, #tpu.memory_space<hbm>>
      tpu.enqueue_dma source(%dma_start3A_131 : memref<4x8x128xf32, #tpu.memory_space<hbm>>) target(%dma_start3A_128 : memref<4x8x128xf32, #tpu.memory_space<vmem>>) target_semaphore(%arg12 : memref<!tpu.dma_semaphore, #tpu.memory_space<semaphore_mem>>)
      %slice3A_132 = vector.extract_strided_slice %and3A_15 {offsets = [6], sizes = [1], strides = [1]} : vector<16xi32> to vector<1xi32>
      %squeeze3A_133 = vector.extract %slice3A_132[0] : i32 from vector<1xi32>
      %multiple_of3A_134 = tpu.assume_multiple %squeeze3A_133, 128 : i32
      %dma_start3A_135 = arith.constant 6 : i32
      %dma_start3A_136 = arith.constant 0 : i32
      %dma_start3A_137 = arith.constant 0 : i32
      %dma_start3A_138 = arith.constant 0 : i32
      %dma_start3A_139 = tpu.memref_slice %arg9[%dma_start3A_135, %dma_start3A_136, %dma_start3A_137, %dma_start3A_138] : memref<16x4x8x128xf32, #tpu.memory_space<vmem>> -> memref<1x4x8x128xf32, #tpu.memory_space<vmem>>
      %dma_start3A_140 = tpu.memref_squeeze %dma_start3A_139 : memref<1x4x8x128xf32, #tpu.memory_space<vmem>> -> memref<4x8x128xf32, #tpu.memory_space<vmem>>
      %dma_start3A_141 = arith.constant 0 : i32
      %dma_start3A_142 = arith.constant 0 : i32
      %dma_start3A_143 = tpu.memref_slice %arg4[%dma_start3A_141, %dma_start3A_142, %multiple_of3A_134] : memref<4x8x1000000xf32, #tpu.memory_space<hbm>> -> memref<4x8x128xf32, #tpu.memory_space<hbm>>
      %dma_start3A_144 = arith.constant 0 : i32
      %dma_start3A_145 = arith.constant 0 : i32
      %dma_start3A_146 = arith.constant 0 : i32
      %dma_start3A_147 = tpu.memref_slice %arg9[%dma_start3A_135, %dma_start3A_144, %dma_start3A_145, %dma_start3A_146] : memref<16x4x8x128xf32, #tpu.memory_space<vmem>> -> memref<1x4x8x128xf32, #tpu.memory_space<vmem>>
      %dma_start3A_148 = tpu.memref_squeeze %dma_start3A_147 : memref<1x4x8x128xf32, #tpu.memory_space<vmem>> -> memref<4x8x128xf32, #tpu.memory_space<vmem>>
      %dma_start3A_149 = arith.constant 0 : i32
      %dma_start3A_150 = arith.constant 0 : i32
      %dma_start3A_151 = tpu.memref_slice %arg4[%dma_start3A_149, %dma_start3A_150, %multiple_of3A_134] : memref<4x8x1000000xf32, #tpu.memory_space<hbm>> -> memref<4x8x128xf32, #tpu.memory_space<hbm>>
      tpu.enqueue_dma source(%dma_start3A_151 : memref<4x8x128xf32, #tpu.memory_space<hbm>>) target(%dma_start3A_148 : memref<4x8x128xf32, #tpu.memory_space<vmem>>) target_semaphore(%arg12 : memref<!tpu.dma_semaphore, #tpu.memory_space<semaphore_mem>>)
      %slice3A_152 = vector.extract_strided_slice %and3A_15 {offsets = [7], sizes = [1], strides = [1]} : vector<16xi32> to vector<1xi32>
      %squeeze3A_153 = vector.extract %slice3A_152[0] : i32 from vector<1xi32>
      %multiple_of3A_154 = tpu.assume_multiple %squeeze3A_153, 128 : i32
      %dma_start3A_155 = arith.constant 7 : i32
      %dma_start3A_156 = arith.constant 0 : i32
      %dma_start3A_157 = arith.constant 0 : i32
      %dma_start3A_158 = arith.constant 0 : i32
      %dma_start3A_159 = tpu.memref_slice %arg9[%dma_start3A_155, %dma_start3A_156, %dma_start3A_157, %dma_start3A_158] : memref<16x4x8x128xf32, #tpu.memory_space<vmem>> -> memref<1x4x8x128xf32, #tpu.memory_space<vmem>>
      %dma_start3A_160 = tpu.memref_squeeze %dma_start3A_159 : memref<1x4x8x128xf32, #tpu.memory_space<vmem>> -> memref<4x8x128xf32, #tpu.memory_space<vmem>>
      %dma_start3A_161 = arith.constant 0 : i32
      %dma_start3A_162 = arith.constant 0 : i32
      %dma_start3A_163 = tpu.memref_slice %arg4[%dma_start3A_161, %dma_start3A_162, %multiple_of3A_154] : memref<4x8x1000000xf32, #tpu.memory_space<hbm>> -> memref<4x8x128xf32, #tpu.memory_space<hbm>>
      %dma_start3A_164 = arith.constant 0 : i32
      %dma_start3A_165 = arith.constant 0 : i32
      %dma_start3A_166 = arith.constant 0 : i32
      %dma_start3A_167 = tpu.memref_slice %arg9[%dma_start3A_155, %dma_start3A_164, %dma_start3A_165, %dma_start3A_166] : memref<16x4x8x128xf32, #tpu.memory_space<vmem>> -> memref<1x4x8x128xf32, #tpu.memory_space<vmem>>
      %dma_start3A_168 = tpu.memref_squeeze %dma_start3A_167 : memref<1x4x8x128xf32, #tpu.memory_space<vmem>> -> memref<4x8x128xf32, #tpu.memory_space<vmem>>
      %dma_start3A_169 = arith.constant 0 : i32
      %dma_start3A_170 = arith.constant 0 : i32
      %dma_start3A_171 = tpu.memref_slice %arg4[%dma_start3A_169, %dma_start3A_170, %multiple_of3A_154] : memref<4x8x1000000xf32, #tpu.memory_space<hbm>> -> memref<4x8x128xf32, #tpu.memory_space<hbm>>
      tpu.enqueue_dma source(%dma_start3A_171 : memref<4x8x128xf32, #tpu.memory_space<hbm>>) target(%dma_start3A_168 : memref<4x8x128xf32, #tpu.memory_space<vmem>>) target_semaphore(%arg12 : memref<!tpu.dma_semaphore, #tpu.memory_space<semaphore_mem>>)
      %slice3A_172 = vector.extract_strided_slice %and3A_15 {offsets = [8], sizes = [1], strides = [1]} : vector<16xi32> to vector<1xi32>
      %squeeze3A_173 = vector.extract %slice3A_172[0] : i32 from vector<1xi32>
      %multiple_of3A_174 = tpu.assume_multiple %squeeze3A_173, 128 : i32
      %dma_start3A_175 = arith.constant 8 : i32
      %dma_start3A_176 = arith.constant 0 : i32
      %dma_start3A_177 = arith.constant 0 : i32
      %dma_start3A_178 = arith.constant 0 : i32
      %dma_start3A_179 = tpu.memref_slice %arg9[%dma_start3A_175, %dma_start3A_176, %dma_start3A_177, %dma_start3A_178] : memref<16x4x8x128xf32, #tpu.memory_space<vmem>> -> memref<1x4x8x128xf32, #tpu.memory_space<vmem>>
      %dma_start3A_180 = tpu.memref_squeeze %dma_start3A_179 : memref<1x4x8x128xf32, #tpu.memory_space<vmem>> -> memref<4x8x128xf32, #tpu.memory_space<vmem>>
      %dma_start3A_181 = arith.constant 0 : i32
      %dma_start3A_182 = arith.constant 0 : i32
      %dma_start3A_183 = tpu.memref_slice %arg4[%dma_start3A_181, %dma_start3A_182, %multiple_of3A_174] : memref<4x8x1000000xf32, #tpu.memory_space<hbm>> -> memref<4x8x128xf32, #tpu.memory_space<hbm>>
      %dma_start3A_184 = arith.constant 0 : i32
      %dma_start3A_185 = arith.constant 0 : i32
      %dma_start3A_186 = arith.constant 0 : i32
      %dma_start3A_187 = tpu.memref_slice %arg9[%dma_start3A_175, %dma_start3A_184, %dma_start3A_185, %dma_start3A_186] : memref<16x4x8x128xf32, #tpu.memory_space<vmem>> -> memref<1x4x8x128xf32, #tpu.memory_space<vmem>>
      %dma_start3A_188 = tpu.memref_squeeze %dma_start3A_187 : memref<1x4x8x128xf32, #tpu.memory_space<vmem>> -> memref<4x8x128xf32, #tpu.memory_space<vmem>>
      %dma_start3A_189 = arith.constant 0 : i32
      %dma_start3A_190 = arith.constant 0 : i32
      %dma_start3A_191 = tpu.memref_slice %arg4[%dma_start3A_189, %dma_start3A_190, %multiple_of3A_174] : memref<4x8x1000000xf32, #tpu.memory_space<hbm>> -> memref<4x8x128xf32, #tpu.memory_space<hbm>>
      tpu.enqueue_dma source(%dma_start3A_191 : memref<4x8x128xf32, #tpu.memory_space<hbm>>) target(%dma_start3A_188 : memref<4x8x128xf32, #tpu.memory_space<vmem>>) target_semaphore(%arg12 : memref<!tpu.dma_semaphore, #tpu.memory_space<semaphore_mem>>)
      %slice3A_192 = vector.extract_strided_slice %and3A_15 {offsets = [9], sizes = [1], strides = [1]} : vector<16xi32> to vector<1xi32>
      %squeeze3A_193 = vector.extract %slice3A_192[0] : i32 from vector<1xi32>
      %multiple_of3A_194 = tpu.assume_multiple %squeeze3A_193, 128 : i32
      %dma_start3A_195 = arith.constant 9 : i32
      %dma_start3A_196 = arith.constant 0 : i32
      %dma_start3A_197 = arith.constant 0 : i32
      %dma_start3A_198 = arith.constant 0 : i32
      %dma_start3A_199 = tpu.memref_slice %arg9[%dma_start3A_195, %dma_start3A_196, %dma_start3A_197, %dma_start3A_198] : memref<16x4x8x128xf32, #tpu.memory_space<vmem>> -> memref<1x4x8x128xf32, #tpu.memory_space<vmem>>
      %dma_start3A_200 = tpu.memref_squeeze %dma_start3A_199 : memref<1x4x8x128xf32, #tpu.memory_space<vmem>> -> memref<4x8x128xf32, #tpu.memory_space<vmem>>
      %dma_start3A_201 = arith.constant 0 : i32
      %dma_start3A_202 = arith.constant 0 : i32
      %dma_start3A_203 = tpu.memref_slice %arg4[%dma_start3A_201, %dma_start3A_202, %multiple_of3A_194] : memref<4x8x1000000xf32, #tpu.memory_space<hbm>> -> memref<4x8x128xf32, #tpu.memory_space<hbm>>
      %dma_start3A_204 = arith.constant 0 : i32
      %dma_start3A_205 = arith.constant 0 : i32
      %dma_start3A_206 = arith.constant 0 : i32
      %dma_start3A_207 = tpu.memref_slice %arg9[%dma_start3A_195, %dma_start3A_204, %dma_start3A_205, %dma_start3A_206] : memref<16x4x8x128xf32, #tpu.memory_space<vmem>> -> memref<1x4x8x128xf32, #tpu.memory_space<vmem>>
      %dma_start3A_208 = tpu.memref_squeeze %dma_start3A_207 : memref<1x4x8x128xf32, #tpu.memory_space<vmem>> -> memref<4x8x128xf32, #tpu.memory_space<vmem>>
      %dma_start3A_209 = arith.constant 0 : i32
      %dma_start3A_210 = arith.constant 0 : i32
      %dma_start3A_211 = tpu.memref_slice %arg4[%dma_start3A_209, %dma_start3A_210, %multiple_of3A_194] : memref<4x8x1000000xf32, #tpu.memory_space<hbm>> -> memref<4x8x128xf32, #tpu.memory_space<hbm>>
      tpu.enqueue_dma source(%dma_start3A_211 : memref<4x8x128xf32, #tpu.memory_space<hbm>>) target(%dma_start3A_208 : memref<4x8x128xf32, #tpu.memory_space<vmem>>) target_semaphore(%arg12 : memref<!tpu.dma_semaphore, #tpu.memory_space<semaphore_mem>>)
      %slice3A_212 = vector.extract_strided_slice %and3A_15 {offsets = [10], sizes = [1], strides = [1]} : vector<16xi32> to vector<1xi32>
      %squeeze3A_213 = vector.extract %slice3A_212[0] : i32 from vector<1xi32>
      %multiple_of3A_214 = tpu.assume_multiple %squeeze3A_213, 128 : i32
      %dma_start3A_215 = arith.constant 10 : i32
      %dma_start3A_216 = arith.constant 0 : i32
      %dma_start3A_217 = arith.constant 0 : i32
      %dma_start3A_218 = arith.constant 0 : i32
      %dma_start3A_219 = tpu.memref_slice %arg9[%dma_start3A_215, %dma_start3A_216, %dma_start3A_217, %dma_start3A_218] : memref<16x4x8x128xf32, #tpu.memory_space<vmem>> -> memref<1x4x8x128xf32, #tpu.memory_space<vmem>>
      %dma_start3A_220 = tpu.memref_squeeze %dma_start3A_219 : memref<1x4x8x128xf32, #tpu.memory_space<vmem>> -> memref<4x8x128xf32, #tpu.memory_space<vmem>>
      %dma_start3A_221 = arith.constant 0 : i32
      %dma_start3A_222 = arith.constant 0 : i32
      %dma_start3A_223 = tpu.memref_slice %arg4[%dma_start3A_221, %dma_start3A_222, %multiple_of3A_214] : memref<4x8x1000000xf32, #tpu.memory_space<hbm>> -> memref<4x8x128xf32, #tpu.memory_space<hbm>>
      %dma_start3A_224 = arith.constant 0 : i32
      %dma_start3A_225 = arith.constant 0 : i32
      %dma_start3A_226 = arith.constant 0 : i32
      %dma_start3A_227 = tpu.memref_slice %arg9[%dma_start3A_215, %dma_start3A_224, %dma_start3A_225, %dma_start3A_226] : memref<16x4x8x128xf32, #tpu.memory_space<vmem>> -> memref<1x4x8x128xf32, #tpu.memory_space<vmem>>
      %dma_start3A_228 = tpu.memref_squeeze %dma_start3A_227 : memref<1x4x8x128xf32, #tpu.memory_space<vmem>> -> memref<4x8x128xf32, #tpu.memory_space<vmem>>
      %dma_start3A_229 = arith.constant 0 : i32
      %dma_start3A_230 = arith.constant 0 : i32
      %dma_start3A_231 = tpu.memref_slice %arg4[%dma_start3A_229, %dma_start3A_230, %multiple_of3A_214] : memref<4x8x1000000xf32, #tpu.memory_space<hbm>> -> memref<4x8x128xf32, #tpu.memory_space<hbm>>
      tpu.enqueue_dma source(%dma_start3A_231 : memref<4x8x128xf32, #tpu.memory_space<hbm>>) target(%dma_start3A_228 : memref<4x8x128xf32, #tpu.memory_space<vmem>>) target_semaphore(%arg12 : memref<!tpu.dma_semaphore, #tpu.memory_space<semaphore_mem>>)
      %slice3A_232 = vector.extract_strided_slice %and3A_15 {offsets = [11], sizes = [1], strides = [1]} : vector<16xi32> to vector<1xi32>
      %squeeze3A_233 = vector.extract %slice3A_232[0] : i32 from vector<1xi32>
      %multiple_of3A_234 = tpu.assume_multiple %squeeze3A_233, 128 : i32
      %dma_start3A_235 = arith.constant 11 : i32
      %dma_start3A_236 = arith.constant 0 : i32
      %dma_start3A_237 = arith.constant 0 : i32
      %dma_start3A_238 = arith.constant 0 : i32
      %dma_start3A_239 = tpu.memref_slice %arg9[%dma_start3A_235, %dma_start3A_236, %dma_start3A_237, %dma_start3A_238] : memref<16x4x8x128xf32, #tpu.memory_space<vmem>> -> memref<1x4x8x128xf32, #tpu.memory_space<vmem>>
      %dma_start3A_240 = tpu.memref_squeeze %dma_start3A_239 : memref<1x4x8x128xf32, #tpu.memory_space<vmem>> -> memref<4x8x128xf32, #tpu.memory_space<vmem>>
      %dma_start3A_241 = arith.constant 0 : i32
      %dma_start3A_242 = arith.constant 0 : i32
      %dma_start3A_243 = tpu.memref_slice %arg4[%dma_start3A_241, %dma_start3A_242, %multiple_of3A_234] : memref<4x8x1000000xf32, #tpu.memory_space<hbm>> -> memref<4x8x128xf32, #tpu.memory_space<hbm>>
      %dma_start3A_244 = arith.constant 0 : i32
      %dma_start3A_245 = arith.constant 0 : i32
      %dma_start3A_246 = arith.constant 0 : i32
      %dma_start3A_247 = tpu.memref_slice %arg9[%dma_start3A_235, %dma_start3A_244, %dma_start3A_245, %dma_start3A_246] : memref<16x4x8x128xf32, #tpu.memory_space<vmem>> -> memref<1x4x8x128xf32, #tpu.memory_space<vmem>>
      %dma_start3A_248 = tpu.memref_squeeze %dma_start3A_247 : memref<1x4x8x128xf32, #tpu.memory_space<vmem>> -> memref<4x8x128xf32, #tpu.memory_space<vmem>>
      %dma_start3A_249 = arith.constant 0 : i32
      %dma_start3A_250 = arith.constant 0 : i32
      %dma_start3A_251 = tpu.memref_slice %arg4[%dma_start3A_249, %dma_start3A_250, %multiple_of3A_234] : memref<4x8x1000000xf32, #tpu.memory_space<hbm>> -> memref<4x8x128xf32, #tpu.memory_space<hbm>>
      tpu.enqueue_dma source(%dma_start3A_251 : memref<4x8x128xf32, #tpu.memory_space<hbm>>) target(%dma_start3A_248 : memref<4x8x128xf32, #tpu.memory_space<vmem>>) target_semaphore(%arg12 : memref<!tpu.dma_semaphore, #tpu.memory_space<semaphore_mem>>)
      %slice3A_252 = vector.extract_strided_slice %and3A_15 {offsets = [12], sizes = [1], strides = [1]} : vector<16xi32> to vector<1xi32>
      %squeeze3A_253 = vector.extract %slice3A_252[0] : i32 from vector<1xi32>
      %multiple_of3A_254 = tpu.assume_multiple %squeeze3A_253, 128 : i32
      %dma_start3A_255 = arith.constant 12 : i32
      %dma_start3A_256 = arith.constant 0 : i32
      %dma_start3A_257 = arith.constant 0 : i32
      %dma_start3A_258 = arith.constant 0 : i32
      %dma_start3A_259 = tpu.memref_slice %arg9[%dma_start3A_255, %dma_start3A_256, %dma_start3A_257, %dma_start3A_258] : memref<16x4x8x128xf32, #tpu.memory_space<vmem>> -> memref<1x4x8x128xf32, #tpu.memory_space<vmem>>
      %dma_start3A_260 = tpu.memref_squeeze %dma_start3A_259 : memref<1x4x8x128xf32, #tpu.memory_space<vmem>> -> memref<4x8x128xf32, #tpu.memory_space<vmem>>
      %dma_start3A_261 = arith.constant 0 : i32
      %dma_start3A_262 = arith.constant 0 : i32
      %dma_start3A_263 = tpu.memref_slice %arg4[%dma_start3A_261, %dma_start3A_262, %multiple_of3A_254] : memref<4x8x1000000xf32, #tpu.memory_space<hbm>> -> memref<4x8x128xf32, #tpu.memory_space<hbm>>
      %dma_start3A_264 = arith.constant 0 : i32
      %dma_start3A_265 = arith.constant 0 : i32
      %dma_start3A_266 = arith.constant 0 : i32
      %dma_start3A_267 = tpu.memref_slice %arg9[%dma_start3A_255, %dma_start3A_264, %dma_start3A_265, %dma_start3A_266] : memref<16x4x8x128xf32, #tpu.memory_space<vmem>> -> memref<1x4x8x128xf32, #tpu.memory_space<vmem>>
      %dma_start3A_268 = tpu.memref_squeeze %dma_start3A_267 : memref<1x4x8x128xf32, #tpu.memory_space<vmem>> -> memref<4x8x128xf32, #tpu.memory_space<vmem>>
      %dma_start3A_269 = arith.constant 0 : i32
      %dma_start3A_270 = arith.constant 0 : i32
      %dma_start3A_271 = tpu.memref_slice %arg4[%dma_start3A_269, %dma_start3A_270, %multiple_of3A_254] : memref<4x8x1000000xf32, #tpu.memory_space<hbm>> -> memref<4x8x128xf32, #tpu.memory_space<hbm>>
      tpu.enqueue_dma source(%dma_start3A_271 : memref<4x8x128xf32, #tpu.memory_space<hbm>>) target(%dma_start3A_268 : memref<4x8x128xf32, #tpu.memory_space<vmem>>) target_semaphore(%arg12 : memref<!tpu.dma_semaphore, #tpu.memory_space<semaphore_mem>>)
      %slice3A_272 = vector.extract_strided_slice %and3A_15 {offsets = [13], sizes = [1], strides = [1]} : vector<16xi32> to vector<1xi32>
      %squeeze3A_273 = vector.extract %slice3A_272[0] : i32 from vector<1xi32>
      %multiple_of3A_274 = tpu.assume_multiple %squeeze3A_273, 128 : i32
      %dma_start3A_275 = arith.constant 13 : i32
      %dma_start3A_276 = arith.constant 0 : i32
      %dma_start3A_277 = arith.constant 0 : i32
      %dma_start3A_278 = arith.constant 0 : i32
      %dma_start3A_279 = tpu.memref_slice %arg9[%dma_start3A_275, %dma_start3A_276, %dma_start3A_277, %dma_start3A_278] : memref<16x4x8x128xf32, #tpu.memory_space<vmem>> -> memref<1x4x8x128xf32, #tpu.memory_space<vmem>>
      %dma_start3A_280 = tpu.memref_squeeze %dma_start3A_279 : memref<1x4x8x128xf32, #tpu.memory_space<vmem>> -> memref<4x8x128xf32, #tpu.memory_space<vmem>>
      %dma_start3A_281 = arith.constant 0 : i32
      %dma_start3A_282 = arith.constant 0 : i32
      %dma_start3A_283 = tpu.memref_slice %arg4[%dma_start3A_281, %dma_start3A_282, %multiple_of3A_274] : memref<4x8x1000000xf32, #tpu.memory_space<hbm>> -> memref<4x8x128xf32, #tpu.memory_space<hbm>>
      %dma_start3A_284 = arith.constant 0 : i32
      %dma_start3A_285 = arith.constant 0 : i32
      %dma_start3A_286 = arith.constant 0 : i32
      %dma_start3A_287 = tpu.memref_slice %arg9[%dma_start3A_275, %dma_start3A_284, %dma_start3A_285, %dma_start3A_286] : memref<16x4x8x128xf32, #tpu.memory_space<vmem>> -> memref<1x4x8x128xf32, #tpu.memory_space<vmem>>
      %dma_start3A_288 = tpu.memref_squeeze %dma_start3A_287 : memref<1x4x8x128xf32, #tpu.memory_space<vmem>> -> memref<4x8x128xf32, #tpu.memory_space<vmem>>
      %dma_start3A_289 = arith.constant 0 : i32
      %dma_start3A_290 = arith.constant 0 : i32
      %dma_start3A_291 = tpu.memref_slice %arg4[%dma_start3A_289, %dma_start3A_290, %multiple_of3A_274] : memref<4x8x1000000xf32, #tpu.memory_space<hbm>> -> memref<4x8x128xf32, #tpu.memory_space<hbm>>
      tpu.enqueue_dma source(%dma_start3A_291 : memref<4x8x128xf32, #tpu.memory_space<hbm>>) target(%dma_start3A_288 : memref<4x8x128xf32, #tpu.memory_space<vmem>>) target_semaphore(%arg12 : memref<!tpu.dma_semaphore, #tpu.memory_space<semaphore_mem>>)
      %slice3A_292 = vector.extract_strided_slice %and3A_15 {offsets = [14], sizes = [1], strides = [1]} : vector<16xi32> to vector<1xi32>
      %squeeze3A_293 = vector.extract %slice3A_292[0] : i32 from vector<1xi32>
      %multiple_of3A_294 = tpu.assume_multiple %squeeze3A_293, 128 : i32
      %dma_start3A_295 = arith.constant 14 : i32
      %dma_start3A_296 = arith.constant 0 : i32
      %dma_start3A_297 = arith.constant 0 : i32
      %dma_start3A_298 = arith.constant 0 : i32
      %dma_start3A_299 = tpu.memref_slice %arg9[%dma_start3A_295, %dma_start3A_296, %dma_start3A_297, %dma_start3A_298] : memref<16x4x8x128xf32, #tpu.memory_space<vmem>> -> memref<1x4x8x128xf32, #tpu.memory_space<vmem>>
      %dma_start3A_300 = tpu.memref_squeeze %dma_start3A_299 : memref<1x4x8x128xf32, #tpu.memory_space<vmem>> -> memref<4x8x128xf32, #tpu.memory_space<vmem>>
      %dma_start3A_301 = arith.constant 0 : i32
      %dma_start3A_302 = arith.constant 0 : i32
      %dma_start3A_303 = tpu.memref_slice %arg4[%dma_start3A_301, %dma_start3A_302, %multiple_of3A_294] : memref<4x8x1000000xf32, #tpu.memory_space<hbm>> -> memref<4x8x128xf32, #tpu.memory_space<hbm>>
      %dma_start3A_304 = arith.constant 0 : i32
      %dma_start3A_305 = arith.constant 0 : i32
      %dma_start3A_306 = arith.constant 0 : i32
      %dma_start3A_307 = tpu.memref_slice %arg9[%dma_start3A_295, %dma_start3A_304, %dma_start3A_305, %dma_start3A_306] : memref<16x4x8x128xf32, #tpu.memory_space<vmem>> -> memref<1x4x8x128xf32, #tpu.memory_space<vmem>>
      %dma_start3A_308 = tpu.memref_squeeze %dma_start3A_307 : memref<1x4x8x128xf32, #tpu.memory_space<vmem>> -> memref<4x8x128xf32, #tpu.memory_space<vmem>>
      %dma_start3A_309 = arith.constant 0 : i32
      %dma_start3A_310 = arith.constant 0 : i32
      %dma_start3A_311 = tpu.memref_slice %arg4[%dma_start3A_309, %dma_start3A_310, %multiple_of3A_294] : memref<4x8x1000000xf32, #tpu.memory_space<hbm>> -> memref<4x8x128xf32, #tpu.memory_space<hbm>>
      tpu.enqueue_dma source(%dma_start3A_311 : memref<4x8x128xf32, #tpu.memory_space<hbm>>) target(%dma_start3A_308 : memref<4x8x128xf32, #tpu.memory_space<vmem>>) target_semaphore(%arg12 : memref<!tpu.dma_semaphore, #tpu.memory_space<semaphore_mem>>)
      %slice3A_312 = vector.extract_strided_slice %and3A_15 {offsets = [15], sizes = [1], strides = [1]} : vector<16xi32> to vector<1xi32>
      %squeeze3A_313 = vector.extract %slice3A_312[0] : i32 from vector<1xi32>
      %multiple_of3A_314 = tpu.assume_multiple %squeeze3A_313, 128 : i32
      %dma_start3A_315 = arith.constant 15 : i32
      %dma_start3A_316 = arith.constant 0 : i32
      %dma_start3A_317 = arith.constant 0 : i32
      %dma_start3A_318 = arith.constant 0 : i32
      %dma_start3A_319 = tpu.memref_slice %arg9[%dma_start3A_315, %dma_start3A_316, %dma_start3A_317, %dma_start3A_318] : memref<16x4x8x128xf32, #tpu.memory_space<vmem>> -> memref<1x4x8x128xf32, #tpu.memory_space<vmem>>
      %dma_start3A_320 = tpu.memref_squeeze %dma_start3A_319 : memref<1x4x8x128xf32, #tpu.memory_space<vmem>> -> memref<4x8x128xf32, #tpu.memory_space<vmem>>
      %dma_start3A_321 = arith.constant 0 : i32
      %dma_start3A_322 = arith.constant 0 : i32
      %dma_start3A_323 = tpu.memref_slice %arg4[%dma_start3A_321, %dma_start3A_322, %multiple_of3A_314] : memref<4x8x1000000xf32, #tpu.memory_space<hbm>> -> memref<4x8x128xf32, #tpu.memory_space<hbm>>
      %dma_start3A_324 = arith.constant 0 : i32
      %dma_start3A_325 = arith.constant 0 : i32
      %dma_start3A_326 = arith.constant 0 : i32
      %dma_start3A_327 = tpu.memref_slice %arg9[%dma_start3A_315, %dma_start3A_324, %dma_start3A_325, %dma_start3A_326] : memref<16x4x8x128xf32, #tpu.memory_space<vmem>> -> memref<1x4x8x128xf32, #tpu.memory_space<vmem>>
      %dma_start3A_328 = tpu.memref_squeeze %dma_start3A_327 : memref<1x4x8x128xf32, #tpu.memory_space<vmem>> -> memref<4x8x128xf32, #tpu.memory_space<vmem>>
      %dma_start3A_329 = arith.constant 0 : i32
      %dma_start3A_330 = arith.constant 0 : i32
      %dma_start3A_331 = tpu.memref_slice %arg4[%dma_start3A_329, %dma_start3A_330, %multiple_of3A_314] : memref<4x8x1000000xf32, #tpu.memory_space<hbm>> -> memref<4x8x128xf32, #tpu.memory_space<hbm>>
      tpu.enqueue_dma source(%dma_start3A_331 : memref<4x8x128xf32, #tpu.memory_space<hbm>>) target(%dma_start3A_328 : memref<4x8x128xf32, #tpu.memory_space<vmem>>) target_semaphore(%arg12 : memref<!tpu.dma_semaphore, #tpu.memory_space<semaphore_mem>>)
      %dma_wait3A = arith.constant 0 : i32
      %dma_wait3A_332 = arith.constant 0 : i32
      %dma_wait3A_333 = arith.constant 0 : i32
      %dma_wait3A_334 = arith.constant 0 : i32
      %dma_wait3A_335 = tpu.memref_slice %arg9[%dma_wait3A, %dma_wait3A_332, %dma_wait3A_333, %dma_wait3A_334] : memref<16x4x8x128xf32, #tpu.memory_space<vmem>> -> memref<1x4x8x128xf32, #tpu.memory_space<vmem>>
      %dma_wait3A_336 = tpu.memref_squeeze %dma_wait3A_335 : memref<1x4x8x128xf32, #tpu.memory_space<vmem>> -> memref<4x8x128xf32, #tpu.memory_space<vmem>>
      %dma_wait3A_337 = arith.constant 0 : i32
      %dma_wait3A_338 = arith.constant 0 : i32
      %dma_wait3A_339 = tpu.memref_slice %arg4[%dma_wait3A_337, %dma_wait3A_338, %multiple_of3A] : memref<4x8x1000000xf32, #tpu.memory_space<hbm>> -> memref<4x8x128xf32, #tpu.memory_space<hbm>>
      %dma_wait3A_340 = arith.constant 0 : i32
      %dma_wait3A_341 = arith.constant 0 : i32
      %dma_wait3A_342 = arith.constant 0 : i32
      %dma_wait3A_343 = tpu.memref_slice %arg9[%dma_wait3A, %dma_wait3A_340, %dma_wait3A_341, %dma_wait3A_342] : memref<16x4x8x128xf32, #tpu.memory_space<vmem>> -> memref<1x4x8x128xf32, #tpu.memory_space<vmem>>
      %dma_wait3A_344 = tpu.memref_squeeze %dma_wait3A_343 : memref<1x4x8x128xf32, #tpu.memory_space<vmem>> -> memref<4x8x128xf32, #tpu.memory_space<vmem>>
      %dma_wait3A_345 = arith.constant 0 : i32
      %dma_wait3A_346 = arith.constant 0 : i32
      %dma_wait3A_347 = tpu.memref_slice %arg4[%dma_wait3A_345, %dma_wait3A_346, %multiple_of3A] : memref<4x8x1000000xf32, #tpu.memory_space<hbm>> -> memref<4x8x128xf32, #tpu.memory_space<hbm>>
      tpu.wait_dma2 semaphore(%arg12 : memref<!tpu.dma_semaphore, #tpu.memory_space<semaphore_mem>>) src(%dma_wait3A_347 : memref<4x8x128xf32, #tpu.memory_space<hbm>>) dst(%dma_wait3A_344 : memref<4x8x128xf32, #tpu.memory_space<vmem>>)
      %dma_wait3A_348 = arith.constant 1 : i32
      %dma_wait3A_349 = arith.constant 0 : i32
      %dma_wait3A_350 = arith.constant 0 : i32
      %dma_wait3A_351 = arith.constant 0 : i32
      %dma_wait3A_352 = tpu.memref_slice %arg9[%dma_wait3A_348, %dma_wait3A_349, %dma_wait3A_350, %dma_wait3A_351] : memref<16x4x8x128xf32, #tpu.memory_space<vmem>> -> memref<1x4x8x128xf32, #tpu.memory_space<vmem>>
      %dma_wait3A_353 = tpu.memref_squeeze %dma_wait3A_352 : memref<1x4x8x128xf32, #tpu.memory_space<vmem>> -> memref<4x8x128xf32, #tpu.memory_space<vmem>>
      %dma_wait3A_354 = arith.constant 0 : i32
      %dma_wait3A_355 = arith.constant 0 : i32
      %dma_wait3A_356 = tpu.memref_slice %arg4[%dma_wait3A_354, %dma_wait3A_355, %multiple_of3A_34] : memref<4x8x1000000xf32, #tpu.memory_space<hbm>> -> memref<4x8x128xf32, #tpu.memory_space<hbm>>
      %dma_wait3A_357 = arith.constant 0 : i32
      %dma_wait3A_358 = arith.constant 0 : i32
      %dma_wait3A_359 = arith.constant 0 : i32
      %dma_wait3A_360 = tpu.memref_slice %arg9[%dma_wait3A_348, %dma_wait3A_357, %dma_wait3A_358, %dma_wait3A_359] : memref<16x4x8x128xf32, #tpu.memory_space<vmem>> -> memref<1x4x8x128xf32, #tpu.memory_space<vmem>>
      %dma_wait3A_361 = tpu.memref_squeeze %dma_wait3A_360 : memref<1x4x8x128xf32, #tpu.memory_space<vmem>> -> memref<4x8x128xf32, #tpu.memory_space<vmem>>
      %dma_wait3A_362 = arith.constant 0 : i32
      %dma_wait3A_363 = arith.constant 0 : i32
      %dma_wait3A_364 = tpu.memref_slice %arg4[%dma_wait3A_362, %dma_wait3A_363, %multiple_of3A_34] : memref<4x8x1000000xf32, #tpu.memory_space<hbm>> -> memref<4x8x128xf32, #tpu.memory_space<hbm>>
      tpu.wait_dma2 semaphore(%arg12 : memref<!tpu.dma_semaphore, #tpu.memory_space<semaphore_mem>>) src(%dma_wait3A_364 : memref<4x8x128xf32, #tpu.memory_space<hbm>>) dst(%dma_wait3A_361 : memref<4x8x128xf32, #tpu.memory_space<vmem>>)
      %dma_wait3A_365 = arith.constant 2 : i32
      %dma_wait3A_366 = arith.constant 0 : i32
      %dma_wait3A_367 = arith.constant 0 : i32
      %dma_wait3A_368 = arith.constant 0 : i32
      %dma_wait3A_369 = tpu.memref_slice %arg9[%dma_wait3A_365, %dma_wait3A_366, %dma_wait3A_367, %dma_wait3A_368] : memref<16x4x8x128xf32, #tpu.memory_space<vmem>> -> memref<1x4x8x128xf32, #tpu.memory_space<vmem>>
      %dma_wait3A_370 = tpu.memref_squeeze %dma_wait3A_369 : memref<1x4x8x128xf32, #tpu.memory_space<vmem>> -> memref<4x8x128xf32, #tpu.memory_space<vmem>>
      %dma_wait3A_371 = arith.constant 0 : i32
      %dma_wait3A_372 = arith.constant 0 : i32
      %dma_wait3A_373 = tpu.memref_slice %arg4[%dma_wait3A_371, %dma_wait3A_372, %multiple_of3A_54] : memref<4x8x1000000xf32, #tpu.memory_space<hbm>> -> memref<4x8x128xf32, #tpu.memory_space<hbm>>
      %dma_wait3A_374 = arith.constant 0 : i32
      %dma_wait3A_375 = arith.constant 0 : i32
      %dma_wait3A_376 = arith.constant 0 : i32
      %dma_wait3A_377 = tpu.memref_slice %arg9[%dma_wait3A_365, %dma_wait3A_374, %dma_wait3A_375, %dma_wait3A_376] : memref<16x4x8x128xf32, #tpu.memory_space<vmem>> -> memref<1x4x8x128xf32, #tpu.memory_space<vmem>>
      %dma_wait3A_378 = tpu.memref_squeeze %dma_wait3A_377 : memref<1x4x8x128xf32, #tpu.memory_space<vmem>> -> memref<4x8x128xf32, #tpu.memory_space<vmem>>
      %dma_wait3A_379 = arith.constant 0 : i32
      %dma_wait3A_380 = arith.constant 0 : i32
      %dma_wait3A_381 = tpu.memref_slice %arg4[%dma_wait3A_379, %dma_wait3A_380, %multiple_of3A_54] : memref<4x8x1000000xf32, #tpu.memory_space<hbm>> -> memref<4x8x128xf32, #tpu.memory_space<hbm>>
      tpu.wait_dma2 semaphore(%arg12 : memref<!tpu.dma_semaphore, #tpu.memory_space<semaphore_mem>>) src(%dma_wait3A_381 : memref<4x8x128xf32, #tpu.memory_space<hbm>>) dst(%dma_wait3A_378 : memref<4x8x128xf32, #tpu.memory_space<vmem>>)
      %dma_wait3A_382 = arith.constant 3 : i32
      %dma_wait3A_383 = arith.constant 0 : i32
      %dma_wait3A_384 = arith.constant 0 : i32
      %dma_wait3A_385 = arith.constant 0 : i32
      %dma_wait3A_386 = tpu.memref_slice %arg9[%dma_wait3A_382, %dma_wait3A_383, %dma_wait3A_384, %dma_wait3A_385] : memref<16x4x8x128xf32, #tpu.memory_space<vmem>> -> memref<1x4x8x128xf32, #tpu.memory_space<vmem>>
      %dma_wait3A_387 = tpu.memref_squeeze %dma_wait3A_386 : memref<1x4x8x128xf32, #tpu.memory_space<vmem>> -> memref<4x8x128xf32, #tpu.memory_space<vmem>>
      %dma_wait3A_388 = arith.constant 0 : i32
      %dma_wait3A_389 = arith.constant 0 : i32
      %dma_wait3A_390 = tpu.memref_slice %arg4[%dma_wait3A_388, %dma_wait3A_389, %multiple_of3A_74] : memref<4x8x1000000xf32, #tpu.memory_space<hbm>> -> memref<4x8x128xf32, #tpu.memory_space<hbm>>
      %dma_wait3A_391 = arith.constant 0 : i32
      %dma_wait3A_392 = arith.constant 0 : i32
      %dma_wait3A_393 = arith.constant 0 : i32
      %dma_wait3A_394 = tpu.memref_slice %arg9[%dma_wait3A_382, %dma_wait3A_391, %dma_wait3A_392, %dma_wait3A_393] : memref<16x4x8x128xf32, #tpu.memory_space<vmem>> -> memref<1x4x8x128xf32, #tpu.memory_space<vmem>>
      %dma_wait3A_395 = tpu.memref_squeeze %dma_wait3A_394 : memref<1x4x8x128xf32, #tpu.memory_space<vmem>> -> memref<4x8x128xf32, #tpu.memory_space<vmem>>
      %dma_wait3A_396 = arith.constant 0 : i32
      %dma_wait3A_397 = arith.constant 0 : i32
      %dma_wait3A_398 = tpu.memref_slice %arg4[%dma_wait3A_396, %dma_wait3A_397, %multiple_of3A_74] : memref<4x8x1000000xf32, #tpu.memory_space<hbm>> -> memref<4x8x128xf32, #tpu.memory_space<hbm>>
      tpu.wait_dma2 semaphore(%arg12 : memref<!tpu.dma_semaphore, #tpu.memory_space<semaphore_mem>>) src(%dma_wait3A_398 : memref<4x8x128xf32, #tpu.memory_space<hbm>>) dst(%dma_wait3A_395 : memref<4x8x128xf32, #tpu.memory_space<vmem>>)
      %dma_wait3A_399 = arith.constant 4 : i32
      %dma_wait3A_400 = arith.constant 0 : i32
      %dma_wait3A_401 = arith.constant 0 : i32
      %dma_wait3A_402 = arith.constant 0 : i32
      %dma_wait3A_403 = tpu.memref_slice %arg9[%dma_wait3A_399, %dma_wait3A_400, %dma_wait3A_401, %dma_wait3A_402] : memref<16x4x8x128xf32, #tpu.memory_space<vmem>> -> memref<1x4x8x128xf32, #tpu.memory_space<vmem>>
      %dma_wait3A_404 = tpu.memref_squeeze %dma_wait3A_403 : memref<1x4x8x128xf32, #tpu.memory_space<vmem>> -> memref<4x8x128xf32, #tpu.memory_space<vmem>>
      %dma_wait3A_405 = arith.constant 0 : i32
      %dma_wait3A_406 = arith.constant 0 : i32
      %dma_wait3A_407 = tpu.memref_slice %arg4[%dma_wait3A_405, %dma_wait3A_406, %multiple_of3A_94] : memref<4x8x1000000xf32, #tpu.memory_space<hbm>> -> memref<4x8x128xf32, #tpu.memory_space<hbm>>
      %dma_wait3A_408 = arith.constant 0 : i32
      %dma_wait3A_409 = arith.constant 0 : i32
      %dma_wait3A_410 = arith.constant 0 : i32
      %dma_wait3A_411 = tpu.memref_slice %arg9[%dma_wait3A_399, %dma_wait3A_408, %dma_wait3A_409, %dma_wait3A_410] : memref<16x4x8x128xf32, #tpu.memory_space<vmem>> -> memref<1x4x8x128xf32, #tpu.memory_space<vmem>>
      %dma_wait3A_412 = tpu.memref_squeeze %dma_wait3A_411 : memref<1x4x8x128xf32, #tpu.memory_space<vmem>> -> memref<4x8x128xf32, #tpu.memory_space<vmem>>
      %dma_wait3A_413 = arith.constant 0 : i32
      %dma_wait3A_414 = arith.constant 0 : i32
      %dma_wait3A_415 = tpu.memref_slice %arg4[%dma_wait3A_413, %dma_wait3A_414, %multiple_of3A_94] : memref<4x8x1000000xf32, #tpu.memory_space<hbm>> -> memref<4x8x128xf32, #tpu.memory_space<hbm>>
      tpu.wait_dma2 semaphore(%arg12 : memref<!tpu.dma_semaphore, #tpu.memory_space<semaphore_mem>>) src(%dma_wait3A_415 : memref<4x8x128xf32, #tpu.memory_space<hbm>>) dst(%dma_wait3A_412 : memref<4x8x128xf32, #tpu.memory_space<vmem>>)
      %dma_wait3A_416 = arith.constant 5 : i32
      %dma_wait3A_417 = arith.constant 0 : i32
      %dma_wait3A_418 = arith.constant 0 : i32
      %dma_wait3A_419 = arith.constant 0 : i32
      %dma_wait3A_420 = tpu.memref_slice %arg9[%dma_wait3A_416, %dma_wait3A_417, %dma_wait3A_418, %dma_wait3A_419] : memref<16x4x8x128xf32, #tpu.memory_space<vmem>> -> memref<1x4x8x128xf32, #tpu.memory_space<vmem>>
      %dma_wait3A_421 = tpu.memref_squeeze %dma_wait3A_420 : memref<1x4x8x128xf32, #tpu.memory_space<vmem>> -> memref<4x8x128xf32, #tpu.memory_space<vmem>>
      %dma_wait3A_422 = arith.constant 0 : i32
      %dma_wait3A_423 = arith.constant 0 : i32
      %dma_wait3A_424 = tpu.memref_slice %arg4[%dma_wait3A_422, %dma_wait3A_423, %multiple_of3A_114] : memref<4x8x1000000xf32, #tpu.memory_space<hbm>> -> memref<4x8x128xf32, #tpu.memory_space<hbm>>
      %dma_wait3A_425 = arith.constant 0 : i32
      %dma_wait3A_426 = arith.constant 0 : i32
      %dma_wait3A_427 = arith.constant 0 : i32
      %dma_wait3A_428 = tpu.memref_slice %arg9[%dma_wait3A_416, %dma_wait3A_425, %dma_wait3A_426, %dma_wait3A_427] : memref<16x4x8x128xf32, #tpu.memory_space<vmem>> -> memref<1x4x8x128xf32, #tpu.memory_space<vmem>>
      %dma_wait3A_429 = tpu.memref_squeeze %dma_wait3A_428 : memref<1x4x8x128xf32, #tpu.memory_space<vmem>> -> memref<4x8x128xf32, #tpu.memory_space<vmem>>
      %dma_wait3A_430 = arith.constant 0 : i32
      %dma_wait3A_431 = arith.constant 0 : i32
      %dma_wait3A_432 = tpu.memref_slice %arg4[%dma_wait3A_430, %dma_wait3A_431, %multiple_of3A_114] : memref<4x8x1000000xf32, #tpu.memory_space<hbm>> -> memref<4x8x128xf32, #tpu.memory_space<hbm>>
      tpu.wait_dma2 semaphore(%arg12 : memref<!tpu.dma_semaphore, #tpu.memory_space<semaphore_mem>>) src(%dma_wait3A_432 : memref<4x8x128xf32, #tpu.memory_space<hbm>>) dst(%dma_wait3A_429 : memref<4x8x128xf32, #tpu.memory_space<vmem>>)
      %dma_wait3A_433 = arith.constant 6 : i32
      %dma_wait3A_434 = arith.constant 0 : i32
      %dma_wait3A_435 = arith.constant 0 : i32
      %dma_wait3A_436 = arith.constant 0 : i32
      %dma_wait3A_437 = tpu.memref_slice %arg9[%dma_wait3A_433, %dma_wait3A_434, %dma_wait3A_435, %dma_wait3A_436] : memref<16x4x8x128xf32, #tpu.memory_space<vmem>> -> memref<1x4x8x128xf32, #tpu.memory_space<vmem>>
      %dma_wait3A_438 = tpu.memref_squeeze %dma_wait3A_437 : memref<1x4x8x128xf32, #tpu.memory_space<vmem>> -> memref<4x8x128xf32, #tpu.memory_space<vmem>>
      %dma_wait3A_439 = arith.constant 0 : i32
      %dma_wait3A_440 = arith.constant 0 : i32
      %dma_wait3A_441 = tpu.memref_slice %arg4[%dma_wait3A_439, %dma_wait3A_440, %multiple_of3A_134] : memref<4x8x1000000xf32, #tpu.memory_space<hbm>> -> memref<4x8x128xf32, #tpu.memory_space<hbm>>
      %dma_wait3A_442 = arith.constant 0 : i32
      %dma_wait3A_443 = arith.constant 0 : i32
      %dma_wait3A_444 = arith.constant 0 : i32
      %dma_wait3A_445 = tpu.memref_slice %arg9[%dma_wait3A_433, %dma_wait3A_442, %dma_wait3A_443, %dma_wait3A_444] : memref<16x4x8x128xf32, #tpu.memory_space<vmem>> -> memref<1x4x8x128xf32, #tpu.memory_space<vmem>>
      %dma_wait3A_446 = tpu.memref_squeeze %dma_wait3A_445 : memref<1x4x8x128xf32, #tpu.memory_space<vmem>> -> memref<4x8x128xf32, #tpu.memory_space<vmem>>
      %dma_wait3A_447 = arith.constant 0 : i32
      %dma_wait3A_448 = arith.constant 0 : i32
      %dma_wait3A_449 = tpu.memref_slice %arg4[%dma_wait3A_447, %dma_wait3A_448, %multiple_of3A_134] : memref<4x8x1000000xf32, #tpu.memory_space<hbm>> -> memref<4x8x128xf32, #tpu.memory_space<hbm>>
      tpu.wait_dma2 semaphore(%arg12 : memref<!tpu.dma_semaphore, #tpu.memory_space<semaphore_mem>>) src(%dma_wait3A_449 : memref<4x8x128xf32, #tpu.memory_space<hbm>>) dst(%dma_wait3A_446 : memref<4x8x128xf32, #tpu.memory_space<vmem>>)
      %dma_wait3A_450 = arith.constant 7 : i32
      %dma_wait3A_451 = arith.constant 0 : i32
      %dma_wait3A_452 = arith.constant 0 : i32
      %dma_wait3A_453 = arith.constant 0 : i32
      %dma_wait3A_454 = tpu.memref_slice %arg9[%dma_wait3A_450, %dma_wait3A_451, %dma_wait3A_452, %dma_wait3A_453] : memref<16x4x8x128xf32, #tpu.memory_space<vmem>> -> memref<1x4x8x128xf32, #tpu.memory_space<vmem>>
      %dma_wait3A_455 = tpu.memref_squeeze %dma_wait3A_454 : memref<1x4x8x128xf32, #tpu.memory_space<vmem>> -> memref<4x8x128xf32, #tpu.memory_space<vmem>>
      %dma_wait3A_456 = arith.constant 0 : i32
      %dma_wait3A_457 = arith.constant 0 : i32
      %dma_wait3A_458 = tpu.memref_slice %arg4[%dma_wait3A_456, %dma_wait3A_457, %multiple_of3A_154] : memref<4x8x1000000xf32, #tpu.memory_space<hbm>> -> memref<4x8x128xf32, #tpu.memory_space<hbm>>
      %dma_wait3A_459 = arith.constant 0 : i32
      %dma_wait3A_460 = arith.constant 0 : i32
      %dma_wait3A_461 = arith.constant 0 : i32
      %dma_wait3A_462 = tpu.memref_slice %arg9[%dma_wait3A_450, %dma_wait3A_459, %dma_wait3A_460, %dma_wait3A_461] : memref<16x4x8x128xf32, #tpu.memory_space<vmem>> -> memref<1x4x8x128xf32, #tpu.memory_space<vmem>>
      %dma_wait3A_463 = tpu.memref_squeeze %dma_wait3A_462 : memref<1x4x8x128xf32, #tpu.memory_space<vmem>> -> memref<4x8x128xf32, #tpu.memory_space<vmem>>
      %dma_wait3A_464 = arith.constant 0 : i32
      %dma_wait3A_465 = arith.constant 0 : i32
      %dma_wait3A_466 = tpu.memref_slice %arg4[%dma_wait3A_464, %dma_wait3A_465, %multiple_of3A_154] : memref<4x8x1000000xf32, #tpu.memory_space<hbm>> -> memref<4x8x128xf32, #tpu.memory_space<hbm>>
      tpu.wait_dma2 semaphore(%arg12 : memref<!tpu.dma_semaphore, #tpu.memory_space<semaphore_mem>>) src(%dma_wait3A_466 : memref<4x8x128xf32, #tpu.memory_space<hbm>>) dst(%dma_wait3A_463 : memref<4x8x128xf32, #tpu.memory_space<vmem>>)
      %dma_wait3A_467 = arith.constant 8 : i32
      %dma_wait3A_468 = arith.constant 0 : i32
      %dma_wait3A_469 = arith.constant 0 : i32
      %dma_wait3A_470 = arith.constant 0 : i32
      %dma_wait3A_471 = tpu.memref_slice %arg9[%dma_wait3A_467, %dma_wait3A_468, %dma_wait3A_469, %dma_wait3A_470] : memref<16x4x8x128xf32, #tpu.memory_space<vmem>> -> memref<1x4x8x128xf32, #tpu.memory_space<vmem>>
      %dma_wait3A_472 = tpu.memref_squeeze %dma_wait3A_471 : memref<1x4x8x128xf32, #tpu.memory_space<vmem>> -> memref<4x8x128xf32, #tpu.memory_space<vmem>>
      %dma_wait3A_473 = arith.constant 0 : i32
      %dma_wait3A_474 = arith.constant 0 : i32
      %dma_wait3A_475 = tpu.memref_slice %arg4[%dma_wait3A_473, %dma_wait3A_474, %multiple_of3A_174] : memref<4x8x1000000xf32, #tpu.memory_space<hbm>> -> memref<4x8x128xf32, #tpu.memory_space<hbm>>
      %dma_wait3A_476 = arith.constant 0 : i32
      %dma_wait3A_477 = arith.constant 0 : i32
      %dma_wait3A_478 = arith.constant 0 : i32
      %dma_wait3A_479 = tpu.memref_slice %arg9[%dma_wait3A_467, %dma_wait3A_476, %dma_wait3A_477, %dma_wait3A_478] : memref<16x4x8x128xf32, #tpu.memory_space<vmem>> -> memref<1x4x8x128xf32, #tpu.memory_space<vmem>>
      %dma_wait3A_480 = tpu.memref_squeeze %dma_wait3A_479 : memref<1x4x8x128xf32, #tpu.memory_space<vmem>> -> memref<4x8x128xf32, #tpu.memory_space<vmem>>
      %dma_wait3A_481 = arith.constant 0 : i32
      %dma_wait3A_482 = arith.constant 0 : i32
      %dma_wait3A_483 = tpu.memref_slice %arg4[%dma_wait3A_481, %dma_wait3A_482, %multiple_of3A_174] : memref<4x8x1000000xf32, #tpu.memory_space<hbm>> -> memref<4x8x128xf32, #tpu.memory_space<hbm>>
      tpu.wait_dma2 semaphore(%arg12 : memref<!tpu.dma_semaphore, #tpu.memory_space<semaphore_mem>>) src(%dma_wait3A_483 : memref<4x8x128xf32, #tpu.memory_space<hbm>>) dst(%dma_wait3A_480 : memref<4x8x128xf32, #tpu.memory_space<vmem>>)
      %dma_wait3A_484 = arith.constant 9 : i32
      %dma_wait3A_485 = arith.constant 0 : i32
      %dma_wait3A_486 = arith.constant 0 : i32
      %dma_wait3A_487 = arith.constant 0 : i32
      %dma_wait3A_488 = tpu.memref_slice %arg9[%dma_wait3A_484, %dma_wait3A_485, %dma_wait3A_486, %dma_wait3A_487] : memref<16x4x8x128xf32, #tpu.memory_space<vmem>> -> memref<1x4x8x128xf32, #tpu.memory_space<vmem>>
      %dma_wait3A_489 = tpu.memref_squeeze %dma_wait3A_488 : memref<1x4x8x128xf32, #tpu.memory_space<vmem>> -> memref<4x8x128xf32, #tpu.memory_space<vmem>>
      %dma_wait3A_490 = arith.constant 0 : i32
      %dma_wait3A_491 = arith.constant 0 : i32
      %dma_wait3A_492 = tpu.memref_slice %arg4[%dma_wait3A_490, %dma_wait3A_491, %multiple_of3A_194] : memref<4x8x1000000xf32, #tpu.memory_space<hbm>> -> memref<4x8x128xf32, #tpu.memory_space<hbm>>
      %dma_wait3A_493 = arith.constant 0 : i32
      %dma_wait3A_494 = arith.constant 0 : i32
      %dma_wait3A_495 = arith.constant 0 : i32
      %dma_wait3A_496 = tpu.memref_slice %arg9[%dma_wait3A_484, %dma_wait3A_493, %dma_wait3A_494, %dma_wait3A_495] : memref<16x4x8x128xf32, #tpu.memory_space<vmem>> -> memref<1x4x8x128xf32, #tpu.memory_space<vmem>>
      %dma_wait3A_497 = tpu.memref_squeeze %dma_wait3A_496 : memref<1x4x8x128xf32, #tpu.memory_space<vmem>> -> memref<4x8x128xf32, #tpu.memory_space<vmem>>
      %dma_wait3A_498 = arith.constant 0 : i32
      %dma_wait3A_499 = arith.constant 0 : i32
      %dma_wait3A_500 = tpu.memref_slice %arg4[%dma_wait3A_498, %dma_wait3A_499, %multiple_of3A_194] : memref<4x8x1000000xf32, #tpu.memory_space<hbm>> -> memref<4x8x128xf32, #tpu.memory_space<hbm>>
      tpu.wait_dma2 semaphore(%arg12 : memref<!tpu.dma_semaphore, #tpu.memory_space<semaphore_mem>>) src(%dma_wait3A_500 : memref<4x8x128xf32, #tpu.memory_space<hbm>>) dst(%dma_wait3A_497 : memref<4x8x128xf32, #tpu.memory_space<vmem>>)
      %dma_wait3A_501 = arith.constant 10 : i32
      %dma_wait3A_502 = arith.constant 0 : i32
      %dma_wait3A_503 = arith.constant 0 : i32
      %dma_wait3A_504 = arith.constant 0 : i32
      %dma_wait3A_505 = tpu.memref_slice %arg9[%dma_wait3A_501, %dma_wait3A_502, %dma_wait3A_503, %dma_wait3A_504] : memref<16x4x8x128xf32, #tpu.memory_space<vmem>> -> memref<1x4x8x128xf32, #tpu.memory_space<vmem>>
      %dma_wait3A_506 = tpu.memref_squeeze %dma_wait3A_505 : memref<1x4x8x128xf32, #tpu.memory_space<vmem>> -> memref<4x8x128xf32, #tpu.memory_space<vmem>>
      %dma_wait3A_507 = arith.constant 0 : i32
      %dma_wait3A_508 = arith.constant 0 : i32
      %dma_wait3A_509 = tpu.memref_slice %arg4[%dma_wait3A_507, %dma_wait3A_508, %multiple_of3A_214] : memref<4x8x1000000xf32, #tpu.memory_space<hbm>> -> memref<4x8x128xf32, #tpu.memory_space<hbm>>
      %dma_wait3A_510 = arith.constant 0 : i32
      %dma_wait3A_511 = arith.constant 0 : i32
      %dma_wait3A_512 = arith.constant 0 : i32
      %dma_wait3A_513 = tpu.memref_slice %arg9[%dma_wait3A_501, %dma_wait3A_510, %dma_wait3A_511, %dma_wait3A_512] : memref<16x4x8x128xf32, #tpu.memory_space<vmem>> -> memref<1x4x8x128xf32, #tpu.memory_space<vmem>>
      %dma_wait3A_514 = tpu.memref_squeeze %dma_wait3A_513 : memref<1x4x8x128xf32, #tpu.memory_space<vmem>> -> memref<4x8x128xf32, #tpu.memory_space<vmem>>
      %dma_wait3A_515 = arith.constant 0 : i32
      %dma_wait3A_516 = arith.constant 0 : i32
      %dma_wait3A_517 = tpu.memref_slice %arg4[%dma_wait3A_515, %dma_wait3A_516, %multiple_of3A_214] : memref<4x8x1000000xf32, #tpu.memory_space<hbm>> -> memref<4x8x128xf32, #tpu.memory_space<hbm>>
      tpu.wait_dma2 semaphore(%arg12 : memref<!tpu.dma_semaphore, #tpu.memory_space<semaphore_mem>>) src(%dma_wait3A_517 : memref<4x8x128xf32, #tpu.memory_space<hbm>>) dst(%dma_wait3A_514 : memref<4x8x128xf32, #tpu.memory_space<vmem>>)
      %dma_wait3A_518 = arith.constant 11 : i32
      %dma_wait3A_519 = arith.constant 0 : i32
      %dma_wait3A_520 = arith.constant 0 : i32
      %dma_wait3A_521 = arith.constant 0 : i32
      %dma_wait3A_522 = tpu.memref_slice %arg9[%dma_wait3A_518, %dma_wait3A_519, %dma_wait3A_520, %dma_wait3A_521] : memref<16x4x8x128xf32, #tpu.memory_space<vmem>> -> memref<1x4x8x128xf32, #tpu.memory_space<vmem>>
      %dma_wait3A_523 = tpu.memref_squeeze %dma_wait3A_522 : memref<1x4x8x128xf32, #tpu.memory_space<vmem>> -> memref<4x8x128xf32, #tpu.memory_space<vmem>>
      %dma_wait3A_524 = arith.constant 0 : i32
      %dma_wait3A_525 = arith.constant 0 : i32
      %dma_wait3A_526 = tpu.memref_slice %arg4[%dma_wait3A_524, %dma_wait3A_525, %multiple_of3A_234] : memref<4x8x1000000xf32, #tpu.memory_space<hbm>> -> memref<4x8x128xf32, #tpu.memory_space<hbm>>
      %dma_wait3A_527 = arith.constant 0 : i32
      %dma_wait3A_528 = arith.constant 0 : i32
      %dma_wait3A_529 = arith.constant 0 : i32
      %dma_wait3A_530 = tpu.memref_slice %arg9[%dma_wait3A_518, %dma_wait3A_527, %dma_wait3A_528, %dma_wait3A_529] : memref<16x4x8x128xf32, #tpu.memory_space<vmem>> -> memref<1x4x8x128xf32, #tpu.memory_space<vmem>>
      %dma_wait3A_531 = tpu.memref_squeeze %dma_wait3A_530 : memref<1x4x8x128xf32, #tpu.memory_space<vmem>> -> memref<4x8x128xf32, #tpu.memory_space<vmem>>
      %dma_wait3A_532 = arith.constant 0 : i32
      %dma_wait3A_533 = arith.constant 0 : i32
      %dma_wait3A_534 = tpu.memref_slice %arg4[%dma_wait3A_532, %dma_wait3A_533, %multiple_of3A_234] : memref<4x8x1000000xf32, #tpu.memory_space<hbm>> -> memref<4x8x128xf32, #tpu.memory_space<hbm>>
      tpu.wait_dma2 semaphore(%arg12 : memref<!tpu.dma_semaphore, #tpu.memory_space<semaphore_mem>>) src(%dma_wait3A_534 : memref<4x8x128xf32, #tpu.memory_space<hbm>>) dst(%dma_wait3A_531 : memref<4x8x128xf32, #tpu.memory_space<vmem>>)
      %dma_wait3A_535 = arith.constant 12 : i32
      %dma_wait3A_536 = arith.constant 0 : i32
      %dma_wait3A_537 = arith.constant 0 : i32
      %dma_wait3A_538 = arith.constant 0 : i32
      %dma_wait3A_539 = tpu.memref_slice %arg9[%dma_wait3A_535, %dma_wait3A_536, %dma_wait3A_537, %dma_wait3A_538] : memref<16x4x8x128xf32, #tpu.memory_space<vmem>> -> memref<1x4x8x128xf32, #tpu.memory_space<vmem>>
      %dma_wait3A_540 = tpu.memref_squeeze %dma_wait3A_539 : memref<1x4x8x128xf32, #tpu.memory_space<vmem>> -> memref<4x8x128xf32, #tpu.memory_space<vmem>>
      %dma_wait3A_541 = arith.constant 0 : i32
      %dma_wait3A_542 = arith.constant 0 : i32
      %dma_wait3A_543 = tpu.memref_slice %arg4[%dma_wait3A_541, %dma_wait3A_542, %multiple_of3A_254] : memref<4x8x1000000xf32, #tpu.memory_space<hbm>> -> memref<4x8x128xf32, #tpu.memory_space<hbm>>
      %dma_wait3A_544 = arith.constant 0 : i32
      %dma_wait3A_545 = arith.constant 0 : i32
      %dma_wait3A_546 = arith.constant 0 : i32
      %dma_wait3A_547 = tpu.memref_slice %arg9[%dma_wait3A_535, %dma_wait3A_544, %dma_wait3A_545, %dma_wait3A_546] : memref<16x4x8x128xf32, #tpu.memory_space<vmem>> -> memref<1x4x8x128xf32, #tpu.memory_space<vmem>>
      %dma_wait3A_548 = tpu.memref_squeeze %dma_wait3A_547 : memref<1x4x8x128xf32, #tpu.memory_space<vmem>> -> memref<4x8x128xf32, #tpu.memory_space<vmem>>
      %dma_wait3A_549 = arith.constant 0 : i32
      %dma_wait3A_550 = arith.constant 0 : i32
      %dma_wait3A_551 = tpu.memref_slice %arg4[%dma_wait3A_549, %dma_wait3A_550, %multiple_of3A_254] : memref<4x8x1000000xf32, #tpu.memory_space<hbm>> -> memref<4x8x128xf32, #tpu.memory_space<hbm>>
      tpu.wait_dma2 semaphore(%arg12 : memref<!tpu.dma_semaphore, #tpu.memory_space<semaphore_mem>>) src(%dma_wait3A_551 : memref<4x8x128xf32, #tpu.memory_space<hbm>>) dst(%dma_wait3A_548 : memref<4x8x128xf32, #tpu.memory_space<vmem>>)
      %dma_wait3A_552 = arith.constant 13 : i32
      %dma_wait3A_553 = arith.constant 0 : i32
      %dma_wait3A_554 = arith.constant 0 : i32
      %dma_wait3A_555 = arith.constant 0 : i32
      %dma_wait3A_556 = tpu.memref_slice %arg9[%dma_wait3A_552, %dma_wait3A_553, %dma_wait3A_554, %dma_wait3A_555] : memref<16x4x8x128xf32, #tpu.memory_space<vmem>> -> memref<1x4x8x128xf32, #tpu.memory_space<vmem>>
      %dma_wait3A_557 = tpu.memref_squeeze %dma_wait3A_556 : memref<1x4x8x128xf32, #tpu.memory_space<vmem>> -> memref<4x8x128xf32, #tpu.memory_space<vmem>>
      %dma_wait3A_558 = arith.constant 0 : i32
      %dma_wait3A_559 = arith.constant 0 : i32
      %dma_wait3A_560 = tpu.memref_slice %arg4[%dma_wait3A_558, %dma_wait3A_559, %multiple_of3A_274] : memref<4x8x1000000xf32, #tpu.memory_space<hbm>> -> memref<4x8x128xf32, #tpu.memory_space<hbm>>
      %dma_wait3A_561 = arith.constant 0 : i32
      %dma_wait3A_562 = arith.constant 0 : i32
      %dma_wait3A_563 = arith.constant 0 : i32
      %dma_wait3A_564 = tpu.memref_slice %arg9[%dma_wait3A_552, %dma_wait3A_561, %dma_wait3A_562, %dma_wait3A_563] : memref<16x4x8x128xf32, #tpu.memory_space<vmem>> -> memref<1x4x8x128xf32, #tpu.memory_space<vmem>>
      %dma_wait3A_565 = tpu.memref_squeeze %dma_wait3A_564 : memref<1x4x8x128xf32, #tpu.memory_space<vmem>> -> memref<4x8x128xf32, #tpu.memory_space<vmem>>
      %dma_wait3A_566 = arith.constant 0 : i32
      %dma_wait3A_567 = arith.constant 0 : i32
      %dma_wait3A_568 = tpu.memref_slice %arg4[%dma_wait3A_566, %dma_wait3A_567, %multiple_of3A_274] : memref<4x8x1000000xf32, #tpu.memory_space<hbm>> -> memref<4x8x128xf32, #tpu.memory_space<hbm>>
      tpu.wait_dma2 semaphore(%arg12 : memref<!tpu.dma_semaphore, #tpu.memory_space<semaphore_mem>>) src(%dma_wait3A_568 : memref<4x8x128xf32, #tpu.memory_space<hbm>>) dst(%dma_wait3A_565 : memref<4x8x128xf32, #tpu.memory_space<vmem>>)
      %dma_wait3A_569 = arith.constant 14 : i32
      %dma_wait3A_570 = arith.constant 0 : i32
      %dma_wait3A_571 = arith.constant 0 : i32
      %dma_wait3A_572 = arith.constant 0 : i32
      %dma_wait3A_573 = tpu.memref_slice %arg9[%dma_wait3A_569, %dma_wait3A_570, %dma_wait3A_571, %dma_wait3A_572] : memref<16x4x8x128xf32, #tpu.memory_space<vmem>> -> memref<1x4x8x128xf32, #tpu.memory_space<vmem>>
      %dma_wait3A_574 = tpu.memref_squeeze %dma_wait3A_573 : memref<1x4x8x128xf32, #tpu.memory_space<vmem>> -> memref<4x8x128xf32, #tpu.memory_space<vmem>>
      %dma_wait3A_575 = arith.constant 0 : i32
      %dma_wait3A_576 = arith.constant 0 : i32
      %dma_wait3A_577 = tpu.memref_slice %arg4[%dma_wait3A_575, %dma_wait3A_576, %multiple_of3A_294] : memref<4x8x1000000xf32, #tpu.memory_space<hbm>> -> memref<4x8x128xf32, #tpu.memory_space<hbm>>
      %dma_wait3A_578 = arith.constant 0 : i32
      %dma_wait3A_579 = arith.constant 0 : i32
      %dma_wait3A_580 = arith.constant 0 : i32
      %dma_wait3A_581 = tpu.memref_slice %arg9[%dma_wait3A_569, %dma_wait3A_578, %dma_wait3A_579, %dma_wait3A_580] : memref<16x4x8x128xf32, #tpu.memory_space<vmem>> -> memref<1x4x8x128xf32, #tpu.memory_space<vmem>>
      %dma_wait3A_582 = tpu.memref_squeeze %dma_wait3A_581 : memref<1x4x8x128xf32, #tpu.memory_space<vmem>> -> memref<4x8x128xf32, #tpu.memory_space<vmem>>
      %dma_wait3A_583 = arith.constant 0 : i32
      %dma_wait3A_584 = arith.constant 0 : i32
      %dma_wait3A_585 = tpu.memref_slice %arg4[%dma_wait3A_583, %dma_wait3A_584, %multiple_of3A_294] : memref<4x8x1000000xf32, #tpu.memory_space<hbm>> -> memref<4x8x128xf32, #tpu.memory_space<hbm>>
      tpu.wait_dma2 semaphore(%arg12 : memref<!tpu.dma_semaphore, #tpu.memory_space<semaphore_mem>>) src(%dma_wait3A_585 : memref<4x8x128xf32, #tpu.memory_space<hbm>>) dst(%dma_wait3A_582 : memref<4x8x128xf32, #tpu.memory_space<vmem>>)
      %dma_wait3A_586 = arith.constant 15 : i32
      %dma_wait3A_587 = arith.constant 0 : i32
      %dma_wait3A_588 = arith.constant 0 : i32
      %dma_wait3A_589 = arith.constant 0 : i32
      %dma_wait3A_590 = tpu.memref_slice %arg9[%dma_wait3A_586, %dma_wait3A_587, %dma_wait3A_588, %dma_wait3A_589] : memref<16x4x8x128xf32, #tpu.memory_space<vmem>> -> memref<1x4x8x128xf32, #tpu.memory_space<vmem>>
      %dma_wait3A_591 = tpu.memref_squeeze %dma_wait3A_590 : memref<1x4x8x128xf32, #tpu.memory_space<vmem>> -> memref<4x8x128xf32, #tpu.memory_space<vmem>>
      %dma_wait3A_592 = arith.constant 0 : i32
      %dma_wait3A_593 = arith.constant 0 : i32
      %dma_wait3A_594 = tpu.memref_slice %arg4[%dma_wait3A_592, %dma_wait3A_593, %multiple_of3A_314] : memref<4x8x1000000xf32, #tpu.memory_space<hbm>> -> memref<4x8x128xf32, #tpu.memory_space<hbm>>
      %dma_wait3A_595 = arith.constant 0 : i32
      %dma_wait3A_596 = arith.constant 0 : i32
      %dma_wait3A_597 = arith.constant 0 : i32
      %dma_wait3A_598 = tpu.memref_slice %arg9[%dma_wait3A_586, %dma_wait3A_595, %dma_wait3A_596, %dma_wait3A_597] : memref<16x4x8x128xf32, #tpu.memory_space<vmem>> -> memref<1x4x8x128xf32, #tpu.memory_space<vmem>>
      %dma_wait3A_599 = tpu.memref_squeeze %dma_wait3A_598 : memref<1x4x8x128xf32, #tpu.memory_space<vmem>> -> memref<4x8x128xf32, #tpu.memory_space<vmem>>
      %dma_wait3A_600 = arith.constant 0 : i32
      %dma_wait3A_601 = arith.constant 0 : i32
      %dma_wait3A_602 = tpu.memref_slice %arg4[%dma_wait3A_600, %dma_wait3A_601, %multiple_of3A_314] : memref<4x8x1000000xf32, #tpu.memory_space<hbm>> -> memref<4x8x128xf32, #tpu.memory_space<hbm>>
      tpu.wait_dma2 semaphore(%arg12 : memref<!tpu.dma_semaphore, #tpu.memory_space<semaphore_mem>>) src(%dma_wait3A_602 : memref<4x8x128xf32, #tpu.memory_space<hbm>>) dst(%dma_wait3A_599 : memref<4x8x128xf32, #tpu.memory_space<vmem>>)
      %and3A_603 = arith.constant 127 : i32
      %and3A_604 = vector.broadcast %and3A_603 : i32 to vector<16xi32>
      %and3A_605 = arith.andi %get3A_11, %and3A_604 : vector<16xi32>
      %broadcast_in_dim3A = arith.constant 0 : i32
      %broadcast_in_dim3A_606 = vector.broadcast %broadcast_in_dim3A : i32 to vector<16xi32>
      %broadcast_in_dim3A_607 = arith.constant 0 : i32
      %broadcast_in_dim3A_608 = vector.broadcast %broadcast_in_dim3A_607 : i32 to vector<16xi32>
      %gather3A = tpu.vector_load_idx %arg9[%iota3A, %broadcast_in_dim3A_606, %broadcast_in_dim3A_608, %and3A_605] : memref<16x4x8x128xf32, #tpu.memory_space<vmem>>[vector<16xi32>, vector<16xi32>, vector<16xi32>, vector<16xi32>], vector<16xf32>,
      %swap3A = arith.constant 0 : i32
      %swap3A_609 = arith.index_cast %swap3A : i32 to index
      %swap3A_610 = arith.constant 0 : index
      %swap3A_611 = tpu.vector_load %arg10[%swap3A_609, %swap3A_610] {strides = array<i32>} : memref<32x16xf32, #tpu.memory_space<vmem>>, vector<16xf32>,
      tpu.vector_store %arg10[%swap3A_609, %swap3A_610], %gather3A {strides = array<i32>} : memref<32x16xf32, #tpu.memory_space<vmem>>, vector<16xf32>,
      %broadcast_in_dim3A_612 = arith.constant 1 : i32
      %broadcast_in_dim3A_613 = vector.broadcast %broadcast_in_dim3A_612 : i32 to vector<16xi32>
      %gather3A_614 = tpu.vector_load_idx %arg9[%iota3A, %broadcast_in_dim3A_606, %broadcast_in_dim3A_613, %and3A_605] : memref<16x4x8x128xf32, #tpu.memory_space<vmem>>[vector<16xi32>, vector<16xi32>, vector<16xi32>, vector<16xi32>], vector<16xf32>,
      %swap3A_615 = arith.constant 1 : i32
      %swap3A_616 = arith.index_cast %swap3A_615 : i32 to index
      %swap3A_617 = arith.constant 0 : index
      %swap3A_618 = tpu.vector_load %arg10[%swap3A_616, %swap3A_617] {strides = array<i32>} : memref<32x16xf32, #tpu.memory_space<vmem>>, vector<16xf32>,
      tpu.vector_store %arg10[%swap3A_616, %swap3A_617], %gather3A_614 {strides = array<i32>} : memref<32x16xf32, #tpu.memory_space<vmem>>, vector<16xf32>,
      %broadcast_in_dim3A_619 = arith.constant 2 : i32
      %broadcast_in_dim3A_620 = vector.broadcast %broadcast_in_dim3A_619 : i32 to vector<16xi32>
      %gather3A_621 = tpu.vector_load_idx %arg9[%iota3A, %broadcast_in_dim3A_606, %broadcast_in_dim3A_620, %and3A_605] : memref<16x4x8x128xf32, #tpu.memory_space<vmem>>[vector<16xi32>, vector<16xi32>, vector<16xi32>, vector<16xi32>], vector<16xf32>,
      %swap3A_622 = arith.constant 2 : i32
      %swap3A_623 = arith.index_cast %swap3A_622 : i32 to index
      %swap3A_624 = arith.constant 0 : index
      %swap3A_625 = tpu.vector_load %arg10[%swap3A_623, %swap3A_624] {strides = array<i32>} : memref<32x16xf32, #tpu.memory_space<vmem>>, vector<16xf32>,
      tpu.vector_store %arg10[%swap3A_623, %swap3A_624], %gather3A_621 {strides = array<i32>} : memref<32x16xf32, #tpu.memory_space<vmem>>, vector<16xf32>,
      %broadcast_in_dim3A_626 = arith.constant 3 : i32
      %broadcast_in_dim3A_627 = vector.broadcast %broadcast_in_dim3A_626 : i32 to vector<16xi32>
      %gather3A_628 = tpu.vector_load_idx %arg9[%iota3A, %broadcast_in_dim3A_606, %broadcast_in_dim3A_627, %and3A_605] : memref<16x4x8x128xf32, #tpu.memory_space<vmem>>[vector<16xi32>, vector<16xi32>, vector<16xi32>, vector<16xi32>], vector<16xf32>,
      %swap3A_629 = arith.constant 3 : i32
      %swap3A_630 = arith.index_cast %swap3A_629 : i32 to index
      %swap3A_631 = arith.constant 0 : index
      %swap3A_632 = tpu.vector_load %arg10[%swap3A_630, %swap3A_631] {strides = array<i32>} : memref<32x16xf32, #tpu.memory_space<vmem>>, vector<16xf32>,
      tpu.vector_store %arg10[%swap3A_630, %swap3A_631], %gather3A_628 {strides = array<i32>} : memref<32x16xf32, #tpu.memory_space<vmem>>, vector<16xf32>,
      %broadcast_in_dim3A_633 = arith.constant 4 : i32
      %broadcast_in_dim3A_634 = vector.broadcast %broadcast_in_dim3A_633 : i32 to vector<16xi32>
      %gather3A_635 = tpu.vector_load_idx %arg9[%iota3A, %broadcast_in_dim3A_606, %broadcast_in_dim3A_634, %and3A_605] : memref<16x4x8x128xf32, #tpu.memory_space<vmem>>[vector<16xi32>, vector<16xi32>, vector<16xi32>, vector<16xi32>], vector<16xf32>,
      %swap3A_636 = arith.constant 4 : i32
      %swap3A_637 = arith.index_cast %swap3A_636 : i32 to index
      %swap3A_638 = arith.constant 0 : index
      %swap3A_639 = tpu.vector_load %arg10[%swap3A_637, %swap3A_638] {strides = array<i32>} : memref<32x16xf32, #tpu.memory_space<vmem>>, vector<16xf32>,
      tpu.vector_store %arg10[%swap3A_637, %swap3A_638], %gather3A_635 {strides = array<i32>} : memref<32x16xf32, #tpu.memory_space<vmem>>, vector<16xf32>,
      %broadcast_in_dim3A_640 = arith.constant 5 : i32
      %broadcast_in_dim3A_641 = vector.broadcast %broadcast_in_dim3A_640 : i32 to vector<16xi32>
      %gather3A_642 = tpu.vector_load_idx %arg9[%iota3A, %broadcast_in_dim3A_606, %broadcast_in_dim3A_641, %and3A_605] : memref<16x4x8x128xf32, #tpu.memory_space<vmem>>[vector<16xi32>, vector<16xi32>, vector<16xi32>, vector<16xi32>], vector<16xf32>,
      %swap3A_643 = arith.constant 5 : i32
      %swap3A_644 = arith.index_cast %swap3A_643 : i32 to index
      %swap3A_645 = arith.constant 0 : index
      %swap3A_646 = tpu.vector_load %arg10[%swap3A_644, %swap3A_645] {strides = array<i32>} : memref<32x16xf32, #tpu.memory_space<vmem>>, vector<16xf32>,
      tpu.vector_store %arg10[%swap3A_644, %swap3A_645], %gather3A_642 {strides = array<i32>} : memref<32x16xf32, #tpu.memory_space<vmem>>, vector<16xf32>,
      %broadcast_in_dim3A_647 = arith.constant 6 : i32
      %broadcast_in_dim3A_648 = vector.broadcast %broadcast_in_dim3A_647 : i32 to vector<16xi32>
      %gather3A_649 = tpu.vector_load_idx %arg9[%iota3A, %broadcast_in_dim3A_606, %broadcast_in_dim3A_648, %and3A_605] : memref<16x4x8x128xf32, #tpu.memory_space<vmem>>[vector<16xi32>, vector<16xi32>, vector<16xi32>, vector<16xi32>], vector<16xf32>,
      %swap3A_650 = arith.constant 6 : i32
      %swap3A_651 = arith.index_cast %swap3A_650 : i32 to index
      %swap3A_652 = arith.constant 0 : index
      %swap3A_653 = tpu.vector_load %arg10[%swap3A_651, %swap3A_652] {strides = array<i32>} : memref<32x16xf32, #tpu.memory_space<vmem>>, vector<16xf32>,
      tpu.vector_store %arg10[%swap3A_651, %swap3A_652], %gather3A_649 {strides = array<i32>} : memref<32x16xf32, #tpu.memory_space<vmem>>, vector<16xf32>,
      %broadcast_in_dim3A_654 = arith.constant 7 : i32
      %broadcast_in_dim3A_655 = vector.broadcast %broadcast_in_dim3A_654 : i32 to vector<16xi32>
      %gather3A_656 = tpu.vector_load_idx %arg9[%iota3A, %broadcast_in_dim3A_606, %broadcast_in_dim3A_655, %and3A_605] : memref<16x4x8x128xf32, #tpu.memory_space<vmem>>[vector<16xi32>, vector<16xi32>, vector<16xi32>, vector<16xi32>], vector<16xf32>,
      %swap3A_657 = arith.constant 7 : i32
      %swap3A_658 = arith.index_cast %swap3A_657 : i32 to index
      %swap3A_659 = arith.constant 0 : index
      %swap3A_660 = tpu.vector_load %arg10[%swap3A_658, %swap3A_659] {strides = array<i32>} : memref<32x16xf32, #tpu.memory_space<vmem>>, vector<16xf32>,
      tpu.vector_store %arg10[%swap3A_658, %swap3A_659], %gather3A_656 {strides = array<i32>} : memref<32x16xf32, #tpu.memory_space<vmem>>, vector<16xf32>,
      %broadcast_in_dim3A_661 = arith.constant 1 : i32
      %broadcast_in_dim3A_662 = vector.broadcast %broadcast_in_dim3A_661 : i32 to vector<16xi32>
      %broadcast_in_dim3A_663 = arith.constant 0 : i32
      %broadcast_in_dim3A_664 = vector.broadcast %broadcast_in_dim3A_663 : i32 to vector<16xi32>
      %gather3A_665 = tpu.vector_load_idx %arg9[%iota3A, %broadcast_in_dim3A_662, %broadcast_in_dim3A_664, %and3A_605] : memref<16x4x8x128xf32, #tpu.memory_space<vmem>>[vector<16xi32>, vector<16xi32>, vector<16xi32>, vector<16xi32>], vector<16xf32>,
      %swap3A_666 = arith.constant 8 : i32
      %swap3A_667 = arith.index_cast %swap3A_666 : i32 to index
      %swap3A_668 = arith.constant 0 : index
      %swap3A_669 = tpu.vector_load %arg10[%swap3A_667, %swap3A_668] {strides = array<i32>} : memref<32x16xf32, #tpu.memory_space<vmem>>, vector<16xf32>,
      tpu.vector_store %arg10[%swap3A_667, %swap3A_668], %gather3A_665 {strides = array<i32>} : memref<32x16xf32, #tpu.memory_space<vmem>>, vector<16xf32>,
      %broadcast_in_dim3A_670 = arith.constant 1 : i32
      %broadcast_in_dim3A_671 = vector.broadcast %broadcast_in_dim3A_670 : i32 to vector<16xi32>
      %gather3A_672 = tpu.vector_load_idx %arg9[%iota3A, %broadcast_in_dim3A_662, %broadcast_in_dim3A_671, %and3A_605] : memref<16x4x8x128xf32, #tpu.memory_space<vmem>>[vector<16xi32>, vector<16xi32>, vector<16xi32>, vector<16xi32>], vector<16xf32>,
      %swap3A_673 = arith.constant 9 : i32
      %swap3A_674 = arith.index_cast %swap3A_673 : i32 to index
      %swap3A_675 = arith.constant 0 : index
      %swap3A_676 = tpu.vector_load %arg10[%swap3A_674, %swap3A_675] {strides = array<i32>} : memref<32x16xf32, #tpu.memory_space<vmem>>, vector<16xf32>,
      tpu.vector_store %arg10[%swap3A_674, %swap3A_675], %gather3A_672 {strides = array<i32>} : memref<32x16xf32, #tpu.memory_space<vmem>>, vector<16xf32>,
      %broadcast_in_dim3A_677 = arith.constant 2 : i32
      %broadcast_in_dim3A_678 = vector.broadcast %broadcast_in_dim3A_677 : i32 to vector<16xi32>
      %gather3A_679 = tpu.vector_load_idx %arg9[%iota3A, %broadcast_in_dim3A_662, %broadcast_in_dim3A_678, %and3A_605] : memref<16x4x8x128xf32, #tpu.memory_space<vmem>>[vector<16xi32>, vector<16xi32>, vector<16xi32>, vector<16xi32>], vector<16xf32>,
      %swap3A_680 = arith.constant 10 : i32
      %swap3A_681 = arith.index_cast %swap3A_680 : i32 to index
      %swap3A_682 = arith.constant 0 : index
      %swap3A_683 = tpu.vector_load %arg10[%swap3A_681, %swap3A_682] {strides = array<i32>} : memref<32x16xf32, #tpu.memory_space<vmem>>, vector<16xf32>,
      tpu.vector_store %arg10[%swap3A_681, %swap3A_682], %gather3A_679 {strides = array<i32>} : memref<32x16xf32, #tpu.memory_space<vmem>>, vector<16xf32>,
      %broadcast_in_dim3A_684 = arith.constant 3 : i32
      %broadcast_in_dim3A_685 = vector.broadcast %broadcast_in_dim3A_684 : i32 to vector<16xi32>
      %gather3A_686 = tpu.vector_load_idx %arg9[%iota3A, %broadcast_in_dim3A_662, %broadcast_in_dim3A_685, %and3A_605] : memref<16x4x8x128xf32, #tpu.memory_space<vmem>>[vector<16xi32>, vector<16xi32>, vector<16xi32>, vector<16xi32>], vector<16xf32>,
      %swap3A_687 = arith.constant 11 : i32
      %swap3A_688 = arith.index_cast %swap3A_687 : i32 to index
      %swap3A_689 = arith.constant 0 : index
      %swap3A_690 = tpu.vector_load %arg10[%swap3A_688, %swap3A_689] {strides = array<i32>} : memref<32x16xf32, #tpu.memory_space<vmem>>, vector<16xf32>,
      tpu.vector_store %arg10[%swap3A_688, %swap3A_689], %gather3A_686 {strides = array<i32>} : memref<32x16xf32, #tpu.memory_space<vmem>>, vector<16xf32>,
      %broadcast_in_dim3A_691 = arith.constant 4 : i32
      %broadcast_in_dim3A_692 = vector.broadcast %broadcast_in_dim3A_691 : i32 to vector<16xi32>
      %gather3A_693 = tpu.vector_load_idx %arg9[%iota3A, %broadcast_in_dim3A_662, %broadcast_in_dim3A_692, %and3A_605] : memref<16x4x8x128xf32, #tpu.memory_space<vmem>>[vector<16xi32>, vector<16xi32>, vector<16xi32>, vector<16xi32>], vector<16xf32>,
      %swap3A_694 = arith.constant 12 : i32
      %swap3A_695 = arith.index_cast %swap3A_694 : i32 to index
      %swap3A_696 = arith.constant 0 : index
      %swap3A_697 = tpu.vector_load %arg10[%swap3A_695, %swap3A_696] {strides = array<i32>} : memref<32x16xf32, #tpu.memory_space<vmem>>, vector<16xf32>,
      tpu.vector_store %arg10[%swap3A_695, %swap3A_696], %gather3A_693 {strides = array<i32>} : memref<32x16xf32, #tpu.memory_space<vmem>>, vector<16xf32>,
      %broadcast_in_dim3A_698 = arith.constant 5 : i32
      %broadcast_in_dim3A_699 = vector.broadcast %broadcast_in_dim3A_698 : i32 to vector<16xi32>
      %gather3A_700 = tpu.vector_load_idx %arg9[%iota3A, %broadcast_in_dim3A_662, %broadcast_in_dim3A_699, %and3A_605] : memref<16x4x8x128xf32, #tpu.memory_space<vmem>>[vector<16xi32>, vector<16xi32>, vector<16xi32>, vector<16xi32>], vector<16xf32>,
      %swap3A_701 = arith.constant 13 : i32
      %swap3A_702 = arith.index_cast %swap3A_701 : i32 to index
      %swap3A_703 = arith.constant 0 : index
      %swap3A_704 = tpu.vector_load %arg10[%swap3A_702, %swap3A_703] {strides = array<i32>} : memref<32x16xf32, #tpu.memory_space<vmem>>, vector<16xf32>,
      tpu.vector_store %arg10[%swap3A_702, %swap3A_703], %gather3A_700 {strides = array<i32>} : memref<32x16xf32, #tpu.memory_space<vmem>>, vector<16xf32>,
      %broadcast_in_dim3A_705 = arith.constant 6 : i32
      %broadcast_in_dim3A_706 = vector.broadcast %broadcast_in_dim3A_705 : i32 to vector<16xi32>
      %gather3A_707 = tpu.vector_load_idx %arg9[%iota3A, %broadcast_in_dim3A_662, %broadcast_in_dim3A_706, %and3A_605] : memref<16x4x8x128xf32, #tpu.memory_space<vmem>>[vector<16xi32>, vector<16xi32>, vector<16xi32>, vector<16xi32>], vector<16xf32>,
      %swap3A_708 = arith.constant 14 : i32
      %swap3A_709 = arith.index_cast %swap3A_708 : i32 to index
      %swap3A_710 = arith.constant 0 : index
      %swap3A_711 = tpu.vector_load %arg10[%swap3A_709, %swap3A_710] {strides = array<i32>} : memref<32x16xf32, #tpu.memory_space<vmem>>, vector<16xf32>,
      tpu.vector_store %arg10[%swap3A_709, %swap3A_710], %gather3A_707 {strides = array<i32>} : memref<32x16xf32, #tpu.memory_space<vmem>>, vector<16xf32>,
      %broadcast_in_dim3A_712 = arith.constant 7 : i32
      %broadcast_in_dim3A_713 = vector.broadcast %broadcast_in_dim3A_712 : i32 to vector<16xi32>
      %gather3A_714 = tpu.vector_load_idx %arg9[%iota3A, %broadcast_in_dim3A_662, %broadcast_in_dim3A_713, %and3A_605] : memref<16x4x8x128xf32, #tpu.memory_space<vmem>>[vector<16xi32>, vector<16xi32>, vector<16xi32>, vector<16xi32>], vector<16xf32>,
      %swap3A_715 = arith.constant 15 : i32
      %swap3A_716 = arith.index_cast %swap3A_715 : i32 to index
      %swap3A_717 = arith.constant 0 : index
      %swap3A_718 = tpu.vector_load %arg10[%swap3A_716, %swap3A_717] {strides = array<i32>} : memref<32x16xf32, #tpu.memory_space<vmem>>, vector<16xf32>,
      tpu.vector_store %arg10[%swap3A_716, %swap3A_717], %gather3A_714 {strides = array<i32>} : memref<32x16xf32, #tpu.memory_space<vmem>>, vector<16xf32>,
      %broadcast_in_dim3A_719 = arith.constant 2 : i32
      %broadcast_in_dim3A_720 = vector.broadcast %broadcast_in_dim3A_719 : i32 to vector<16xi32>
      %broadcast_in_dim3A_721 = arith.constant 0 : i32
      %broadcast_in_dim3A_722 = vector.broadcast %broadcast_in_dim3A_721 : i32 to vector<16xi32>
      %gather3A_723 = tpu.vector_load_idx %arg9[%iota3A, %broadcast_in_dim3A_720, %broadcast_in_dim3A_722, %and3A_605] : memref<16x4x8x128xf32, #tpu.memory_space<vmem>>[vector<16xi32>, vector<16xi32>, vector<16xi32>, vector<16xi32>], vector<16xf32>,
      %swap3A_724 = arith.constant 16 : i32
      %swap3A_725 = arith.index_cast %swap3A_724 : i32 to index
      %swap3A_726 = arith.constant 0 : index
      %swap3A_727 = tpu.vector_load %arg10[%swap3A_725, %swap3A_726] {strides = array<i32>} : memref<32x16xf32, #tpu.memory_space<vmem>>, vector<16xf32>,
      tpu.vector_store %arg10[%swap3A_725, %swap3A_726], %gather3A_723 {strides = array<i32>} : memref<32x16xf32, #tpu.memory_space<vmem>>, vector<16xf32>,
      %broadcast_in_dim3A_728 = arith.constant 1 : i32
      %broadcast_in_dim3A_729 = vector.broadcast %broadcast_in_dim3A_728 : i32 to vector<16xi32>
      %gather3A_730 = tpu.vector_load_idx %arg9[%iota3A, %broadcast_in_dim3A_720, %broadcast_in_dim3A_729, %and3A_605] : memref<16x4x8x128xf32, #tpu.memory_space<vmem>>[vector<16xi32>, vector<16xi32>, vector<16xi32>, vector<16xi32>], vector<16xf32>,
      %swap3A_731 = arith.constant 17 : i32
      %swap3A_732 = arith.index_cast %swap3A_731 : i32 to index
      %swap3A_733 = arith.constant 0 : index
      %swap3A_734 = tpu.vector_load %arg10[%swap3A_732, %swap3A_733] {strides = array<i32>} : memref<32x16xf32, #tpu.memory_space<vmem>>, vector<16xf32>,
      tpu.vector_store %arg10[%swap3A_732, %swap3A_733], %gather3A_730 {strides = array<i32>} : memref<32x16xf32, #tpu.memory_space<vmem>>, vector<16xf32>,
      %broadcast_in_dim3A_735 = arith.constant 2 : i32
      %broadcast_in_dim3A_736 = vector.broadcast %broadcast_in_dim3A_735 : i32 to vector<16xi32>
      %gather3A_737 = tpu.vector_load_idx %arg9[%iota3A, %broadcast_in_dim3A_720, %broadcast_in_dim3A_736, %and3A_605] : memref<16x4x8x128xf32, #tpu.memory_space<vmem>>[vector<16xi32>, vector<16xi32>, vector<16xi32>, vector<16xi32>], vector<16xf32>,
      %swap3A_738 = arith.constant 18 : i32
      %swap3A_739 = arith.index_cast %swap3A_738 : i32 to index
      %swap3A_740 = arith.constant 0 : index
      %swap3A_741 = tpu.vector_load %arg10[%swap3A_739, %swap3A_740] {strides = array<i32>} : memref<32x16xf32, #tpu.memory_space<vmem>>, vector<16xf32>,
      tpu.vector_store %arg10[%swap3A_739, %swap3A_740], %gather3A_737 {strides = array<i32>} : memref<32x16xf32, #tpu.memory_space<vmem>>, vector<16xf32>,
      %broadcast_in_dim3A_742 = arith.constant 3 : i32
      %broadcast_in_dim3A_743 = vector.broadcast %broadcast_in_dim3A_742 : i32 to vector<16xi32>
      %gather3A_744 = tpu.vector_load_idx %arg9[%iota3A, %broadcast_in_dim3A_720, %broadcast_in_dim3A_743, %and3A_605] : memref<16x4x8x128xf32, #tpu.memory_space<vmem>>[vector<16xi32>, vector<16xi32>, vector<16xi32>, vector<16xi32>], vector<16xf32>,
      %swap3A_745 = arith.constant 19 : i32
      %swap3A_746 = arith.index_cast %swap3A_745 : i32 to index
      %swap3A_747 = arith.constant 0 : index
      %swap3A_748 = tpu.vector_load %arg10[%swap3A_746, %swap3A_747] {strides = array<i32>} : memref<32x16xf32, #tpu.memory_space<vmem>>, vector<16xf32>,
      tpu.vector_store %arg10[%swap3A_746, %swap3A_747], %gather3A_744 {strides = array<i32>} : memref<32x16xf32, #tpu.memory_space<vmem>>, vector<16xf32>,
      %broadcast_in_dim3A_749 = arith.constant 4 : i32
      %broadcast_in_dim3A_750 = vector.broadcast %broadcast_in_dim3A_749 : i32 to vector<16xi32>
      %gather3A_751 = tpu.vector_load_idx %arg9[%iota3A, %broadcast_in_dim3A_720, %broadcast_in_dim3A_750, %and3A_605] : memref<16x4x8x128xf32, #tpu.memory_space<vmem>>[vector<16xi32>, vector<16xi32>, vector<16xi32>, vector<16xi32>], vector<16xf32>,
      %swap3A_752 = arith.constant 20 : i32
      %swap3A_753 = arith.index_cast %swap3A_752 : i32 to index
      %swap3A_754 = arith.constant 0 : index
      %swap3A_755 = tpu.vector_load %arg10[%swap3A_753, %swap3A_754] {strides = array<i32>} : memref<32x16xf32, #tpu.memory_space<vmem>>, vector<16xf32>,
      tpu.vector_store %arg10[%swap3A_753, %swap3A_754], %gather3A_751 {strides = array<i32>} : memref<32x16xf32, #tpu.memory_space<vmem>>, vector<16xf32>,
      %broadcast_in_dim3A_756 = arith.constant 5 : i32
      %broadcast_in_dim3A_757 = vector.broadcast %broadcast_in_dim3A_756 : i32 to vector<16xi32>
      %gather3A_758 = tpu.vector_load_idx %arg9[%iota3A, %broadcast_in_dim3A_720, %broadcast_in_dim3A_757, %and3A_605] : memref<16x4x8x128xf32, #tpu.memory_space<vmem>>[vector<16xi32>, vector<16xi32>, vector<16xi32>, vector<16xi32>], vector<16xf32>,
      %swap3A_759 = arith.constant 21 : i32
      %swap3A_760 = arith.index_cast %swap3A_759 : i32 to index
      %swap3A_761 = arith.constant 0 : index
      %swap3A_762 = tpu.vector_load %arg10[%swap3A_760, %swap3A_761] {strides = array<i32>} : memref<32x16xf32, #tpu.memory_space<vmem>>, vector<16xf32>,
      tpu.vector_store %arg10[%swap3A_760, %swap3A_761], %gather3A_758 {strides = array<i32>} : memref<32x16xf32, #tpu.memory_space<vmem>>, vector<16xf32>,
      %broadcast_in_dim3A_763 = arith.constant 6 : i32
      %broadcast_in_dim3A_764 = vector.broadcast %broadcast_in_dim3A_763 : i32 to vector<16xi32>
      %gather3A_765 = tpu.vector_load_idx %arg9[%iota3A, %broadcast_in_dim3A_720, %broadcast_in_dim3A_764, %and3A_605] : memref<16x4x8x128xf32, #tpu.memory_space<vmem>>[vector<16xi32>, vector<16xi32>, vector<16xi32>, vector<16xi32>], vector<16xf32>,
      %swap3A_766 = arith.constant 22 : i32
      %swap3A_767 = arith.index_cast %swap3A_766 : i32 to index
      %swap3A_768 = arith.constant 0 : index
      %swap3A_769 = tpu.vector_load %arg10[%swap3A_767, %swap3A_768] {strides = array<i32>} : memref<32x16xf32, #tpu.memory_space<vmem>>, vector<16xf32>,
      tpu.vector_store %arg10[%swap3A_767, %swap3A_768], %gather3A_765 {strides = array<i32>} : memref<32x16xf32, #tpu.memory_space<vmem>>, vector<16xf32>,
      %broadcast_in_dim3A_770 = arith.constant 7 : i32
      %broadcast_in_dim3A_771 = vector.broadcast %broadcast_in_dim3A_770 : i32 to vector<16xi32>
      %gather3A_772 = tpu.vector_load_idx %arg9[%iota3A, %broadcast_in_dim3A_720, %broadcast_in_dim3A_771, %and3A_605] : memref<16x4x8x128xf32, #tpu.memory_space<vmem>>[vector<16xi32>, vector<16xi32>, vector<16xi32>, vector<16xi32>], vector<16xf32>,
      %swap3A_773 = arith.constant 23 : i32
      %swap3A_774 = arith.index_cast %swap3A_773 : i32 to index
      %swap3A_775 = arith.constant 0 : index
      %swap3A_776 = tpu.vector_load %arg10[%swap3A_774, %swap3A_775] {strides = array<i32>} : memref<32x16xf32, #tpu.memory_space<vmem>>, vector<16xf32>,
      tpu.vector_store %arg10[%swap3A_774, %swap3A_775], %gather3A_772 {strides = array<i32>} : memref<32x16xf32, #tpu.memory_space<vmem>>, vector<16xf32>,
      %broadcast_in_dim3A_777 = arith.constant 3 : i32
      %broadcast_in_dim3A_778 = vector.broadcast %broadcast_in_dim3A_777 : i32 to vector<16xi32>
      %broadcast_in_dim3A_779 = arith.constant 0 : i32
      %broadcast_in_dim3A_780 = vector.broadcast %broadcast_in_dim3A_779 : i32 to vector<16xi32>
      %gather3A_781 = tpu.vector_load_idx %arg9[%iota3A, %broadcast_in_dim3A_778, %broadcast_in_dim3A_780, %and3A_605] : memref<16x4x8x128xf32, #tpu.memory_space<vmem>>[vector<16xi32>, vector<16xi32>, vector<16xi32>, vector<16xi32>], vector<16xf32>,
      %swap3A_782 = arith.constant 24 : i32
      %swap3A_783 = arith.index_cast %swap3A_782 : i32 to index
      %swap3A_784 = arith.constant 0 : index
      %swap3A_785 = tpu.vector_load %arg10[%swap3A_783, %swap3A_784] {strides = array<i32>} : memref<32x16xf32, #tpu.memory_space<vmem>>, vector<16xf32>,
      tpu.vector_store %arg10[%swap3A_783, %swap3A_784], %gather3A_781 {strides = array<i32>} : memref<32x16xf32, #tpu.memory_space<vmem>>, vector<16xf32>,
      %broadcast_in_dim3A_786 = arith.constant 1 : i32
      %broadcast_in_dim3A_787 = vector.broadcast %broadcast_in_dim3A_786 : i32 to vector<16xi32>
      %gather3A_788 = tpu.vector_load_idx %arg9[%iota3A, %broadcast_in_dim3A_778, %broadcast_in_dim3A_787, %and3A_605] : memref<16x4x8x128xf32, #tpu.memory_space<vmem>>[vector<16xi32>, vector<16xi32>, vector<16xi32>, vector<16xi32>], vector<16xf32>,
      %swap3A_789 = arith.constant 25 : i32
      %swap3A_790 = arith.index_cast %swap3A_789 : i32 to index
      %swap3A_791 = arith.constant 0 : index
      %swap3A_792 = tpu.vector_load %arg10[%swap3A_790, %swap3A_791] {strides = array<i32>} : memref<32x16xf32, #tpu.memory_space<vmem>>, vector<16xf32>,
      tpu.vector_store %arg10[%swap3A_790, %swap3A_791], %gather3A_788 {strides = array<i32>} : memref<32x16xf32, #tpu.memory_space<vmem>>, vector<16xf32>,
      %broadcast_in_dim3A_793 = arith.constant 2 : i32
      %broadcast_in_dim3A_794 = vector.broadcast %broadcast_in_dim3A_793 : i32 to vector<16xi32>
      %gather3A_795 = tpu.vector_load_idx %arg9[%iota3A, %broadcast_in_dim3A_778, %broadcast_in_dim3A_794, %and3A_605] : memref<16x4x8x128xf32, #tpu.memory_space<vmem>>[vector<16xi32>, vector<16xi32>, vector<16xi32>, vector<16xi32>], vector<16xf32>,
      %swap3A_796 = arith.constant 26 : i32
      %swap3A_797 = arith.index_cast %swap3A_796 : i32 to index
      %swap3A_798 = arith.constant 0 : index
      %swap3A_799 = tpu.vector_load %arg10[%swap3A_797, %swap3A_798] {strides = array<i32>} : memref<32x16xf32, #tpu.memory_space<vmem>>, vector<16xf32>,
      tpu.vector_store %arg10[%swap3A_797, %swap3A_798], %gather3A_795 {strides = array<i32>} : memref<32x16xf32, #tpu.memory_space<vmem>>, vector<16xf32>,
      %broadcast_in_dim3A_800 = arith.constant 3 : i32
      %broadcast_in_dim3A_801 = vector.broadcast %broadcast_in_dim3A_800 : i32 to vector<16xi32>
      %gather3A_802 = tpu.vector_load_idx %arg9[%iota3A, %broadcast_in_dim3A_778, %broadcast_in_dim3A_801, %and3A_605] : memref<16x4x8x128xf32, #tpu.memory_space<vmem>>[vector<16xi32>, vector<16xi32>, vector<16xi32>, vector<16xi32>], vector<16xf32>,
      %swap3A_803 = arith.constant 27 : i32
      %swap3A_804 = arith.index_cast %swap3A_803 : i32 to index
      %swap3A_805 = arith.constant 0 : index
      %swap3A_806 = tpu.vector_load %arg10[%swap3A_804, %swap3A_805] {strides = array<i32>} : memref<32x16xf32, #tpu.memory_space<vmem>>, vector<16xf32>,
      tpu.vector_store %arg10[%swap3A_804, %swap3A_805], %gather3A_802 {strides = array<i32>} : memref<32x16xf32, #tpu.memory_space<vmem>>, vector<16xf32>,
      %broadcast_in_dim3A_807 = arith.constant 4 : i32
      %broadcast_in_dim3A_808 = vector.broadcast %broadcast_in_dim3A_807 : i32 to vector<16xi32>
      %gather3A_809 = tpu.vector_load_idx %arg9[%iota3A, %broadcast_in_dim3A_778, %broadcast_in_dim3A_808, %and3A_605] : memref<16x4x8x128xf32, #tpu.memory_space<vmem>>[vector<16xi32>, vector<16xi32>, vector<16xi32>, vector<16xi32>], vector<16xf32>,
      %swap3A_810 = arith.constant 28 : i32
      %swap3A_811 = arith.index_cast %swap3A_810 : i32 to index
      %swap3A_812 = arith.constant 0 : index
      %swap3A_813 = tpu.vector_load %arg10[%swap3A_811, %swap3A_812] {strides = array<i32>} : memref<32x16xf32, #tpu.memory_space<vmem>>, vector<16xf32>,
      tpu.vector_store %arg10[%swap3A_811, %swap3A_812], %gather3A_809 {strides = array<i32>} : memref<32x16xf32, #tpu.memory_space<vmem>>, vector<16xf32>,
      %broadcast_in_dim3A_814 = arith.constant 5 : i32
      %broadcast_in_dim3A_815 = vector.broadcast %broadcast_in_dim3A_814 : i32 to vector<16xi32>
      %gather3A_816 = tpu.vector_load_idx %arg9[%iota3A, %broadcast_in_dim3A_778, %broadcast_in_dim3A_815, %and3A_605] : memref<16x4x8x128xf32, #tpu.memory_space<vmem>>[vector<16xi32>, vector<16xi32>, vector<16xi32>, vector<16xi32>], vector<16xf32>,
      %swap3A_817 = arith.constant 29 : i32
      %swap3A_818 = arith.index_cast %swap3A_817 : i32 to index
      %swap3A_819 = arith.constant 0 : index
      %swap3A_820 = tpu.vector_load %arg10[%swap3A_818, %swap3A_819] {strides = array<i32>} : memref<32x16xf32, #tpu.memory_space<vmem>>, vector<16xf32>,
      tpu.vector_store %arg10[%swap3A_818, %swap3A_819], %gather3A_816 {strides = array<i32>} : memref<32x16xf32, #tpu.memory_space<vmem>>, vector<16xf32>,
      %broadcast_in_dim3A_821 = arith.constant 6 : i32
      %broadcast_in_dim3A_822 = vector.broadcast %broadcast_in_dim3A_821 : i32 to vector<16xi32>
      %gather3A_823 = tpu.vector_load_idx %arg9[%iota3A, %broadcast_in_dim3A_778, %broadcast_in_dim3A_822, %and3A_605] : memref<16x4x8x128xf32, #tpu.memory_space<vmem>>[vector<16xi32>, vector<16xi32>, vector<16xi32>, vector<16xi32>], vector<16xf32>,
      %swap3A_824 = arith.constant 30 : i32
      %swap3A_825 = arith.index_cast %swap3A_824 : i32 to index
      %swap3A_826 = arith.constant 0 : index
      %swap3A_827 = tpu.vector_load %arg10[%swap3A_825, %swap3A_826] {strides = array<i32>} : memref<32x16xf32, #tpu.memory_space<vmem>>, vector<16xf32>,
      tpu.vector_store %arg10[%swap3A_825, %swap3A_826], %gather3A_823 {strides = array<i32>} : memref<32x16xf32, #tpu.memory_space<vmem>>, vector<16xf32>,
      %broadcast_in_dim3A_828 = arith.constant 7 : i32
      %broadcast_in_dim3A_829 = vector.broadcast %broadcast_in_dim3A_828 : i32 to vector<16xi32>
      %gather3A_830 = tpu.vector_load_idx %arg9[%iota3A, %broadcast_in_dim3A_778, %broadcast_in_dim3A_829, %and3A_605] : memref<16x4x8x128xf32, #tpu.memory_space<vmem>>[vector<16xi32>, vector<16xi32>, vector<16xi32>, vector<16xi32>], vector<16xf32>,
      %swap3A_831 = arith.constant 31 : i32
      %swap3A_832 = arith.index_cast %swap3A_831 : i32 to index
      %swap3A_833 = arith.constant 0 : index
      %swap3A_834 = tpu.vector_load %arg10[%swap3A_832, %swap3A_833] {strides = array<i32>} : memref<32x16xf32, #tpu.memory_space<vmem>>, vector<16xf32>,
      tpu.vector_store %arg10[%swap3A_832, %swap3A_833], %gather3A_830 {strides = array<i32>} : memref<32x16xf32, #tpu.memory_space<vmem>>, vector<16xf32>,
      %and3A_835 = arith.constant -128 : i32
      %and3A_836 = vector.broadcast %and3A_835 : i32 to vector<16xi32>
      %and3A_837 = arith.andi %get3A_13, %and3A_836 : vector<16xi32>
      %slice3A_838 = vector.extract_strided_slice %and3A_837 {offsets = [0], sizes = [1], strides = [1]} : vector<16xi32> to vector<1xi32>
      %squeeze3A_839 = vector.extract %slice3A_838[0] : i32 from vector<1xi32>
      %multiple_of3A_840 = tpu.assume_multiple %squeeze3A_839, 128 : i32
      %dma_start3A_841 = arith.constant 0 : i32
      %dma_start3A_842 = arith.constant 0 : i32
      %dma_start3A_843 = arith.constant 0 : i32
      %dma_start3A_844 = arith.constant 0 : i32
      %dma_start3A_845 = tpu.memref_slice %arg9[%dma_start3A_841, %dma_start3A_842, %dma_start3A_843, %dma_start3A_844] : memref<16x4x8x128xf32, #tpu.memory_space<vmem>> -> memref<1x4x8x128xf32, #tpu.memory_space<vmem>>
      %dma_start3A_846 = tpu.memref_squeeze %dma_start3A_845 : memref<1x4x8x128xf32, #tpu.memory_space<vmem>> -> memref<4x8x128xf32, #tpu.memory_space<vmem>>
      %dma_start3A_847 = arith.constant 0 : i32
      %dma_start3A_848 = arith.constant 0 : i32
      %dma_start3A_849 = tpu.memref_slice %arg5[%dma_start3A_847, %dma_start3A_848, %multiple_of3A_840] : memref<4x8x1000000xf32, #tpu.memory_space<hbm>> -> memref<4x8x128xf32, #tpu.memory_space<hbm>>
      %dma_start3A_850 = arith.constant 0 : i32
      %dma_start3A_851 = arith.constant 0 : i32
      %dma_start3A_852 = arith.constant 0 : i32
      %dma_start3A_853 = tpu.memref_slice %arg9[%dma_start3A_841, %dma_start3A_850, %dma_start3A_851, %dma_start3A_852] : memref<16x4x8x128xf32, #tpu.memory_space<vmem>> -> memref<1x4x8x128xf32, #tpu.memory_space<vmem>>
      %dma_start3A_854 = tpu.memref_squeeze %dma_start3A_853 : memref<1x4x8x128xf32, #tpu.memory_space<vmem>> -> memref<4x8x128xf32, #tpu.memory_space<vmem>>
      %dma_start3A_855 = arith.constant 0 : i32
      %dma_start3A_856 = arith.constant 0 : i32
      %dma_start3A_857 = tpu.memref_slice %arg5[%dma_start3A_855, %dma_start3A_856, %multiple_of3A_840] : memref<4x8x1000000xf32, #tpu.memory_space<hbm>> -> memref<4x8x128xf32, #tpu.memory_space<hbm>>
      tpu.enqueue_dma source(%dma_start3A_857 : memref<4x8x128xf32, #tpu.memory_space<hbm>>) target(%dma_start3A_854 : memref<4x8x128xf32, #tpu.memory_space<vmem>>) target_semaphore(%arg12 : memref<!tpu.dma_semaphore, #tpu.memory_space<semaphore_mem>>)
      %slice3A_858 = vector.extract_strided_slice %and3A_837 {offsets = [1], sizes = [1], strides = [1]} : vector<16xi32> to vector<1xi32>
      %squeeze3A_859 = vector.extract %slice3A_858[0] : i32 from vector<1xi32>
      %multiple_of3A_860 = tpu.assume_multiple %squeeze3A_859, 128 : i32
      %dma_start3A_861 = arith.constant 1 : i32
      %dma_start3A_862 = arith.constant 0 : i32
      %dma_start3A_863 = arith.constant 0 : i32
      %dma_start3A_864 = arith.constant 0 : i32
      %dma_start3A_865 = tpu.memref_slice %arg9[%dma_start3A_861, %dma_start3A_862, %dma_start3A_863, %dma_start3A_864] : memref<16x4x8x128xf32, #tpu.memory_space<vmem>> -> memref<1x4x8x128xf32, #tpu.memory_space<vmem>>
      %dma_start3A_866 = tpu.memref_squeeze %dma_start3A_865 : memref<1x4x8x128xf32, #tpu.memory_space<vmem>> -> memref<4x8x128xf32, #tpu.memory_space<vmem>>
      %dma_start3A_867 = arith.constant 0 : i32
      %dma_start3A_868 = arith.constant 0 : i32
      %dma_start3A_869 = tpu.memref_slice %arg5[%dma_start3A_867, %dma_start3A_868, %multiple_of3A_860] : memref<4x8x1000000xf32, #tpu.memory_space<hbm>> -> memref<4x8x128xf32, #tpu.memory_space<hbm>>
      %dma_start3A_870 = arith.constant 0 : i32
      %dma_start3A_871 = arith.constant 0 : i32
      %dma_start3A_872 = arith.constant 0 : i32
      %dma_start3A_873 = tpu.memref_slice %arg9[%dma_start3A_861, %dma_start3A_870, %dma_start3A_871, %dma_start3A_872] : memref<16x4x8x128xf32, #tpu.memory_space<vmem>> -> memref<1x4x8x128xf32, #tpu.memory_space<vmem>>
      %dma_start3A_874 = tpu.memref_squeeze %dma_start3A_873 : memref<1x4x8x128xf32, #tpu.memory_space<vmem>> -> memref<4x8x128xf32, #tpu.memory_space<vmem>>
      %dma_start3A_875 = arith.constant 0 : i32
      %dma_start3A_876 = arith.constant 0 : i32
      %dma_start3A_877 = tpu.memref_slice %arg5[%dma_start3A_875, %dma_start3A_876, %multiple_of3A_860] : memref<4x8x1000000xf32, #tpu.memory_space<hbm>> -> memref<4x8x128xf32, #tpu.memory_space<hbm>>
      tpu.enqueue_dma source(%dma_start3A_877 : memref<4x8x128xf32, #tpu.memory_space<hbm>>) target(%dma_start3A_874 : memref<4x8x128xf32, #tpu.memory_space<vmem>>) target_semaphore(%arg12 : memref<!tpu.dma_semaphore, #tpu.memory_space<semaphore_mem>>)
      %slice3A_878 = vector.extract_strided_slice %and3A_837 {offsets = [2], sizes = [1], strides = [1]} : vector<16xi32> to vector<1xi32>
      %squeeze3A_879 = vector.extract %slice3A_878[0] : i32 from vector<1xi32>
      %multiple_of3A_880 = tpu.assume_multiple %squeeze3A_879, 128 : i32
      %dma_start3A_881 = arith.constant 2 : i32
      %dma_start3A_882 = arith.constant 0 : i32
      %dma_start3A_883 = arith.constant 0 : i32
      %dma_start3A_884 = arith.constant 0 : i32
      %dma_start3A_885 = tpu.memref_slice %arg9[%dma_start3A_881, %dma_start3A_882, %dma_start3A_883, %dma_start3A_884] : memref<16x4x8x128xf32, #tpu.memory_space<vmem>> -> memref<1x4x8x128xf32, #tpu.memory_space<vmem>>
      %dma_start3A_886 = tpu.memref_squeeze %dma_start3A_885 : memref<1x4x8x128xf32, #tpu.memory_space<vmem>> -> memref<4x8x128xf32, #tpu.memory_space<vmem>>
      %dma_start3A_887 = arith.constant 0 : i32
      %dma_start3A_888 = arith.constant 0 : i32
      %dma_start3A_889 = tpu.memref_slice %arg5[%dma_start3A_887, %dma_start3A_888, %multiple_of3A_880] : memref<4x8x1000000xf32, #tpu.memory_space<hbm>> -> memref<4x8x128xf32, #tpu.memory_space<hbm>>
      %dma_start3A_890 = arith.constant 0 : i32
      %dma_start3A_891 = arith.constant 0 : i32
      %dma_start3A_892 = arith.constant 0 : i32
      %dma_start3A_893 = tpu.memref_slice %arg9[%dma_start3A_881, %dma_start3A_890, %dma_start3A_891, %dma_start3A_892] : memref<16x4x8x128xf32, #tpu.memory_space<vmem>> -> memref<1x4x8x128xf32, #tpu.memory_space<vmem>>
      %dma_start3A_894 = tpu.memref_squeeze %dma_start3A_893 : memref<1x4x8x128xf32, #tpu.memory_space<vmem>> -> memref<4x8x128xf32, #tpu.memory_space<vmem>>
      %dma_start3A_895 = arith.constant 0 : i32
      %dma_start3A_896 = arith.constant 0 : i32
      %dma_start3A_897 = tpu.memref_slice %arg5[%dma_start3A_895, %dma_start3A_896, %multiple_of3A_880] : memref<4x8x1000000xf32, #tpu.memory_space<hbm>> -> memref<4x8x128xf32, #tpu.memory_space<hbm>>
      tpu.enqueue_dma source(%dma_start3A_897 : memref<4x8x128xf32, #tpu.memory_space<hbm>>) target(%dma_start3A_894 : memref<4x8x128xf32, #tpu.memory_space<vmem>>) target_semaphore(%arg12 : memref<!tpu.dma_semaphore, #tpu.memory_space<semaphore_mem>>)
      %slice3A_898 = vector.extract_strided_slice %and3A_837 {offsets = [3], sizes = [1], strides = [1]} : vector<16xi32> to vector<1xi32>
      %squeeze3A_899 = vector.extract %slice3A_898[0] : i32 from vector<1xi32>
      %multiple_of3A_900 = tpu.assume_multiple %squeeze3A_899, 128 : i32
      %dma_start3A_901 = arith.constant 3 : i32
      %dma_start3A_902 = arith.constant 0 : i32
      %dma_start3A_903 = arith.constant 0 : i32
      %dma_start3A_904 = arith.constant 0 : i32
      %dma_start3A_905 = tpu.memref_slice %arg9[%dma_start3A_901, %dma_start3A_902, %dma_start3A_903, %dma_start3A_904] : memref<16x4x8x128xf32, #tpu.memory_space<vmem>> -> memref<1x4x8x128xf32, #tpu.memory_space<vmem>>
      %dma_start3A_906 = tpu.memref_squeeze %dma_start3A_905 : memref<1x4x8x128xf32, #tpu.memory_space<vmem>> -> memref<4x8x128xf32, #tpu.memory_space<vmem>>
      %dma_start3A_907 = arith.constant 0 : i32
      %dma_start3A_908 = arith.constant 0 : i32
      %dma_start3A_909 = tpu.memref_slice %arg5[%dma_start3A_907, %dma_start3A_908, %multiple_of3A_900] : memref<4x8x1000000xf32, #tpu.memory_space<hbm>> -> memref<4x8x128xf32, #tpu.memory_space<hbm>>
      %dma_start3A_910 = arith.constant 0 : i32
      %dma_start3A_911 = arith.constant 0 : i32
      %dma_start3A_912 = arith.constant 0 : i32
      %dma_start3A_913 = tpu.memref_slice %arg9[%dma_start3A_901, %dma_start3A_910, %dma_start3A_911, %dma_start3A_912] : memref<16x4x8x128xf32, #tpu.memory_space<vmem>> -> memref<1x4x8x128xf32, #tpu.memory_space<vmem>>
      %dma_start3A_914 = tpu.memref_squeeze %dma_start3A_913 : memref<1x4x8x128xf32, #tpu.memory_space<vmem>> -> memref<4x8x128xf32, #tpu.memory_space<vmem>>
      %dma_start3A_915 = arith.constant 0 : i32
      %dma_start3A_916 = arith.constant 0 : i32
      %dma_start3A_917 = tpu.memref_slice %arg5[%dma_start3A_915, %dma_start3A_916, %multiple_of3A_900] : memref<4x8x1000000xf32, #tpu.memory_space<hbm>> -> memref<4x8x128xf32, #tpu.memory_space<hbm>>
      tpu.enqueue_dma source(%dma_start3A_917 : memref<4x8x128xf32, #tpu.memory_space<hbm>>) target(%dma_start3A_914 : memref<4x8x128xf32, #tpu.memory_space<vmem>>) target_semaphore(%arg12 : memref<!tpu.dma_semaphore, #tpu.memory_space<semaphore_mem>>)
      %slice3A_918 = vector.extract_strided_slice %and3A_837 {offsets = [4], sizes = [1], strides = [1]} : vector<16xi32> to vector<1xi32>
      %squeeze3A_919 = vector.extract %slice3A_918[0] : i32 from vector<1xi32>
      %multiple_of3A_920 = tpu.assume_multiple %squeeze3A_919, 128 : i32
      %dma_start3A_921 = arith.constant 4 : i32
      %dma_start3A_922 = arith.constant 0 : i32
      %dma_start3A_923 = arith.constant 0 : i32
      %dma_start3A_924 = arith.constant 0 : i32
      %dma_start3A_925 = tpu.memref_slice %arg9[%dma_start3A_921, %dma_start3A_922, %dma_start3A_923, %dma_start3A_924] : memref<16x4x8x128xf32, #tpu.memory_space<vmem>> -> memref<1x4x8x128xf32, #tpu.memory_space<vmem>>
      %dma_start3A_926 = tpu.memref_squeeze %dma_start3A_925 : memref<1x4x8x128xf32, #tpu.memory_space<vmem>> -> memref<4x8x128xf32, #tpu.memory_space<vmem>>
      %dma_start3A_927 = arith.constant 0 : i32
      %dma_start3A_928 = arith.constant 0 : i32
      %dma_start3A_929 = tpu.memref_slice %arg5[%dma_start3A_927, %dma_start3A_928, %multiple_of3A_920] : memref<4x8x1000000xf32, #tpu.memory_space<hbm>> -> memref<4x8x128xf32, #tpu.memory_space<hbm>>
      %dma_start3A_930 = arith.constant 0 : i32
      %dma_start3A_931 = arith.constant 0 : i32
      %dma_start3A_932 = arith.constant 0 : i32
      %dma_start3A_933 = tpu.memref_slice %arg9[%dma_start3A_921, %dma_start3A_930, %dma_start3A_931, %dma_start3A_932] : memref<16x4x8x128xf32, #tpu.memory_space<vmem>> -> memref<1x4x8x128xf32, #tpu.memory_space<vmem>>
      %dma_start3A_934 = tpu.memref_squeeze %dma_start3A_933 : memref<1x4x8x128xf32, #tpu.memory_space<vmem>> -> memref<4x8x128xf32, #tpu.memory_space<vmem>>
      %dma_start3A_935 = arith.constant 0 : i32
      %dma_start3A_936 = arith.constant 0 : i32
      %dma_start3A_937 = tpu.memref_slice %arg5[%dma_start3A_935, %dma_start3A_936, %multiple_of3A_920] : memref<4x8x1000000xf32, #tpu.memory_space<hbm>> -> memref<4x8x128xf32, #tpu.memory_space<hbm>>
      tpu.enqueue_dma source(%dma_start3A_937 : memref<4x8x128xf32, #tpu.memory_space<hbm>>) target(%dma_start3A_934 : memref<4x8x128xf32, #tpu.memory_space<vmem>>) target_semaphore(%arg12 : memref<!tpu.dma_semaphore, #tpu.memory_space<semaphore_mem>>)
      %slice3A_938 = vector.extract_strided_slice %and3A_837 {offsets = [5], sizes = [1], strides = [1]} : vector<16xi32> to vector<1xi32>
      %squeeze3A_939 = vector.extract %slice3A_938[0] : i32 from vector<1xi32>
      %multiple_of3A_940 = tpu.assume_multiple %squeeze3A_939, 128 : i32
      %dma_start3A_941 = arith.constant 5 : i32
      %dma_start3A_942 = arith.constant 0 : i32
      %dma_start3A_943 = arith.constant 0 : i32
      %dma_start3A_944 = arith.constant 0 : i32
      %dma_start3A_945 = tpu.memref_slice %arg9[%dma_start3A_941, %dma_start3A_942, %dma_start3A_943, %dma_start3A_944] : memref<16x4x8x128xf32, #tpu.memory_space<vmem>> -> memref<1x4x8x128xf32, #tpu.memory_space<vmem>>
      %dma_start3A_946 = tpu.memref_squeeze %dma_start3A_945 : memref<1x4x8x128xf32, #tpu.memory_space<vmem>> -> memref<4x8x128xf32, #tpu.memory_space<vmem>>
      %dma_start3A_947 = arith.constant 0 : i32
      %dma_start3A_948 = arith.constant 0 : i32
      %dma_start3A_949 = tpu.memref_slice %arg5[%dma_start3A_947, %dma_start3A_948, %multiple_of3A_940] : memref<4x8x1000000xf32, #tpu.memory_space<hbm>> -> memref<4x8x128xf32, #tpu.memory_space<hbm>>
      %dma_start3A_950 = arith.constant 0 : i32
      %dma_start3A_951 = arith.constant 0 : i32
      %dma_start3A_952 = arith.constant 0 : i32
      %dma_start3A_953 = tpu.memref_slice %arg9[%dma_start3A_941, %dma_start3A_950, %dma_start3A_951, %dma_start3A_952] : memref<16x4x8x128xf32, #tpu.memory_space<vmem>> -> memref<1x4x8x128xf32, #tpu.memory_space<vmem>>
      %dma_start3A_954 = tpu.memref_squeeze %dma_start3A_953 : memref<1x4x8x128xf32, #tpu.memory_space<vmem>> -> memref<4x8x128xf32, #tpu.memory_space<vmem>>
      %dma_start3A_955 = arith.constant 0 : i32
      %dma_start3A_956 = arith.constant 0 : i32
      %dma_start3A_957 = tpu.memref_slice %arg5[%dma_start3A_955, %dma_start3A_956, %multiple_of3A_940] : memref<4x8x1000000xf32, #tpu.memory_space<hbm>> -> memref<4x8x128xf32, #tpu.memory_space<hbm>>
      tpu.enqueue_dma source(%dma_start3A_957 : memref<4x8x128xf32, #tpu.memory_space<hbm>>) target(%dma_start3A_954 : memref<4x8x128xf32, #tpu.memory_space<vmem>>) target_semaphore(%arg12 : memref<!tpu.dma_semaphore, #tpu.memory_space<semaphore_mem>>)
      %slice3A_958 = vector.extract_strided_slice %and3A_837 {offsets = [6], sizes = [1], strides = [1]} : vector<16xi32> to vector<1xi32>
      %squeeze3A_959 = vector.extract %slice3A_958[0] : i32 from vector<1xi32>
      %multiple_of3A_960 = tpu.assume_multiple %squeeze3A_959, 128 : i32
      %dma_start3A_961 = arith.constant 6 : i32
      %dma_start3A_962 = arith.constant 0 : i32
      %dma_start3A_963 = arith.constant 0 : i32
      %dma_start3A_964 = arith.constant 0 : i32
      %dma_start3A_965 = tpu.memref_slice %arg9[%dma_start3A_961, %dma_start3A_962, %dma_start3A_963, %dma_start3A_964] : memref<16x4x8x128xf32, #tpu.memory_space<vmem>> -> memref<1x4x8x128xf32, #tpu.memory_space<vmem>>
      %dma_start3A_966 = tpu.memref_squeeze %dma_start3A_965 : memref<1x4x8x128xf32, #tpu.memory_space<vmem>> -> memref<4x8x128xf32, #tpu.memory_space<vmem>>
      %dma_start3A_967 = arith.constant 0 : i32
      %dma_start3A_968 = arith.constant 0 : i32
      %dma_start3A_969 = tpu.memref_slice %arg5[%dma_start3A_967, %dma_start3A_968, %multiple_of3A_960] : memref<4x8x1000000xf32, #tpu.memory_space<hbm>> -> memref<4x8x128xf32, #tpu.memory_space<hbm>>
      %dma_start3A_970 = arith.constant 0 : i32
      %dma_start3A_971 = arith.constant 0 : i32
      %dma_start3A_972 = arith.constant 0 : i32
      %dma_start3A_973 = tpu.memref_slice %arg9[%dma_start3A_961, %dma_start3A_970, %dma_start3A_971, %dma_start3A_972] : memref<16x4x8x128xf32, #tpu.memory_space<vmem>> -> memref<1x4x8x128xf32, #tpu.memory_space<vmem>>
      %dma_start3A_974 = tpu.memref_squeeze %dma_start3A_973 : memref<1x4x8x128xf32, #tpu.memory_space<vmem>> -> memref<4x8x128xf32, #tpu.memory_space<vmem>>
      %dma_start3A_975 = arith.constant 0 : i32
      %dma_start3A_976 = arith.constant 0 : i32
      %dma_start3A_977 = tpu.memref_slice %arg5[%dma_start3A_975, %dma_start3A_976, %multiple_of3A_960] : memref<4x8x1000000xf32, #tpu.memory_space<hbm>> -> memref<4x8x128xf32, #tpu.memory_space<hbm>>
      tpu.enqueue_dma source(%dma_start3A_977 : memref<4x8x128xf32, #tpu.memory_space<hbm>>) target(%dma_start3A_974 : memref<4x8x128xf32, #tpu.memory_space<vmem>>) target_semaphore(%arg12 : memref<!tpu.dma_semaphore, #tpu.memory_space<semaphore_mem>>)
      %slice3A_978 = vector.extract_strided_slice %and3A_837 {offsets = [7], sizes = [1], strides = [1]} : vector<16xi32> to vector<1xi32>
      %squeeze3A_979 = vector.extract %slice3A_978[0] : i32 from vector<1xi32>
      %multiple_of3A_980 = tpu.assume_multiple %squeeze3A_979, 128 : i32
      %dma_start3A_981 = arith.constant 7 : i32
      %dma_start3A_982 = arith.constant 0 : i32
      %dma_start3A_983 = arith.constant 0 : i32
      %dma_start3A_984 = arith.constant 0 : i32
      %dma_start3A_985 = tpu.memref_slice %arg9[%dma_start3A_981, %dma_start3A_982, %dma_start3A_983, %dma_start3A_984] : memref<16x4x8x128xf32, #tpu.memory_space<vmem>> -> memref<1x4x8x128xf32, #tpu.memory_space<vmem>>
      %dma_start3A_986 = tpu.memref_squeeze %dma_start3A_985 : memref<1x4x8x128xf32, #tpu.memory_space<vmem>> -> memref<4x8x128xf32, #tpu.memory_space<vmem>>
      %dma_start3A_987 = arith.constant 0 : i32
      %dma_start3A_988 = arith.constant 0 : i32
      %dma_start3A_989 = tpu.memref_slice %arg5[%dma_start3A_987, %dma_start3A_988, %multiple_of3A_980] : memref<4x8x1000000xf32, #tpu.memory_space<hbm>> -> memref<4x8x128xf32, #tpu.memory_space<hbm>>
      %dma_start3A_990 = arith.constant 0 : i32
      %dma_start3A_991 = arith.constant 0 : i32
      %dma_start3A_992 = arith.constant 0 : i32
      %dma_start3A_993 = tpu.memref_slice %arg9[%dma_start3A_981, %dma_start3A_990, %dma_start3A_991, %dma_start3A_992] : memref<16x4x8x128xf32, #tpu.memory_space<vmem>> -> memref<1x4x8x128xf32, #tpu.memory_space<vmem>>
      %dma_start3A_994 = tpu.memref_squeeze %dma_start3A_993 : memref<1x4x8x128xf32, #tpu.memory_space<vmem>> -> memref<4x8x128xf32, #tpu.memory_space<vmem>>
      %dma_start3A_995 = arith.constant 0 : i32
      %dma_start3A_996 = arith.constant 0 : i32
      %dma_start3A_997 = tpu.memref_slice %arg5[%dma_start3A_995, %dma_start3A_996, %multiple_of3A_980] : memref<4x8x1000000xf32, #tpu.memory_space<hbm>> -> memref<4x8x128xf32, #tpu.memory_space<hbm>>
      tpu.enqueue_dma source(%dma_start3A_997 : memref<4x8x128xf32, #tpu.memory_space<hbm>>) target(%dma_start3A_994 : memref<4x8x128xf32, #tpu.memory_space<vmem>>) target_semaphore(%arg12 : memref<!tpu.dma_semaphore, #tpu.memory_space<semaphore_mem>>)
      %slice3A_998 = vector.extract_strided_slice %and3A_837 {offsets = [8], sizes = [1], strides = [1]} : vector<16xi32> to vector<1xi32>
      %squeeze3A_999 = vector.extract %slice3A_998[0] : i32 from vector<1xi32>
      %multiple_of3A_1000 = tpu.assume_multiple %squeeze3A_999, 128 : i32
      %dma_start3A_1001 = arith.constant 8 : i32
      %dma_start3A_1002 = arith.constant 0 : i32
      %dma_start3A_1003 = arith.constant 0 : i32
      %dma_start3A_1004 = arith.constant 0 : i32
      %dma_start3A_1005 = tpu.memref_slice %arg9[%dma_start3A_1001, %dma_start3A_1002, %dma_start3A_1003, %dma_start3A_1004] : memref<16x4x8x128xf32, #tpu.memory_space<vmem>> -> memref<1x4x8x128xf32, #tpu.memory_space<vmem>>
      %dma_start3A_1006 = tpu.memref_squeeze %dma_start3A_1005 : memref<1x4x8x128xf32, #tpu.memory_space<vmem>> -> memref<4x8x128xf32, #tpu.memory_space<vmem>>
      %dma_start3A_1007 = arith.constant 0 : i32
      %dma_start3A_1008 = arith.constant 0 : i32
      %dma_start3A_1009 = tpu.memref_slice %arg5[%dma_start3A_1007, %dma_start3A_1008, %multiple_of3A_1000] : memref<4x8x1000000xf32, #tpu.memory_space<hbm>> -> memref<4x8x128xf32, #tpu.memory_space<hbm>>
      %dma_start3A_1010 = arith.constant 0 : i32
      %dma_start3A_1011 = arith.constant 0 : i32
      %dma_start3A_1012 = arith.constant 0 : i32
      %dma_start3A_1013 = tpu.memref_slice %arg9[%dma_start3A_1001, %dma_start3A_1010, %dma_start3A_1011, %dma_start3A_1012] : memref<16x4x8x128xf32, #tpu.memory_space<vmem>> -> memref<1x4x8x128xf32, #tpu.memory_space<vmem>>
      %dma_start3A_1014 = tpu.memref_squeeze %dma_start3A_1013 : memref<1x4x8x128xf32, #tpu.memory_space<vmem>> -> memref<4x8x128xf32, #tpu.memory_space<vmem>>
      %dma_start3A_1015 = arith.constant 0 : i32
      %dma_start3A_1016 = arith.constant 0 : i32
      %dma_start3A_1017 = tpu.memref_slice %arg5[%dma_start3A_1015, %dma_start3A_1016, %multiple_of3A_1000] : memref<4x8x1000000xf32, #tpu.memory_space<hbm>> -> memref<4x8x128xf32, #tpu.memory_space<hbm>>
      tpu.enqueue_dma source(%dma_start3A_1017 : memref<4x8x128xf32, #tpu.memory_space<hbm>>) target(%dma_start3A_1014 : memref<4x8x128xf32, #tpu.memory_space<vmem>>) target_semaphore(%arg12 : memref<!tpu.dma_semaphore, #tpu.memory_space<semaphore_mem>>)
      %slice3A_1018 = vector.extract_strided_slice %and3A_837 {offsets = [9], sizes = [1], strides = [1]} : vector<16xi32> to vector<1xi32>
      %squeeze3A_1019 = vector.extract %slice3A_1018[0] : i32 from vector<1xi32>
      %multiple_of3A_1020 = tpu.assume_multiple %squeeze3A_1019, 128 : i32
      %dma_start3A_1021 = arith.constant 9 : i32
      %dma_start3A_1022 = arith.constant 0 : i32
      %dma_start3A_1023 = arith.constant 0 : i32
      %dma_start3A_1024 = arith.constant 0 : i32
      %dma_start3A_1025 = tpu.memref_slice %arg9[%dma_start3A_1021, %dma_start3A_1022, %dma_start3A_1023, %dma_start3A_1024] : memref<16x4x8x128xf32, #tpu.memory_space<vmem>> -> memref<1x4x8x128xf32, #tpu.memory_space<vmem>>
      %dma_start3A_1026 = tpu.memref_squeeze %dma_start3A_1025 : memref<1x4x8x128xf32, #tpu.memory_space<vmem>> -> memref<4x8x128xf32, #tpu.memory_space<vmem>>
      %dma_start3A_1027 = arith.constant 0 : i32
      %dma_start3A_1028 = arith.constant 0 : i32
      %dma_start3A_1029 = tpu.memref_slice %arg5[%dma_start3A_1027, %dma_start3A_1028, %multiple_of3A_1020] : memref<4x8x1000000xf32, #tpu.memory_space<hbm>> -> memref<4x8x128xf32, #tpu.memory_space<hbm>>
      %dma_start3A_1030 = arith.constant 0 : i32
      %dma_start3A_1031 = arith.constant 0 : i32
      %dma_start3A_1032 = arith.constant 0 : i32
      %dma_start3A_1033 = tpu.memref_slice %arg9[%dma_start3A_1021, %dma_start3A_1030, %dma_start3A_1031, %dma_start3A_1032] : memref<16x4x8x128xf32, #tpu.memory_space<vmem>> -> memref<1x4x8x128xf32, #tpu.memory_space<vmem>>
      %dma_start3A_1034 = tpu.memref_squeeze %dma_start3A_1033 : memref<1x4x8x128xf32, #tpu.memory_space<vmem>> -> memref<4x8x128xf32, #tpu.memory_space<vmem>>
      %dma_start3A_1035 = arith.constant 0 : i32
      %dma_start3A_1036 = arith.constant 0 : i32
      %dma_start3A_1037 = tpu.memref_slice %arg5[%dma_start3A_1035, %dma_start3A_1036, %multiple_of3A_1020] : memref<4x8x1000000xf32, #tpu.memory_space<hbm>> -> memref<4x8x128xf32, #tpu.memory_space<hbm>>
      tpu.enqueue_dma source(%dma_start3A_1037 : memref<4x8x128xf32, #tpu.memory_space<hbm>>) target(%dma_start3A_1034 : memref<4x8x128xf32, #tpu.memory_space<vmem>>) target_semaphore(%arg12 : memref<!tpu.dma_semaphore, #tpu.memory_space<semaphore_mem>>)
      %slice3A_1038 = vector.extract_strided_slice %and3A_837 {offsets = [10], sizes = [1], strides = [1]} : vector<16xi32> to vector<1xi32>
      %squeeze3A_1039 = vector.extract %slice3A_1038[0] : i32 from vector<1xi32>
      %multiple_of3A_1040 = tpu.assume_multiple %squeeze3A_1039, 128 : i32
      %dma_start3A_1041 = arith.constant 10 : i32
      %dma_start3A_1042 = arith.constant 0 : i32
      %dma_start3A_1043 = arith.constant 0 : i32
      %dma_start3A_1044 = arith.constant 0 : i32
      %dma_start3A_1045 = tpu.memref_slice %arg9[%dma_start3A_1041, %dma_start3A_1042, %dma_start3A_1043, %dma_start3A_1044] : memref<16x4x8x128xf32, #tpu.memory_space<vmem>> -> memref<1x4x8x128xf32, #tpu.memory_space<vmem>>
      %dma_start3A_1046 = tpu.memref_squeeze %dma_start3A_1045 : memref<1x4x8x128xf32, #tpu.memory_space<vmem>> -> memref<4x8x128xf32, #tpu.memory_space<vmem>>
      %dma_start3A_1047 = arith.constant 0 : i32
      %dma_start3A_1048 = arith.constant 0 : i32
      %dma_start3A_1049 = tpu.memref_slice %arg5[%dma_start3A_1047, %dma_start3A_1048, %multiple_of3A_1040] : memref<4x8x1000000xf32, #tpu.memory_space<hbm>> -> memref<4x8x128xf32, #tpu.memory_space<hbm>>
      %dma_start3A_1050 = arith.constant 0 : i32
      %dma_start3A_1051 = arith.constant 0 : i32
      %dma_start3A_1052 = arith.constant 0 : i32
      %dma_start3A_1053 = tpu.memref_slice %arg9[%dma_start3A_1041, %dma_start3A_1050, %dma_start3A_1051, %dma_start3A_1052] : memref<16x4x8x128xf32, #tpu.memory_space<vmem>> -> memref<1x4x8x128xf32, #tpu.memory_space<vmem>>
      %dma_start3A_1054 = tpu.memref_squeeze %dma_start3A_1053 : memref<1x4x8x128xf32, #tpu.memory_space<vmem>> -> memref<4x8x128xf32, #tpu.memory_space<vmem>>
      %dma_start3A_1055 = arith.constant 0 : i32
      %dma_start3A_1056 = arith.constant 0 : i32
      %dma_start3A_1057 = tpu.memref_slice %arg5[%dma_start3A_1055, %dma_start3A_1056, %multiple_of3A_1040] : memref<4x8x1000000xf32, #tpu.memory_space<hbm>> -> memref<4x8x128xf32, #tpu.memory_space<hbm>>
      tpu.enqueue_dma source(%dma_start3A_1057 : memref<4x8x128xf32, #tpu.memory_space<hbm>>) target(%dma_start3A_1054 : memref<4x8x128xf32, #tpu.memory_space<vmem>>) target_semaphore(%arg12 : memref<!tpu.dma_semaphore, #tpu.memory_space<semaphore_mem>>)
      %slice3A_1058 = vector.extract_strided_slice %and3A_837 {offsets = [11], sizes = [1], strides = [1]} : vector<16xi32> to vector<1xi32>
      %squeeze3A_1059 = vector.extract %slice3A_1058[0] : i32 from vector<1xi32>
      %multiple_of3A_1060 = tpu.assume_multiple %squeeze3A_1059, 128 : i32
      %dma_start3A_1061 = arith.constant 11 : i32
      %dma_start3A_1062 = arith.constant 0 : i32
      %dma_start3A_1063 = arith.constant 0 : i32
      %dma_start3A_1064 = arith.constant 0 : i32
      %dma_start3A_1065 = tpu.memref_slice %arg9[%dma_start3A_1061, %dma_start3A_1062, %dma_start3A_1063, %dma_start3A_1064] : memref<16x4x8x128xf32, #tpu.memory_space<vmem>> -> memref<1x4x8x128xf32, #tpu.memory_space<vmem>>
      %dma_start3A_1066 = tpu.memref_squeeze %dma_start3A_1065 : memref<1x4x8x128xf32, #tpu.memory_space<vmem>> -> memref<4x8x128xf32, #tpu.memory_space<vmem>>
      %dma_start3A_1067 = arith.constant 0 : i32
      %dma_start3A_1068 = arith.constant 0 : i32
      %dma_start3A_1069 = tpu.memref_slice %arg5[%dma_start3A_1067, %dma_start3A_1068, %multiple_of3A_1060] : memref<4x8x1000000xf32, #tpu.memory_space<hbm>> -> memref<4x8x128xf32, #tpu.memory_space<hbm>>
      %dma_start3A_1070 = arith.constant 0 : i32
      %dma_start3A_1071 = arith.constant 0 : i32
      %dma_start3A_1072 = arith.constant 0 : i32
      %dma_start3A_1073 = tpu.memref_slice %arg9[%dma_start3A_1061, %dma_start3A_1070, %dma_start3A_1071, %dma_start3A_1072] : memref<16x4x8x128xf32, #tpu.memory_space<vmem>> -> memref<1x4x8x128xf32, #tpu.memory_space<vmem>>
      %dma_start3A_1074 = tpu.memref_squeeze %dma_start3A_1073 : memref<1x4x8x128xf32, #tpu.memory_space<vmem>> -> memref<4x8x128xf32, #tpu.memory_space<vmem>>
      %dma_start3A_1075 = arith.constant 0 : i32
      %dma_start3A_1076 = arith.constant 0 : i32
      %dma_start3A_1077 = tpu.memref_slice %arg5[%dma_start3A_1075, %dma_start3A_1076, %multiple_of3A_1060] : memref<4x8x1000000xf32, #tpu.memory_space<hbm>> -> memref<4x8x128xf32, #tpu.memory_space<hbm>>
      tpu.enqueue_dma source(%dma_start3A_1077 : memref<4x8x128xf32, #tpu.memory_space<hbm>>) target(%dma_start3A_1074 : memref<4x8x128xf32, #tpu.memory_space<vmem>>) target_semaphore(%arg12 : memref<!tpu.dma_semaphore, #tpu.memory_space<semaphore_mem>>)
      %slice3A_1078 = vector.extract_strided_slice %and3A_837 {offsets = [12], sizes = [1], strides = [1]} : vector<16xi32> to vector<1xi32>
      %squeeze3A_1079 = vector.extract %slice3A_1078[0] : i32 from vector<1xi32>
      %multiple_of3A_1080 = tpu.assume_multiple %squeeze3A_1079, 128 : i32
      %dma_start3A_1081 = arith.constant 12 : i32
      %dma_start3A_1082 = arith.constant 0 : i32
      %dma_start3A_1083 = arith.constant 0 : i32
      %dma_start3A_1084 = arith.constant 0 : i32
      %dma_start3A_1085 = tpu.memref_slice %arg9[%dma_start3A_1081, %dma_start3A_1082, %dma_start3A_1083, %dma_start3A_1084] : memref<16x4x8x128xf32, #tpu.memory_space<vmem>> -> memref<1x4x8x128xf32, #tpu.memory_space<vmem>>
      %dma_start3A_1086 = tpu.memref_squeeze %dma_start3A_1085 : memref<1x4x8x128xf32, #tpu.memory_space<vmem>> -> memref<4x8x128xf32, #tpu.memory_space<vmem>>
      %dma_start3A_1087 = arith.constant 0 : i32
      %dma_start3A_1088 = arith.constant 0 : i32
      %dma_start3A_1089 = tpu.memref_slice %arg5[%dma_start3A_1087, %dma_start3A_1088, %multiple_of3A_1080] : memref<4x8x1000000xf32, #tpu.memory_space<hbm>> -> memref<4x8x128xf32, #tpu.memory_space<hbm>>
      %dma_start3A_1090 = arith.constant 0 : i32
      %dma_start3A_1091 = arith.constant 0 : i32
      %dma_start3A_1092 = arith.constant 0 : i32
      %dma_start3A_1093 = tpu.memref_slice %arg9[%dma_start3A_1081, %dma_start3A_1090, %dma_start3A_1091, %dma_start3A_1092] : memref<16x4x8x128xf32, #tpu.memory_space<vmem>> -> memref<1x4x8x128xf32, #tpu.memory_space<vmem>>
      %dma_start3A_1094 = tpu.memref_squeeze %dma_start3A_1093 : memref<1x4x8x128xf32, #tpu.memory_space<vmem>> -> memref<4x8x128xf32, #tpu.memory_space<vmem>>
      %dma_start3A_1095 = arith.constant 0 : i32
      %dma_start3A_1096 = arith.constant 0 : i32
      %dma_start3A_1097 = tpu.memref_slice %arg5[%dma_start3A_1095, %dma_start3A_1096, %multiple_of3A_1080] : memref<4x8x1000000xf32, #tpu.memory_space<hbm>> -> memref<4x8x128xf32, #tpu.memory_space<hbm>>
      tpu.enqueue_dma source(%dma_start3A_1097 : memref<4x8x128xf32, #tpu.memory_space<hbm>>) target(%dma_start3A_1094 : memref<4x8x128xf32, #tpu.memory_space<vmem>>) target_semaphore(%arg12 : memref<!tpu.dma_semaphore, #tpu.memory_space<semaphore_mem>>)
      %slice3A_1098 = vector.extract_strided_slice %and3A_837 {offsets = [13], sizes = [1], strides = [1]} : vector<16xi32> to vector<1xi32>
      %squeeze3A_1099 = vector.extract %slice3A_1098[0] : i32 from vector<1xi32>
      %multiple_of3A_1100 = tpu.assume_multiple %squeeze3A_1099, 128 : i32
      %dma_start3A_1101 = arith.constant 13 : i32
      %dma_start3A_1102 = arith.constant 0 : i32
      %dma_start3A_1103 = arith.constant 0 : i32
      %dma_start3A_1104 = arith.constant 0 : i32
      %dma_start3A_1105 = tpu.memref_slice %arg9[%dma_start3A_1101, %dma_start3A_1102, %dma_start3A_1103, %dma_start3A_1104] : memref<16x4x8x128xf32, #tpu.memory_space<vmem>> -> memref<1x4x8x128xf32, #tpu.memory_space<vmem>>
      %dma_start3A_1106 = tpu.memref_squeeze %dma_start3A_1105 : memref<1x4x8x128xf32, #tpu.memory_space<vmem>> -> memref<4x8x128xf32, #tpu.memory_space<vmem>>
      %dma_start3A_1107 = arith.constant 0 : i32
      %dma_start3A_1108 = arith.constant 0 : i32
      %dma_start3A_1109 = tpu.memref_slice %arg5[%dma_start3A_1107, %dma_start3A_1108, %multiple_of3A_1100] : memref<4x8x1000000xf32, #tpu.memory_space<hbm>> -> memref<4x8x128xf32, #tpu.memory_space<hbm>>
      %dma_start3A_1110 = arith.constant 0 : i32
      %dma_start3A_1111 = arith.constant 0 : i32
      %dma_start3A_1112 = arith.constant 0 : i32
      %dma_start3A_1113 = tpu.memref_slice %arg9[%dma_start3A_1101, %dma_start3A_1110, %dma_start3A_1111, %dma_start3A_1112] : memref<16x4x8x128xf32, #tpu.memory_space<vmem>> -> memref<1x4x8x128xf32, #tpu.memory_space<vmem>>
      %dma_start3A_1114 = tpu.memref_squeeze %dma_start3A_1113 : memref<1x4x8x128xf32, #tpu.memory_space<vmem>> -> memref<4x8x128xf32, #tpu.memory_space<vmem>>
      %dma_start3A_1115 = arith.constant 0 : i32
      %dma_start3A_1116 = arith.constant 0 : i32
      %dma_start3A_1117 = tpu.memref_slice %arg5[%dma_start3A_1115, %dma_start3A_1116, %multiple_of3A_1100] : memref<4x8x1000000xf32, #tpu.memory_space<hbm>> -> memref<4x8x128xf32, #tpu.memory_space<hbm>>
      tpu.enqueue_dma source(%dma_start3A_1117 : memref<4x8x128xf32, #tpu.memory_space<hbm>>) target(%dma_start3A_1114 : memref<4x8x128xf32, #tpu.memory_space<vmem>>) target_semaphore(%arg12 : memref<!tpu.dma_semaphore, #tpu.memory_space<semaphore_mem>>)
      %slice3A_1118 = vector.extract_strided_slice %and3A_837 {offsets = [14], sizes = [1], strides = [1]} : vector<16xi32> to vector<1xi32>
      %squeeze3A_1119 = vector.extract %slice3A_1118[0] : i32 from vector<1xi32>
      %multiple_of3A_1120 = tpu.assume_multiple %squeeze3A_1119, 128 : i32
      %dma_start3A_1121 = arith.constant 14 : i32
      %dma_start3A_1122 = arith.constant 0 : i32
      %dma_start3A_1123 = arith.constant 0 : i32
      %dma_start3A_1124 = arith.constant 0 : i32
      %dma_start3A_1125 = tpu.memref_slice %arg9[%dma_start3A_1121, %dma_start3A_1122, %dma_start3A_1123, %dma_start3A_1124] : memref<16x4x8x128xf32, #tpu.memory_space<vmem>> -> memref<1x4x8x128xf32, #tpu.memory_space<vmem>>
      %dma_start3A_1126 = tpu.memref_squeeze %dma_start3A_1125 : memref<1x4x8x128xf32, #tpu.memory_space<vmem>> -> memref<4x8x128xf32, #tpu.memory_space<vmem>>
      %dma_start3A_1127 = arith.constant 0 : i32
      %dma_start3A_1128 = arith.constant 0 : i32
      %dma_start3A_1129 = tpu.memref_slice %arg5[%dma_start3A_1127, %dma_start3A_1128, %multiple_of3A_1120] : memref<4x8x1000000xf32, #tpu.memory_space<hbm>> -> memref<4x8x128xf32, #tpu.memory_space<hbm>>
      %dma_start3A_1130 = arith.constant 0 : i32
      %dma_start3A_1131 = arith.constant 0 : i32
      %dma_start3A_1132 = arith.constant 0 : i32
      %dma_start3A_1133 = tpu.memref_slice %arg9[%dma_start3A_1121, %dma_start3A_1130, %dma_start3A_1131, %dma_start3A_1132] : memref<16x4x8x128xf32, #tpu.memory_space<vmem>> -> memref<1x4x8x128xf32, #tpu.memory_space<vmem>>
      %dma_start3A_1134 = tpu.memref_squeeze %dma_start3A_1133 : memref<1x4x8x128xf32, #tpu.memory_space<vmem>> -> memref<4x8x128xf32, #tpu.memory_space<vmem>>
      %dma_start3A_1135 = arith.constant 0 : i32
      %dma_start3A_1136 = arith.constant 0 : i32
      %dma_start3A_1137 = tpu.memref_slice %arg5[%dma_start3A_1135, %dma_start3A_1136, %multiple_of3A_1120] : memref<4x8x1000000xf32, #tpu.memory_space<hbm>> -> memref<4x8x128xf32, #tpu.memory_space<hbm>>
      tpu.enqueue_dma source(%dma_start3A_1137 : memref<4x8x128xf32, #tpu.memory_space<hbm>>) target(%dma_start3A_1134 : memref<4x8x128xf32, #tpu.memory_space<vmem>>) target_semaphore(%arg12 : memref<!tpu.dma_semaphore, #tpu.memory_space<semaphore_mem>>)
      %slice3A_1138 = vector.extract_strided_slice %and3A_837 {offsets = [15], sizes = [1], strides = [1]} : vector<16xi32> to vector<1xi32>
      %squeeze3A_1139 = vector.extract %slice3A_1138[0] : i32 from vector<1xi32>
      %multiple_of3A_1140 = tpu.assume_multiple %squeeze3A_1139, 128 : i32
      %dma_start3A_1141 = arith.constant 15 : i32
      %dma_start3A_1142 = arith.constant 0 : i32
      %dma_start3A_1143 = arith.constant 0 : i32
      %dma_start3A_1144 = arith.constant 0 : i32
      %dma_start3A_1145 = tpu.memref_slice %arg9[%dma_start3A_1141, %dma_start3A_1142, %dma_start3A_1143, %dma_start3A_1144] : memref<16x4x8x128xf32, #tpu.memory_space<vmem>> -> memref<1x4x8x128xf32, #tpu.memory_space<vmem>>
      %dma_start3A_1146 = tpu.memref_squeeze %dma_start3A_1145 : memref<1x4x8x128xf32, #tpu.memory_space<vmem>> -> memref<4x8x128xf32, #tpu.memory_space<vmem>>
      %dma_start3A_1147 = arith.constant 0 : i32
      %dma_start3A_1148 = arith.constant 0 : i32
      %dma_start3A_1149 = tpu.memref_slice %arg5[%dma_start3A_1147, %dma_start3A_1148, %multiple_of3A_1140] : memref<4x8x1000000xf32, #tpu.memory_space<hbm>> -> memref<4x8x128xf32, #tpu.memory_space<hbm>>
      %dma_start3A_1150 = arith.constant 0 : i32
      %dma_start3A_1151 = arith.constant 0 : i32
      %dma_start3A_1152 = arith.constant 0 : i32
      %dma_start3A_1153 = tpu.memref_slice %arg9[%dma_start3A_1141, %dma_start3A_1150, %dma_start3A_1151, %dma_start3A_1152] : memref<16x4x8x128xf32, #tpu.memory_space<vmem>> -> memref<1x4x8x128xf32, #tpu.memory_space<vmem>>
      %dma_start3A_1154 = tpu.memref_squeeze %dma_start3A_1153 : memref<1x4x8x128xf32, #tpu.memory_space<vmem>> -> memref<4x8x128xf32, #tpu.memory_space<vmem>>
      %dma_start3A_1155 = arith.constant 0 : i32
      %dma_start3A_1156 = arith.constant 0 : i32
      %dma_start3A_1157 = tpu.memref_slice %arg5[%dma_start3A_1155, %dma_start3A_1156, %multiple_of3A_1140] : memref<4x8x1000000xf32, #tpu.memory_space<hbm>> -> memref<4x8x128xf32, #tpu.memory_space<hbm>>
      tpu.enqueue_dma source(%dma_start3A_1157 : memref<4x8x128xf32, #tpu.memory_space<hbm>>) target(%dma_start3A_1154 : memref<4x8x128xf32, #tpu.memory_space<vmem>>) target_semaphore(%arg12 : memref<!tpu.dma_semaphore, #tpu.memory_space<semaphore_mem>>)
      %dma_wait3A_1158 = arith.constant 0 : i32
      %dma_wait3A_1159 = arith.constant 0 : i32
      %dma_wait3A_1160 = arith.constant 0 : i32
      %dma_wait3A_1161 = arith.constant 0 : i32
      %dma_wait3A_1162 = tpu.memref_slice %arg9[%dma_wait3A_1158, %dma_wait3A_1159, %dma_wait3A_1160, %dma_wait3A_1161] : memref<16x4x8x128xf32, #tpu.memory_space<vmem>> -> memref<1x4x8x128xf32, #tpu.memory_space<vmem>>
      %dma_wait3A_1163 = tpu.memref_squeeze %dma_wait3A_1162 : memref<1x4x8x128xf32, #tpu.memory_space<vmem>> -> memref<4x8x128xf32, #tpu.memory_space<vmem>>
      %dma_wait3A_1164 = arith.constant 0 : i32
      %dma_wait3A_1165 = arith.constant 0 : i32
      %dma_wait3A_1166 = tpu.memref_slice %arg5[%dma_wait3A_1164, %dma_wait3A_1165, %multiple_of3A_840] : memref<4x8x1000000xf32, #tpu.memory_space<hbm>> -> memref<4x8x128xf32, #tpu.memory_space<hbm>>
      %dma_wait3A_1167 = arith.constant 0 : i32
      %dma_wait3A_1168 = arith.constant 0 : i32
      %dma_wait3A_1169 = arith.constant 0 : i32
      %dma_wait3A_1170 = tpu.memref_slice %arg9[%dma_wait3A_1158, %dma_wait3A_1167, %dma_wait3A_1168, %dma_wait3A_1169] : memref<16x4x8x128xf32, #tpu.memory_space<vmem>> -> memref<1x4x8x128xf32, #tpu.memory_space<vmem>>
      %dma_wait3A_1171 = tpu.memref_squeeze %dma_wait3A_1170 : memref<1x4x8x128xf32, #tpu.memory_space<vmem>> -> memref<4x8x128xf32, #tpu.memory_space<vmem>>
      %dma_wait3A_1172 = arith.constant 0 : i32
      %dma_wait3A_1173 = arith.constant 0 : i32
      %dma_wait3A_1174 = tpu.memref_slice %arg5[%dma_wait3A_1172, %dma_wait3A_1173, %multiple_of3A_840] : memref<4x8x1000000xf32, #tpu.memory_space<hbm>> -> memref<4x8x128xf32, #tpu.memory_space<hbm>>
      tpu.wait_dma2 semaphore(%arg12 : memref<!tpu.dma_semaphore, #tpu.memory_space<semaphore_mem>>) src(%dma_wait3A_1174 : memref<4x8x128xf32, #tpu.memory_space<hbm>>) dst(%dma_wait3A_1171 : memref<4x8x128xf32, #tpu.memory_space<vmem>>)
      %dma_wait3A_1175 = arith.constant 1 : i32
      %dma_wait3A_1176 = arith.constant 0 : i32
      %dma_wait3A_1177 = arith.constant 0 : i32
      %dma_wait3A_1178 = arith.constant 0 : i32
      %dma_wait3A_1179 = tpu.memref_slice %arg9[%dma_wait3A_1175, %dma_wait3A_1176, %dma_wait3A_1177, %dma_wait3A_1178] : memref<16x4x8x128xf32, #tpu.memory_space<vmem>> -> memref<1x4x8x128xf32, #tpu.memory_space<vmem>>
      %dma_wait3A_1180 = tpu.memref_squeeze %dma_wait3A_1179 : memref<1x4x8x128xf32, #tpu.memory_space<vmem>> -> memref<4x8x128xf32, #tpu.memory_space<vmem>>
      %dma_wait3A_1181 = arith.constant 0 : i32
      %dma_wait3A_1182 = arith.constant 0 : i32
      %dma_wait3A_1183 = tpu.memref_slice %arg5[%dma_wait3A_1181, %dma_wait3A_1182, %multiple_of3A_860] : memref<4x8x1000000xf32, #tpu.memory_space<hbm>> -> memref<4x8x128xf32, #tpu.memory_space<hbm>>
      %dma_wait3A_1184 = arith.constant 0 : i32
      %dma_wait3A_1185 = arith.constant 0 : i32
      %dma_wait3A_1186 = arith.constant 0 : i32
      %dma_wait3A_1187 = tpu.memref_slice %arg9[%dma_wait3A_1175, %dma_wait3A_1184, %dma_wait3A_1185, %dma_wait3A_1186] : memref<16x4x8x128xf32, #tpu.memory_space<vmem>> -> memref<1x4x8x128xf32, #tpu.memory_space<vmem>>
      %dma_wait3A_1188 = tpu.memref_squeeze %dma_wait3A_1187 : memref<1x4x8x128xf32, #tpu.memory_space<vmem>> -> memref<4x8x128xf32, #tpu.memory_space<vmem>>
      %dma_wait3A_1189 = arith.constant 0 : i32
      %dma_wait3A_1190 = arith.constant 0 : i32
      %dma_wait3A_1191 = tpu.memref_slice %arg5[%dma_wait3A_1189, %dma_wait3A_1190, %multiple_of3A_860] : memref<4x8x1000000xf32, #tpu.memory_space<hbm>> -> memref<4x8x128xf32, #tpu.memory_space<hbm>>
      tpu.wait_dma2 semaphore(%arg12 : memref<!tpu.dma_semaphore, #tpu.memory_space<semaphore_mem>>) src(%dma_wait3A_1191 : memref<4x8x128xf32, #tpu.memory_space<hbm>>) dst(%dma_wait3A_1188 : memref<4x8x128xf32, #tpu.memory_space<vmem>>)
      %dma_wait3A_1192 = arith.constant 2 : i32
      %dma_wait3A_1193 = arith.constant 0 : i32
      %dma_wait3A_1194 = arith.constant 0 : i32
      %dma_wait3A_1195 = arith.constant 0 : i32
      %dma_wait3A_1196 = tpu.memref_slice %arg9[%dma_wait3A_1192, %dma_wait3A_1193, %dma_wait3A_1194, %dma_wait3A_1195] : memref<16x4x8x128xf32, #tpu.memory_space<vmem>> -> memref<1x4x8x128xf32, #tpu.memory_space<vmem>>
      %dma_wait3A_1197 = tpu.memref_squeeze %dma_wait3A_1196 : memref<1x4x8x128xf32, #tpu.memory_space<vmem>> -> memref<4x8x128xf32, #tpu.memory_space<vmem>>
      %dma_wait3A_1198 = arith.constant 0 : i32
      %dma_wait3A_1199 = arith.constant 0 : i32
      %dma_wait3A_1200 = tpu.memref_slice %arg5[%dma_wait3A_1198, %dma_wait3A_1199, %multiple_of3A_880] : memref<4x8x1000000xf32, #tpu.memory_space<hbm>> -> memref<4x8x128xf32, #tpu.memory_space<hbm>>
      %dma_wait3A_1201 = arith.constant 0 : i32
      %dma_wait3A_1202 = arith.constant 0 : i32
      %dma_wait3A_1203 = arith.constant 0 : i32
      %dma_wait3A_1204 = tpu.memref_slice %arg9[%dma_wait3A_1192, %dma_wait3A_1201, %dma_wait3A_1202, %dma_wait3A_1203] : memref<16x4x8x128xf32, #tpu.memory_space<vmem>> -> memref<1x4x8x128xf32, #tpu.memory_space<vmem>>
      %dma_wait3A_1205 = tpu.memref_squeeze %dma_wait3A_1204 : memref<1x4x8x128xf32, #tpu.memory_space<vmem>> -> memref<4x8x128xf32, #tpu.memory_space<vmem>>
      %dma_wait3A_1206 = arith.constant 0 : i32
      %dma_wait3A_1207 = arith.constant 0 : i32
      %dma_wait3A_1208 = tpu.memref_slice %arg5[%dma_wait3A_1206, %dma_wait3A_1207, %multiple_of3A_880] : memref<4x8x1000000xf32, #tpu.memory_space<hbm>> -> memref<4x8x128xf32, #tpu.memory_space<hbm>>
      tpu.wait_dma2 semaphore(%arg12 : memref<!tpu.dma_semaphore, #tpu.memory_space<semaphore_mem>>) src(%dma_wait3A_1208 : memref<4x8x128xf32, #tpu.memory_space<hbm>>) dst(%dma_wait3A_1205 : memref<4x8x128xf32, #tpu.memory_space<vmem>>)
      %dma_wait3A_1209 = arith.constant 3 : i32
      %dma_wait3A_1210 = arith.constant 0 : i32
      %dma_wait3A_1211 = arith.constant 0 : i32
      %dma_wait3A_1212 = arith.constant 0 : i32
      %dma_wait3A_1213 = tpu.memref_slice %arg9[%dma_wait3A_1209, %dma_wait3A_1210, %dma_wait3A_1211, %dma_wait3A_1212] : memref<16x4x8x128xf32, #tpu.memory_space<vmem>> -> memref<1x4x8x128xf32, #tpu.memory_space<vmem>>
      %dma_wait3A_1214 = tpu.memref_squeeze %dma_wait3A_1213 : memref<1x4x8x128xf32, #tpu.memory_space<vmem>> -> memref<4x8x128xf32, #tpu.memory_space<vmem>>
      %dma_wait3A_1215 = arith.constant 0 : i32
      %dma_wait3A_1216 = arith.constant 0 : i32
      %dma_wait3A_1217 = tpu.memref_slice %arg5[%dma_wait3A_1215, %dma_wait3A_1216, %multiple_of3A_900] : memref<4x8x1000000xf32, #tpu.memory_space<hbm>> -> memref<4x8x128xf32, #tpu.memory_space<hbm>>
      %dma_wait3A_1218 = arith.constant 0 : i32
      %dma_wait3A_1219 = arith.constant 0 : i32
      %dma_wait3A_1220 = arith.constant 0 : i32
      %dma_wait3A_1221 = tpu.memref_slice %arg9[%dma_wait3A_1209, %dma_wait3A_1218, %dma_wait3A_1219, %dma_wait3A_1220] : memref<16x4x8x128xf32, #tpu.memory_space<vmem>> -> memref<1x4x8x128xf32, #tpu.memory_space<vmem>>
      %dma_wait3A_1222 = tpu.memref_squeeze %dma_wait3A_1221 : memref<1x4x8x128xf32, #tpu.memory_space<vmem>> -> memref<4x8x128xf32, #tpu.memory_space<vmem>>
      %dma_wait3A_1223 = arith.constant 0 : i32
      %dma_wait3A_1224 = arith.constant 0 : i32
      %dma_wait3A_1225 = tpu.memref_slice %arg5[%dma_wait3A_1223, %dma_wait3A_1224, %multiple_of3A_900] : memref<4x8x1000000xf32, #tpu.memory_space<hbm>> -> memref<4x8x128xf32, #tpu.memory_space<hbm>>
      tpu.wait_dma2 semaphore(%arg12 : memref<!tpu.dma_semaphore, #tpu.memory_space<semaphore_mem>>) src(%dma_wait3A_1225 : memref<4x8x128xf32, #tpu.memory_space<hbm>>) dst(%dma_wait3A_1222 : memref<4x8x128xf32, #tpu.memory_space<vmem>>)
      %dma_wait3A_1226 = arith.constant 4 : i32
      %dma_wait3A_1227 = arith.constant 0 : i32
      %dma_wait3A_1228 = arith.constant 0 : i32
      %dma_wait3A_1229 = arith.constant 0 : i32
      %dma_wait3A_1230 = tpu.memref_slice %arg9[%dma_wait3A_1226, %dma_wait3A_1227, %dma_wait3A_1228, %dma_wait3A_1229] : memref<16x4x8x128xf32, #tpu.memory_space<vmem>> -> memref<1x4x8x128xf32, #tpu.memory_space<vmem>>
      %dma_wait3A_1231 = tpu.memref_squeeze %dma_wait3A_1230 : memref<1x4x8x128xf32, #tpu.memory_space<vmem>> -> memref<4x8x128xf32, #tpu.memory_space<vmem>>
      %dma_wait3A_1232 = arith.constant 0 : i32
      %dma_wait3A_1233 = arith.constant 0 : i32
      %dma_wait3A_1234 = tpu.memref_slice %arg5[%dma_wait3A_1232, %dma_wait3A_1233, %multiple_of3A_920] : memref<4x8x1000000xf32, #tpu.memory_space<hbm>> -> memref<4x8x128xf32, #tpu.memory_space<hbm>>
      %dma_wait3A_1235 = arith.constant 0 : i32
      %dma_wait3A_1236 = arith.constant 0 : i32
      %dma_wait3A_1237 = arith.constant 0 : i32
      %dma_wait3A_1238 = tpu.memref_slice %arg9[%dma_wait3A_1226, %dma_wait3A_1235, %dma_wait3A_1236, %dma_wait3A_1237] : memref<16x4x8x128xf32, #tpu.memory_space<vmem>> -> memref<1x4x8x128xf32, #tpu.memory_space<vmem>>
      %dma_wait3A_1239 = tpu.memref_squeeze %dma_wait3A_1238 : memref<1x4x8x128xf32, #tpu.memory_space<vmem>> -> memref<4x8x128xf32, #tpu.memory_space<vmem>>
      %dma_wait3A_1240 = arith.constant 0 : i32
      %dma_wait3A_1241 = arith.constant 0 : i32
      %dma_wait3A_1242 = tpu.memref_slice %arg5[%dma_wait3A_1240, %dma_wait3A_1241, %multiple_of3A_920] : memref<4x8x1000000xf32, #tpu.memory_space<hbm>> -> memref<4x8x128xf32, #tpu.memory_space<hbm>>
      tpu.wait_dma2 semaphore(%arg12 : memref<!tpu.dma_semaphore, #tpu.memory_space<semaphore_mem>>) src(%dma_wait3A_1242 : memref<4x8x128xf32, #tpu.memory_space<hbm>>) dst(%dma_wait3A_1239 : memref<4x8x128xf32, #tpu.memory_space<vmem>>)
      %dma_wait3A_1243 = arith.constant 5 : i32
      %dma_wait3A_1244 = arith.constant 0 : i32
      %dma_wait3A_1245 = arith.constant 0 : i32
      %dma_wait3A_1246 = arith.constant 0 : i32
      %dma_wait3A_1247 = tpu.memref_slice %arg9[%dma_wait3A_1243, %dma_wait3A_1244, %dma_wait3A_1245, %dma_wait3A_1246] : memref<16x4x8x128xf32, #tpu.memory_space<vmem>> -> memref<1x4x8x128xf32, #tpu.memory_space<vmem>>
      %dma_wait3A_1248 = tpu.memref_squeeze %dma_wait3A_1247 : memref<1x4x8x128xf32, #tpu.memory_space<vmem>> -> memref<4x8x128xf32, #tpu.memory_space<vmem>>
      %dma_wait3A_1249 = arith.constant 0 : i32
      %dma_wait3A_1250 = arith.constant 0 : i32
      %dma_wait3A_1251 = tpu.memref_slice %arg5[%dma_wait3A_1249, %dma_wait3A_1250, %multiple_of3A_940] : memref<4x8x1000000xf32, #tpu.memory_space<hbm>> -> memref<4x8x128xf32, #tpu.memory_space<hbm>>
      %dma_wait3A_1252 = arith.constant 0 : i32
      %dma_wait3A_1253 = arith.constant 0 : i32
      %dma_wait3A_1254 = arith.constant 0 : i32
      %dma_wait3A_1255 = tpu.memref_slice %arg9[%dma_wait3A_1243, %dma_wait3A_1252, %dma_wait3A_1253, %dma_wait3A_1254] : memref<16x4x8x128xf32, #tpu.memory_space<vmem>> -> memref<1x4x8x128xf32, #tpu.memory_space<vmem>>
      %dma_wait3A_1256 = tpu.memref_squeeze %dma_wait3A_1255 : memref<1x4x8x128xf32, #tpu.memory_space<vmem>> -> memref<4x8x128xf32, #tpu.memory_space<vmem>>
      %dma_wait3A_1257 = arith.constant 0 : i32
      %dma_wait3A_1258 = arith.constant 0 : i32
      %dma_wait3A_1259 = tpu.memref_slice %arg5[%dma_wait3A_1257, %dma_wait3A_1258, %multiple_of3A_940] : memref<4x8x1000000xf32, #tpu.memory_space<hbm>> -> memref<4x8x128xf32, #tpu.memory_space<hbm>>
      tpu.wait_dma2 semaphore(%arg12 : memref<!tpu.dma_semaphore, #tpu.memory_space<semaphore_mem>>) src(%dma_wait3A_1259 : memref<4x8x128xf32, #tpu.memory_space<hbm>>) dst(%dma_wait3A_1256 : memref<4x8x128xf32, #tpu.memory_space<vmem>>)
      %dma_wait3A_1260 = arith.constant 6 : i32
      %dma_wait3A_1261 = arith.constant 0 : i32
      %dma_wait3A_1262 = arith.constant 0 : i32
      %dma_wait3A_1263 = arith.constant 0 : i32
      %dma_wait3A_1264 = tpu.memref_slice %arg9[%dma_wait3A_1260, %dma_wait3A_1261, %dma_wait3A_1262, %dma_wait3A_1263] : memref<16x4x8x128xf32, #tpu.memory_space<vmem>> -> memref<1x4x8x128xf32, #tpu.memory_space<vmem>>
      %dma_wait3A_1265 = tpu.memref_squeeze %dma_wait3A_1264 : memref<1x4x8x128xf32, #tpu.memory_space<vmem>> -> memref<4x8x128xf32, #tpu.memory_space<vmem>>
      %dma_wait3A_1266 = arith.constant 0 : i32
      %dma_wait3A_1267 = arith.constant 0 : i32
      %dma_wait3A_1268 = tpu.memref_slice %arg5[%dma_wait3A_1266, %dma_wait3A_1267, %multiple_of3A_960] : memref<4x8x1000000xf32, #tpu.memory_space<hbm>> -> memref<4x8x128xf32, #tpu.memory_space<hbm>>
      %dma_wait3A_1269 = arith.constant 0 : i32
      %dma_wait3A_1270 = arith.constant 0 : i32
      %dma_wait3A_1271 = arith.constant 0 : i32
      %dma_wait3A_1272 = tpu.memref_slice %arg9[%dma_wait3A_1260, %dma_wait3A_1269, %dma_wait3A_1270, %dma_wait3A_1271] : memref<16x4x8x128xf32, #tpu.memory_space<vmem>> -> memref<1x4x8x128xf32, #tpu.memory_space<vmem>>
      %dma_wait3A_1273 = tpu.memref_squeeze %dma_wait3A_1272 : memref<1x4x8x128xf32, #tpu.memory_space<vmem>> -> memref<4x8x128xf32, #tpu.memory_space<vmem>>
      %dma_wait3A_1274 = arith.constant 0 : i32
      %dma_wait3A_1275 = arith.constant 0 : i32
      %dma_wait3A_1276 = tpu.memref_slice %arg5[%dma_wait3A_1274, %dma_wait3A_1275, %multiple_of3A_960] : memref<4x8x1000000xf32, #tpu.memory_space<hbm>> -> memref<4x8x128xf32, #tpu.memory_space<hbm>>
      tpu.wait_dma2 semaphore(%arg12 : memref<!tpu.dma_semaphore, #tpu.memory_space<semaphore_mem>>) src(%dma_wait3A_1276 : memref<4x8x128xf32, #tpu.memory_space<hbm>>) dst(%dma_wait3A_1273 : memref<4x8x128xf32, #tpu.memory_space<vmem>>)
      %dma_wait3A_1277 = arith.constant 7 : i32
      %dma_wait3A_1278 = arith.constant 0 : i32
      %dma_wait3A_1279 = arith.constant 0 : i32
      %dma_wait3A_1280 = arith.constant 0 : i32
      %dma_wait3A_1281 = tpu.memref_slice %arg9[%dma_wait3A_1277, %dma_wait3A_1278, %dma_wait3A_1279, %dma_wait3A_1280] : memref<16x4x8x128xf32, #tpu.memory_space<vmem>> -> memref<1x4x8x128xf32, #tpu.memory_space<vmem>>
      %dma_wait3A_1282 = tpu.memref_squeeze %dma_wait3A_1281 : memref<1x4x8x128xf32, #tpu.memory_space<vmem>> -> memref<4x8x128xf32, #tpu.memory_space<vmem>>
      %dma_wait3A_1283 = arith.constant 0 : i32
      %dma_wait3A_1284 = arith.constant 0 : i32
      %dma_wait3A_1285 = tpu.memref_slice %arg5[%dma_wait3A_1283, %dma_wait3A_1284, %multiple_of3A_980] : memref<4x8x1000000xf32, #tpu.memory_space<hbm>> -> memref<4x8x128xf32, #tpu.memory_space<hbm>>
      %dma_wait3A_1286 = arith.constant 0 : i32
      %dma_wait3A_1287 = arith.constant 0 : i32
      %dma_wait3A_1288 = arith.constant 0 : i32
      %dma_wait3A_1289 = tpu.memref_slice %arg9[%dma_wait3A_1277, %dma_wait3A_1286, %dma_wait3A_1287, %dma_wait3A_1288] : memref<16x4x8x128xf32, #tpu.memory_space<vmem>> -> memref<1x4x8x128xf32, #tpu.memory_space<vmem>>
      %dma_wait3A_1290 = tpu.memref_squeeze %dma_wait3A_1289 : memref<1x4x8x128xf32, #tpu.memory_space<vmem>> -> memref<4x8x128xf32, #tpu.memory_space<vmem>>
      %dma_wait3A_1291 = arith.constant 0 : i32
      %dma_wait3A_1292 = arith.constant 0 : i32
      %dma_wait3A_1293 = tpu.memref_slice %arg5[%dma_wait3A_1291, %dma_wait3A_1292, %multiple_of3A_980] : memref<4x8x1000000xf32, #tpu.memory_space<hbm>> -> memref<4x8x128xf32, #tpu.memory_space<hbm>>
      tpu.wait_dma2 semaphore(%arg12 : memref<!tpu.dma_semaphore, #tpu.memory_space<semaphore_mem>>) src(%dma_wait3A_1293 : memref<4x8x128xf32, #tpu.memory_space<hbm>>) dst(%dma_wait3A_1290 : memref<4x8x128xf32, #tpu.memory_space<vmem>>)
      %dma_wait3A_1294 = arith.constant 8 : i32
      %dma_wait3A_1295 = arith.constant 0 : i32
      %dma_wait3A_1296 = arith.constant 0 : i32
      %dma_wait3A_1297 = arith.constant 0 : i32
      %dma_wait3A_1298 = tpu.memref_slice %arg9[%dma_wait3A_1294, %dma_wait3A_1295, %dma_wait3A_1296, %dma_wait3A_1297] : memref<16x4x8x128xf32, #tpu.memory_space<vmem>> -> memref<1x4x8x128xf32, #tpu.memory_space<vmem>>
      %dma_wait3A_1299 = tpu.memref_squeeze %dma_wait3A_1298 : memref<1x4x8x128xf32, #tpu.memory_space<vmem>> -> memref<4x8x128xf32, #tpu.memory_space<vmem>>
      %dma_wait3A_1300 = arith.constant 0 : i32
      %dma_wait3A_1301 = arith.constant 0 : i32
      %dma_wait3A_1302 = tpu.memref_slice %arg5[%dma_wait3A_1300, %dma_wait3A_1301, %multiple_of3A_1000] : memref<4x8x1000000xf32, #tpu.memory_space<hbm>> -> memref<4x8x128xf32, #tpu.memory_space<hbm>>
      %dma_wait3A_1303 = arith.constant 0 : i32
      %dma_wait3A_1304 = arith.constant 0 : i32
      %dma_wait3A_1305 = arith.constant 0 : i32
      %dma_wait3A_1306 = tpu.memref_slice %arg9[%dma_wait3A_1294, %dma_wait3A_1303, %dma_wait3A_1304, %dma_wait3A_1305] : memref<16x4x8x128xf32, #tpu.memory_space<vmem>> -> memref<1x4x8x128xf32, #tpu.memory_space<vmem>>
      %dma_wait3A_1307 = tpu.memref_squeeze %dma_wait3A_1306 : memref<1x4x8x128xf32, #tpu.memory_space<vmem>> -> memref<4x8x128xf32, #tpu.memory_space<vmem>>
      %dma_wait3A_1308 = arith.constant 0 : i32
      %dma_wait3A_1309 = arith.constant 0 : i32
      %dma_wait3A_1310 = tpu.memref_slice %arg5[%dma_wait3A_1308, %dma_wait3A_1309, %multiple_of3A_1000] : memref<4x8x1000000xf32, #tpu.memory_space<hbm>> -> memref<4x8x128xf32, #tpu.memory_space<hbm>>
      tpu.wait_dma2 semaphore(%arg12 : memref<!tpu.dma_semaphore, #tpu.memory_space<semaphore_mem>>) src(%dma_wait3A_1310 : memref<4x8x128xf32, #tpu.memory_space<hbm>>) dst(%dma_wait3A_1307 : memref<4x8x128xf32, #tpu.memory_space<vmem>>)
      %dma_wait3A_1311 = arith.constant 9 : i32
      %dma_wait3A_1312 = arith.constant 0 : i32
      %dma_wait3A_1313 = arith.constant 0 : i32
      %dma_wait3A_1314 = arith.constant 0 : i32
      %dma_wait3A_1315 = tpu.memref_slice %arg9[%dma_wait3A_1311, %dma_wait3A_1312, %dma_wait3A_1313, %dma_wait3A_1314] : memref<16x4x8x128xf32, #tpu.memory_space<vmem>> -> memref<1x4x8x128xf32, #tpu.memory_space<vmem>>
      %dma_wait3A_1316 = tpu.memref_squeeze %dma_wait3A_1315 : memref<1x4x8x128xf32, #tpu.memory_space<vmem>> -> memref<4x8x128xf32, #tpu.memory_space<vmem>>
      %dma_wait3A_1317 = arith.constant 0 : i32
      %dma_wait3A_1318 = arith.constant 0 : i32
      %dma_wait3A_1319 = tpu.memref_slice %arg5[%dma_wait3A_1317, %dma_wait3A_1318, %multiple_of3A_1020] : memref<4x8x1000000xf32, #tpu.memory_space<hbm>> -> memref<4x8x128xf32, #tpu.memory_space<hbm>>
      %dma_wait3A_1320 = arith.constant 0 : i32
      %dma_wait3A_1321 = arith.constant 0 : i32
      %dma_wait3A_1322 = arith.constant 0 : i32
      %dma_wait3A_1323 = tpu.memref_slice %arg9[%dma_wait3A_1311, %dma_wait3A_1320, %dma_wait3A_1321, %dma_wait3A_1322] : memref<16x4x8x128xf32, #tpu.memory_space<vmem>> -> memref<1x4x8x128xf32, #tpu.memory_space<vmem>>
      %dma_wait3A_1324 = tpu.memref_squeeze %dma_wait3A_1323 : memref<1x4x8x128xf32, #tpu.memory_space<vmem>> -> memref<4x8x128xf32, #tpu.memory_space<vmem>>
      %dma_wait3A_1325 = arith.constant 0 : i32
      %dma_wait3A_1326 = arith.constant 0 : i32
      %dma_wait3A_1327 = tpu.memref_slice %arg5[%dma_wait3A_1325, %dma_wait3A_1326, %multiple_of3A_1020] : memref<4x8x1000000xf32, #tpu.memory_space<hbm>> -> memref<4x8x128xf32, #tpu.memory_space<hbm>>
      tpu.wait_dma2 semaphore(%arg12 : memref<!tpu.dma_semaphore, #tpu.memory_space<semaphore_mem>>) src(%dma_wait3A_1327 : memref<4x8x128xf32, #tpu.memory_space<hbm>>) dst(%dma_wait3A_1324 : memref<4x8x128xf32, #tpu.memory_space<vmem>>)
      %dma_wait3A_1328 = arith.constant 10 : i32
      %dma_wait3A_1329 = arith.constant 0 : i32
      %dma_wait3A_1330 = arith.constant 0 : i32
      %dma_wait3A_1331 = arith.constant 0 : i32
      %dma_wait3A_1332 = tpu.memref_slice %arg9[%dma_wait3A_1328, %dma_wait3A_1329, %dma_wait3A_1330, %dma_wait3A_1331] : memref<16x4x8x128xf32, #tpu.memory_space<vmem>> -> memref<1x4x8x128xf32, #tpu.memory_space<vmem>>
      %dma_wait3A_1333 = tpu.memref_squeeze %dma_wait3A_1332 : memref<1x4x8x128xf32, #tpu.memory_space<vmem>> -> memref<4x8x128xf32, #tpu.memory_space<vmem>>
      %dma_wait3A_1334 = arith.constant 0 : i32
      %dma_wait3A_1335 = arith.constant 0 : i32
      %dma_wait3A_1336 = tpu.memref_slice %arg5[%dma_wait3A_1334, %dma_wait3A_1335, %multiple_of3A_1040] : memref<4x8x1000000xf32, #tpu.memory_space<hbm>> -> memref<4x8x128xf32, #tpu.memory_space<hbm>>
      %dma_wait3A_1337 = arith.constant 0 : i32
      %dma_wait3A_1338 = arith.constant 0 : i32
      %dma_wait3A_1339 = arith.constant 0 : i32
      %dma_wait3A_1340 = tpu.memref_slice %arg9[%dma_wait3A_1328, %dma_wait3A_1337, %dma_wait3A_1338, %dma_wait3A_1339] : memref<16x4x8x128xf32, #tpu.memory_space<vmem>> -> memref<1x4x8x128xf32, #tpu.memory_space<vmem>>
      %dma_wait3A_1341 = tpu.memref_squeeze %dma_wait3A_1340 : memref<1x4x8x128xf32, #tpu.memory_space<vmem>> -> memref<4x8x128xf32, #tpu.memory_space<vmem>>
      %dma_wait3A_1342 = arith.constant 0 : i32
      %dma_wait3A_1343 = arith.constant 0 : i32
      %dma_wait3A_1344 = tpu.memref_slice %arg5[%dma_wait3A_1342, %dma_wait3A_1343, %multiple_of3A_1040] : memref<4x8x1000000xf32, #tpu.memory_space<hbm>> -> memref<4x8x128xf32, #tpu.memory_space<hbm>>
      tpu.wait_dma2 semaphore(%arg12 : memref<!tpu.dma_semaphore, #tpu.memory_space<semaphore_mem>>) src(%dma_wait3A_1344 : memref<4x8x128xf32, #tpu.memory_space<hbm>>) dst(%dma_wait3A_1341 : memref<4x8x128xf32, #tpu.memory_space<vmem>>)
      %dma_wait3A_1345 = arith.constant 11 : i32
      %dma_wait3A_1346 = arith.constant 0 : i32
      %dma_wait3A_1347 = arith.constant 0 : i32
      %dma_wait3A_1348 = arith.constant 0 : i32
      %dma_wait3A_1349 = tpu.memref_slice %arg9[%dma_wait3A_1345, %dma_wait3A_1346, %dma_wait3A_1347, %dma_wait3A_1348] : memref<16x4x8x128xf32, #tpu.memory_space<vmem>> -> memref<1x4x8x128xf32, #tpu.memory_space<vmem>>
      %dma_wait3A_1350 = tpu.memref_squeeze %dma_wait3A_1349 : memref<1x4x8x128xf32, #tpu.memory_space<vmem>> -> memref<4x8x128xf32, #tpu.memory_space<vmem>>
      %dma_wait3A_1351 = arith.constant 0 : i32
      %dma_wait3A_1352 = arith.constant 0 : i32
      %dma_wait3A_1353 = tpu.memref_slice %arg5[%dma_wait3A_1351, %dma_wait3A_1352, %multiple_of3A_1060] : memref<4x8x1000000xf32, #tpu.memory_space<hbm>> -> memref<4x8x128xf32, #tpu.memory_space<hbm>>
      %dma_wait3A_1354 = arith.constant 0 : i32
      %dma_wait3A_1355 = arith.constant 0 : i32
      %dma_wait3A_1356 = arith.constant 0 : i32
      %dma_wait3A_1357 = tpu.memref_slice %arg9[%dma_wait3A_1345, %dma_wait3A_1354, %dma_wait3A_1355, %dma_wait3A_1356] : memref<16x4x8x128xf32, #tpu.memory_space<vmem>> -> memref<1x4x8x128xf32, #tpu.memory_space<vmem>>
      %dma_wait3A_1358 = tpu.memref_squeeze %dma_wait3A_1357 : memref<1x4x8x128xf32, #tpu.memory_space<vmem>> -> memref<4x8x128xf32, #tpu.memory_space<vmem>>
      %dma_wait3A_1359 = arith.constant 0 : i32
      %dma_wait3A_1360 = arith.constant 0 : i32
      %dma_wait3A_1361 = tpu.memref_slice %arg5[%dma_wait3A_1359, %dma_wait3A_1360, %multiple_of3A_1060] : memref<4x8x1000000xf32, #tpu.memory_space<hbm>> -> memref<4x8x128xf32, #tpu.memory_space<hbm>>
      tpu.wait_dma2 semaphore(%arg12 : memref<!tpu.dma_semaphore, #tpu.memory_space<semaphore_mem>>) src(%dma_wait3A_1361 : memref<4x8x128xf32, #tpu.memory_space<hbm>>) dst(%dma_wait3A_1358 : memref<4x8x128xf32, #tpu.memory_space<vmem>>)
      %dma_wait3A_1362 = arith.constant 12 : i32
      %dma_wait3A_1363 = arith.constant 0 : i32
      %dma_wait3A_1364 = arith.constant 0 : i32
      %dma_wait3A_1365 = arith.constant 0 : i32
      %dma_wait3A_1366 = tpu.memref_slice %arg9[%dma_wait3A_1362, %dma_wait3A_1363, %dma_wait3A_1364, %dma_wait3A_1365] : memref<16x4x8x128xf32, #tpu.memory_space<vmem>> -> memref<1x4x8x128xf32, #tpu.memory_space<vmem>>
      %dma_wait3A_1367 = tpu.memref_squeeze %dma_wait3A_1366 : memref<1x4x8x128xf32, #tpu.memory_space<vmem>> -> memref<4x8x128xf32, #tpu.memory_space<vmem>>
      %dma_wait3A_1368 = arith.constant 0 : i32
      %dma_wait3A_1369 = arith.constant 0 : i32
      %dma_wait3A_1370 = tpu.memref_slice %arg5[%dma_wait3A_1368, %dma_wait3A_1369, %multiple_of3A_1080] : memref<4x8x1000000xf32, #tpu.memory_space<hbm>> -> memref<4x8x128xf32, #tpu.memory_space<hbm>>
      %dma_wait3A_1371 = arith.constant 0 : i32
      %dma_wait3A_1372 = arith.constant 0 : i32
      %dma_wait3A_1373 = arith.constant 0 : i32
      %dma_wait3A_1374 = tpu.memref_slice %arg9[%dma_wait3A_1362, %dma_wait3A_1371, %dma_wait3A_1372, %dma_wait3A_1373] : memref<16x4x8x128xf32, #tpu.memory_space<vmem>> -> memref<1x4x8x128xf32, #tpu.memory_space<vmem>>
      %dma_wait3A_1375 = tpu.memref_squeeze %dma_wait3A_1374 : memref<1x4x8x128xf32, #tpu.memory_space<vmem>> -> memref<4x8x128xf32, #tpu.memory_space<vmem>>
      %dma_wait3A_1376 = arith.constant 0 : i32
      %dma_wait3A_1377 = arith.constant 0 : i32
      %dma_wait3A_1378 = tpu.memref_slice %arg5[%dma_wait3A_1376, %dma_wait3A_1377, %multiple_of3A_1080] : memref<4x8x1000000xf32, #tpu.memory_space<hbm>> -> memref<4x8x128xf32, #tpu.memory_space<hbm>>
      tpu.wait_dma2 semaphore(%arg12 : memref<!tpu.dma_semaphore, #tpu.memory_space<semaphore_mem>>) src(%dma_wait3A_1378 : memref<4x8x128xf32, #tpu.memory_space<hbm>>) dst(%dma_wait3A_1375 : memref<4x8x128xf32, #tpu.memory_space<vmem>>)
      %dma_wait3A_1379 = arith.constant 13 : i32
      %dma_wait3A_1380 = arith.constant 0 : i32
      %dma_wait3A_1381 = arith.constant 0 : i32
      %dma_wait3A_1382 = arith.constant 0 : i32
      %dma_wait3A_1383 = tpu.memref_slice %arg9[%dma_wait3A_1379, %dma_wait3A_1380, %dma_wait3A_1381, %dma_wait3A_1382] : memref<16x4x8x128xf32, #tpu.memory_space<vmem>> -> memref<1x4x8x128xf32, #tpu.memory_space<vmem>>
      %dma_wait3A_1384 = tpu.memref_squeeze %dma_wait3A_1383 : memref<1x4x8x128xf32, #tpu.memory_space<vmem>> -> memref<4x8x128xf32, #tpu.memory_space<vmem>>
      %dma_wait3A_1385 = arith.constant 0 : i32
      %dma_wait3A_1386 = arith.constant 0 : i32
      %dma_wait3A_1387 = tpu.memref_slice %arg5[%dma_wait3A_1385, %dma_wait3A_1386, %multiple_of3A_1100] : memref<4x8x1000000xf32, #tpu.memory_space<hbm>> -> memref<4x8x128xf32, #tpu.memory_space<hbm>>
      %dma_wait3A_1388 = arith.constant 0 : i32
      %dma_wait3A_1389 = arith.constant 0 : i32
      %dma_wait3A_1390 = arith.constant 0 : i32
      %dma_wait3A_1391 = tpu.memref_slice %arg9[%dma_wait3A_1379, %dma_wait3A_1388, %dma_wait3A_1389, %dma_wait3A_1390] : memref<16x4x8x128xf32, #tpu.memory_space<vmem>> -> memref<1x4x8x128xf32, #tpu.memory_space<vmem>>
      %dma_wait3A_1392 = tpu.memref_squeeze %dma_wait3A_1391 : memref<1x4x8x128xf32, #tpu.memory_space<vmem>> -> memref<4x8x128xf32, #tpu.memory_space<vmem>>
      %dma_wait3A_1393 = arith.constant 0 : i32
      %dma_wait3A_1394 = arith.constant 0 : i32
      %dma_wait3A_1395 = tpu.memref_slice %arg5[%dma_wait3A_1393, %dma_wait3A_1394, %multiple_of3A_1100] : memref<4x8x1000000xf32, #tpu.memory_space<hbm>> -> memref<4x8x128xf32, #tpu.memory_space<hbm>>
      tpu.wait_dma2 semaphore(%arg12 : memref<!tpu.dma_semaphore, #tpu.memory_space<semaphore_mem>>) src(%dma_wait3A_1395 : memref<4x8x128xf32, #tpu.memory_space<hbm>>) dst(%dma_wait3A_1392 : memref<4x8x128xf32, #tpu.memory_space<vmem>>)
      %dma_wait3A_1396 = arith.constant 14 : i32
      %dma_wait3A_1397 = arith.constant 0 : i32
      %dma_wait3A_1398 = arith.constant 0 : i32
      %dma_wait3A_1399 = arith.constant 0 : i32
      %dma_wait3A_1400 = tpu.memref_slice %arg9[%dma_wait3A_1396, %dma_wait3A_1397, %dma_wait3A_1398, %dma_wait3A_1399] : memref<16x4x8x128xf32, #tpu.memory_space<vmem>> -> memref<1x4x8x128xf32, #tpu.memory_space<vmem>>
      %dma_wait3A_1401 = tpu.memref_squeeze %dma_wait3A_1400 : memref<1x4x8x128xf32, #tpu.memory_space<vmem>> -> memref<4x8x128xf32, #tpu.memory_space<vmem>>
      %dma_wait3A_1402 = arith.constant 0 : i32
      %dma_wait3A_1403 = arith.constant 0 : i32
      %dma_wait3A_1404 = tpu.memref_slice %arg5[%dma_wait3A_1402, %dma_wait3A_1403, %multiple_of3A_1120] : memref<4x8x1000000xf32, #tpu.memory_space<hbm>> -> memref<4x8x128xf32, #tpu.memory_space<hbm>>
      %dma_wait3A_1405 = arith.constant 0 : i32
      %dma_wait3A_1406 = arith.constant 0 : i32
      %dma_wait3A_1407 = arith.constant 0 : i32
      %dma_wait3A_1408 = tpu.memref_slice %arg9[%dma_wait3A_1396, %dma_wait3A_1405, %dma_wait3A_1406, %dma_wait3A_1407] : memref<16x4x8x128xf32, #tpu.memory_space<vmem>> -> memref<1x4x8x128xf32, #tpu.memory_space<vmem>>
      %dma_wait3A_1409 = tpu.memref_squeeze %dma_wait3A_1408 : memref<1x4x8x128xf32, #tpu.memory_space<vmem>> -> memref<4x8x128xf32, #tpu.memory_space<vmem>>
      %dma_wait3A_1410 = arith.constant 0 : i32
      %dma_wait3A_1411 = arith.constant 0 : i32
      %dma_wait3A_1412 = tpu.memref_slice %arg5[%dma_wait3A_1410, %dma_wait3A_1411, %multiple_of3A_1120] : memref<4x8x1000000xf32, #tpu.memory_space<hbm>> -> memref<4x8x128xf32, #tpu.memory_space<hbm>>
      tpu.wait_dma2 semaphore(%arg12 : memref<!tpu.dma_semaphore, #tpu.memory_space<semaphore_mem>>) src(%dma_wait3A_1412 : memref<4x8x128xf32, #tpu.memory_space<hbm>>) dst(%dma_wait3A_1409 : memref<4x8x128xf32, #tpu.memory_space<vmem>>)
      %dma_wait3A_1413 = arith.constant 15 : i32
      %dma_wait3A_1414 = arith.constant 0 : i32
      %dma_wait3A_1415 = arith.constant 0 : i32
      %dma_wait3A_1416 = arith.constant 0 : i32
      %dma_wait3A_1417 = tpu.memref_slice %arg9[%dma_wait3A_1413, %dma_wait3A_1414, %dma_wait3A_1415, %dma_wait3A_1416] : memref<16x4x8x128xf32, #tpu.memory_space<vmem>> -> memref<1x4x8x128xf32, #tpu.memory_space<vmem>>
      %dma_wait3A_1418 = tpu.memref_squeeze %dma_wait3A_1417 : memref<1x4x8x128xf32, #tpu.memory_space<vmem>> -> memref<4x8x128xf32, #tpu.memory_space<vmem>>
      %dma_wait3A_1419 = arith.constant 0 : i32
      %dma_wait3A_1420 = arith.constant 0 : i32
      %dma_wait3A_1421 = tpu.memref_slice %arg5[%dma_wait3A_1419, %dma_wait3A_1420, %multiple_of3A_1140] : memref<4x8x1000000xf32, #tpu.memory_space<hbm>> -> memref<4x8x128xf32, #tpu.memory_space<hbm>>
      %dma_wait3A_1422 = arith.constant 0 : i32
      %dma_wait3A_1423 = arith.constant 0 : i32
      %dma_wait3A_1424 = arith.constant 0 : i32
      %dma_wait3A_1425 = tpu.memref_slice %arg9[%dma_wait3A_1413, %dma_wait3A_1422, %dma_wait3A_1423, %dma_wait3A_1424] : memref<16x4x8x128xf32, #tpu.memory_space<vmem>> -> memref<1x4x8x128xf32, #tpu.memory_space<vmem>>
      %dma_wait3A_1426 = tpu.memref_squeeze %dma_wait3A_1425 : memref<1x4x8x128xf32, #tpu.memory_space<vmem>> -> memref<4x8x128xf32, #tpu.memory_space<vmem>>
      %dma_wait3A_1427 = arith.constant 0 : i32
      %dma_wait3A_1428 = arith.constant 0 : i32
      %dma_wait3A_1429 = tpu.memref_slice %arg5[%dma_wait3A_1427, %dma_wait3A_1428, %multiple_of3A_1140] : memref<4x8x1000000xf32, #tpu.memory_space<hbm>> -> memref<4x8x128xf32, #tpu.memory_space<hbm>>
      tpu.wait_dma2 semaphore(%arg12 : memref<!tpu.dma_semaphore, #tpu.memory_space<semaphore_mem>>) src(%dma_wait3A_1429 : memref<4x8x128xf32, #tpu.memory_space<hbm>>) dst(%dma_wait3A_1426 : memref<4x8x128xf32, #tpu.memory_space<vmem>>)
      %and3A_1430 = arith.constant 127 : i32
      %and3A_1431 = vector.broadcast %and3A_1430 : i32 to vector<16xi32>
      %and3A_1432 = arith.andi %get3A_13, %and3A_1431 : vector<16xi32>
      %broadcast_in_dim3A_1433 = arith.constant 0.000000e+00 : f32
      %broadcast_in_dim3A_1434 = vector.broadcast %broadcast_in_dim3A_1433 : f32 to vector<16xf32>
      %broadcast_in_dim3A_1435 = arith.constant 0 : i32
      %broadcast_in_dim3A_1436 = vector.broadcast %broadcast_in_dim3A_1435 : i32 to vector<16xi32>
      %broadcast_in_dim3A_1437 = arith.constant 0 : i32
      %broadcast_in_dim3A_1438 = vector.broadcast %broadcast_in_dim3A_1437 : i32 to vector<16xi32>
      %gather3A_1439 = tpu.vector_load_idx %arg9[%iota3A, %broadcast_in_dim3A_1436, %broadcast_in_dim3A_1438, %and3A_1432] : memref<16x4x8x128xf32, #tpu.memory_space<vmem>>[vector<16xi32>, vector<16xi32>, vector<16xi32>, vector<16xi32>], vector<16xf32>,
      %get3A_1440 = arith.constant 0 : i32
      %get3A_1441 = arith.index_cast %get3A_1440 : i32 to index
      %get3A_1442 = arith.constant 0 : index
      %get3A_1443 = tpu.vector_load %arg10[%get3A_1441, %get3A_1442] {strides = array<i32>} : memref<32x16xf32, #tpu.memory_space<vmem>>, vector<16xf32>,
      %mul3A_1444 = arith.mulf %get3A_1443, %gather3A_1439 : vector<16xf32>
      %add3A_1445 = arith.addf %broadcast_in_dim3A_1434, %mul3A_1444 : vector<16xf32>
      %broadcast_in_dim3A_1446 = arith.constant 1 : i32
      %broadcast_in_dim3A_1447 = vector.broadcast %broadcast_in_dim3A_1446 : i32 to vector<16xi32>
      %gather3A_1448 = tpu.vector_load_idx %arg9[%iota3A, %broadcast_in_dim3A_1436, %broadcast_in_dim3A_1447, %and3A_1432] : memref<16x4x8x128xf32, #tpu.memory_space<vmem>>[vector<16xi32>, vector<16xi32>, vector<16xi32>, vector<16xi32>], vector<16xf32>,
      %get3A_1449 = arith.constant 1 : i32
      %get3A_1450 = arith.index_cast %get3A_1449 : i32 to index
      %get3A_1451 = arith.constant 0 : index
      %get3A_1452 = tpu.vector_load %arg10[%get3A_1450, %get3A_1451] {strides = array<i32>} : memref<32x16xf32, #tpu.memory_space<vmem>>, vector<16xf32>,
      %mul3A_1453 = arith.mulf %get3A_1452, %gather3A_1448 : vector<16xf32>
      %add3A_1454 = arith.addf %add3A_1445, %mul3A_1453 : vector<16xf32>
      %broadcast_in_dim3A_1455 = arith.constant 2 : i32
      %broadcast_in_dim3A_1456 = vector.broadcast %broadcast_in_dim3A_1455 : i32 to vector<16xi32>
      %gather3A_1457 = tpu.vector_load_idx %arg9[%iota3A, %broadcast_in_dim3A_1436, %broadcast_in_dim3A_1456, %and3A_1432] : memref<16x4x8x128xf32, #tpu.memory_space<vmem>>[vector<16xi32>, vector<16xi32>, vector<16xi32>, vector<16xi32>], vector<16xf32>,
      %get3A_1458 = arith.constant 2 : i32
      %get3A_1459 = arith.index_cast %get3A_1458 : i32 to index
      %get3A_1460 = arith.constant 0 : index
      %get3A_1461 = tpu.vector_load %arg10[%get3A_1459, %get3A_1460] {strides = array<i32>} : memref<32x16xf32, #tpu.memory_space<vmem>>, vector<16xf32>,
      %mul3A_1462 = arith.mulf %get3A_1461, %gather3A_1457 : vector<16xf32>
      %add3A_1463 = arith.addf %add3A_1454, %mul3A_1462 : vector<16xf32>
      %broadcast_in_dim3A_1464 = arith.constant 3 : i32
      %broadcast_in_dim3A_1465 = vector.broadcast %broadcast_in_dim3A_1464 : i32 to vector<16xi32>
      %gather3A_1466 = tpu.vector_load_idx %arg9[%iota3A, %broadcast_in_dim3A_1436, %broadcast_in_dim3A_1465, %and3A_1432] : memref<16x4x8x128xf32, #tpu.memory_space<vmem>>[vector<16xi32>, vector<16xi32>, vector<16xi32>, vector<16xi32>], vector<16xf32>,
      %get3A_1467 = arith.constant 3 : i32
      %get3A_1468 = arith.index_cast %get3A_1467 : i32 to index
      %get3A_1469 = arith.constant 0 : index
      %get3A_1470 = tpu.vector_load %arg10[%get3A_1468, %get3A_1469] {strides = array<i32>} : memref<32x16xf32, #tpu.memory_space<vmem>>, vector<16xf32>,
      %mul3A_1471 = arith.mulf %get3A_1470, %gather3A_1466 : vector<16xf32>
      %add3A_1472 = arith.addf %add3A_1463, %mul3A_1471 : vector<16xf32>
      %broadcast_in_dim3A_1473 = arith.constant 4 : i32
      %broadcast_in_dim3A_1474 = vector.broadcast %broadcast_in_dim3A_1473 : i32 to vector<16xi32>
      %gather3A_1475 = tpu.vector_load_idx %arg9[%iota3A, %broadcast_in_dim3A_1436, %broadcast_in_dim3A_1474, %and3A_1432] : memref<16x4x8x128xf32, #tpu.memory_space<vmem>>[vector<16xi32>, vector<16xi32>, vector<16xi32>, vector<16xi32>], vector<16xf32>,
      %get3A_1476 = arith.constant 4 : i32
      %get3A_1477 = arith.index_cast %get3A_1476 : i32 to index
      %get3A_1478 = arith.constant 0 : index
      %get3A_1479 = tpu.vector_load %arg10[%get3A_1477, %get3A_1478] {strides = array<i32>} : memref<32x16xf32, #tpu.memory_space<vmem>>, vector<16xf32>,
      %mul3A_1480 = arith.mulf %get3A_1479, %gather3A_1475 : vector<16xf32>
      %add3A_1481 = arith.addf %add3A_1472, %mul3A_1480 : vector<16xf32>
      %broadcast_in_dim3A_1482 = arith.constant 5 : i32
      %broadcast_in_dim3A_1483 = vector.broadcast %broadcast_in_dim3A_1482 : i32 to vector<16xi32>
      %gather3A_1484 = tpu.vector_load_idx %arg9[%iota3A, %broadcast_in_dim3A_1436, %broadcast_in_dim3A_1483, %and3A_1432] : memref<16x4x8x128xf32, #tpu.memory_space<vmem>>[vector<16xi32>, vector<16xi32>, vector<16xi32>, vector<16xi32>], vector<16xf32>,
      %get3A_1485 = arith.constant 5 : i32
      %get3A_1486 = arith.index_cast %get3A_1485 : i32 to index
      %get3A_1487 = arith.constant 0 : index
      %get3A_1488 = tpu.vector_load %arg10[%get3A_1486, %get3A_1487] {strides = array<i32>} : memref<32x16xf32, #tpu.memory_space<vmem>>, vector<16xf32>,
      %mul3A_1489 = arith.mulf %get3A_1488, %gather3A_1484 : vector<16xf32>
      %add3A_1490 = arith.addf %add3A_1481, %mul3A_1489 : vector<16xf32>
      %broadcast_in_dim3A_1491 = arith.constant 6 : i32
      %broadcast_in_dim3A_1492 = vector.broadcast %broadcast_in_dim3A_1491 : i32 to vector<16xi32>
      %gather3A_1493 = tpu.vector_load_idx %arg9[%iota3A, %broadcast_in_dim3A_1436, %broadcast_in_dim3A_1492, %and3A_1432] : memref<16x4x8x128xf32, #tpu.memory_space<vmem>>[vector<16xi32>, vector<16xi32>, vector<16xi32>, vector<16xi32>], vector<16xf32>,
      %get3A_1494 = arith.constant 6 : i32
      %get3A_1495 = arith.index_cast %get3A_1494 : i32 to index
      %get3A_1496 = arith.constant 0 : index
      %get3A_1497 = tpu.vector_load %arg10[%get3A_1495, %get3A_1496] {strides = array<i32>} : memref<32x16xf32, #tpu.memory_space<vmem>>, vector<16xf32>,
      %mul3A_1498 = arith.mulf %get3A_1497, %gather3A_1493 : vector<16xf32>
      %add3A_1499 = arith.addf %add3A_1490, %mul3A_1498 : vector<16xf32>
      %broadcast_in_dim3A_1500 = arith.constant 7 : i32
      %broadcast_in_dim3A_1501 = vector.broadcast %broadcast_in_dim3A_1500 : i32 to vector<16xi32>
      %gather3A_1502 = tpu.vector_load_idx %arg9[%iota3A, %broadcast_in_dim3A_1436, %broadcast_in_dim3A_1501, %and3A_1432] : memref<16x4x8x128xf32, #tpu.memory_space<vmem>>[vector<16xi32>, vector<16xi32>, vector<16xi32>, vector<16xi32>], vector<16xf32>,
      %get3A_1503 = arith.constant 7 : i32
      %get3A_1504 = arith.index_cast %get3A_1503 : i32 to index
      %get3A_1505 = arith.constant 0 : index
      %get3A_1506 = tpu.vector_load %arg10[%get3A_1504, %get3A_1505] {strides = array<i32>} : memref<32x16xf32, #tpu.memory_space<vmem>>, vector<16xf32>,
      %mul3A_1507 = arith.mulf %get3A_1506, %gather3A_1502 : vector<16xf32>
      %add3A_1508 = arith.addf %add3A_1499, %mul3A_1507 : vector<16xf32>
      %broadcast_in_dim3A_1509 = arith.constant 1 : i32
      %broadcast_in_dim3A_1510 = vector.broadcast %broadcast_in_dim3A_1509 : i32 to vector<16xi32>
      %broadcast_in_dim3A_1511 = arith.constant 0 : i32
      %broadcast_in_dim3A_1512 = vector.broadcast %broadcast_in_dim3A_1511 : i32 to vector<16xi32>
      %gather3A_1513 = tpu.vector_load_idx %arg9[%iota3A, %broadcast_in_dim3A_1510, %broadcast_in_dim3A_1512, %and3A_1432] : memref<16x4x8x128xf32, #tpu.memory_space<vmem>>[vector<16xi32>, vector<16xi32>, vector<16xi32>, vector<16xi32>], vector<16xf32>,
      %get3A_1514 = arith.constant 8 : i32
      %get3A_1515 = arith.index_cast %get3A_1514 : i32 to index
      %get3A_1516 = arith.constant 0 : index
      %get3A_1517 = tpu.vector_load %arg10[%get3A_1515, %get3A_1516] {strides = array<i32>} : memref<32x16xf32, #tpu.memory_space<vmem>>, vector<16xf32>,
      %mul3A_1518 = arith.mulf %get3A_1517, %gather3A_1513 : vector<16xf32>
      %add3A_1519 = arith.addf %add3A_1508, %mul3A_1518 : vector<16xf32>
      %broadcast_in_dim3A_1520 = arith.constant 1 : i32
      %broadcast_in_dim3A_1521 = vector.broadcast %broadcast_in_dim3A_1520 : i32 to vector<16xi32>
      %gather3A_1522 = tpu.vector_load_idx %arg9[%iota3A, %broadcast_in_dim3A_1510, %broadcast_in_dim3A_1521, %and3A_1432] : memref<16x4x8x128xf32, #tpu.memory_space<vmem>>[vector<16xi32>, vector<16xi32>, vector<16xi32>, vector<16xi32>], vector<16xf32>,
      %get3A_1523 = arith.constant 9 : i32
      %get3A_1524 = arith.index_cast %get3A_1523 : i32 to index
      %get3A_1525 = arith.constant 0 : index
      %get3A_1526 = tpu.vector_load %arg10[%get3A_1524, %get3A_1525] {strides = array<i32>} : memref<32x16xf32, #tpu.memory_space<vmem>>, vector<16xf32>,
      %mul3A_1527 = arith.mulf %get3A_1526, %gather3A_1522 : vector<16xf32>
      %add3A_1528 = arith.addf %add3A_1519, %mul3A_1527 : vector<16xf32>
      %broadcast_in_dim3A_1529 = arith.constant 2 : i32
      %broadcast_in_dim3A_1530 = vector.broadcast %broadcast_in_dim3A_1529 : i32 to vector<16xi32>
      %gather3A_1531 = tpu.vector_load_idx %arg9[%iota3A, %broadcast_in_dim3A_1510, %broadcast_in_dim3A_1530, %and3A_1432] : memref<16x4x8x128xf32, #tpu.memory_space<vmem>>[vector<16xi32>, vector<16xi32>, vector<16xi32>, vector<16xi32>], vector<16xf32>,
      %get3A_1532 = arith.constant 10 : i32
      %get3A_1533 = arith.index_cast %get3A_1532 : i32 to index
      %get3A_1534 = arith.constant 0 : index
      %get3A_1535 = tpu.vector_load %arg10[%get3A_1533, %get3A_1534] {strides = array<i32>} : memref<32x16xf32, #tpu.memory_space<vmem>>, vector<16xf32>,
      %mul3A_1536 = arith.mulf %get3A_1535, %gather3A_1531 : vector<16xf32>
      %add3A_1537 = arith.addf %add3A_1528, %mul3A_1536 : vector<16xf32>
      %broadcast_in_dim3A_1538 = arith.constant 3 : i32
      %broadcast_in_dim3A_1539 = vector.broadcast %broadcast_in_dim3A_1538 : i32 to vector<16xi32>
      %gather3A_1540 = tpu.vector_load_idx %arg9[%iota3A, %broadcast_in_dim3A_1510, %broadcast_in_dim3A_1539, %and3A_1432] : memref<16x4x8x128xf32, #tpu.memory_space<vmem>>[vector<16xi32>, vector<16xi32>, vector<16xi32>, vector<16xi32>], vector<16xf32>,
      %get3A_1541 = arith.constant 11 : i32
      %get3A_1542 = arith.index_cast %get3A_1541 : i32 to index
      %get3A_1543 = arith.constant 0 : index
      %get3A_1544 = tpu.vector_load %arg10[%get3A_1542, %get3A_1543] {strides = array<i32>} : memref<32x16xf32, #tpu.memory_space<vmem>>, vector<16xf32>,
      %mul3A_1545 = arith.mulf %get3A_1544, %gather3A_1540 : vector<16xf32>
      %add3A_1546 = arith.addf %add3A_1537, %mul3A_1545 : vector<16xf32>
      %broadcast_in_dim3A_1547 = arith.constant 4 : i32
      %broadcast_in_dim3A_1548 = vector.broadcast %broadcast_in_dim3A_1547 : i32 to vector<16xi32>
      %gather3A_1549 = tpu.vector_load_idx %arg9[%iota3A, %broadcast_in_dim3A_1510, %broadcast_in_dim3A_1548, %and3A_1432] : memref<16x4x8x128xf32, #tpu.memory_space<vmem>>[vector<16xi32>, vector<16xi32>, vector<16xi32>, vector<16xi32>], vector<16xf32>,
      %get3A_1550 = arith.constant 12 : i32
      %get3A_1551 = arith.index_cast %get3A_1550 : i32 to index
      %get3A_1552 = arith.constant 0 : index
      %get3A_1553 = tpu.vector_load %arg10[%get3A_1551, %get3A_1552] {strides = array<i32>} : memref<32x16xf32, #tpu.memory_space<vmem>>, vector<16xf32>,
      %mul3A_1554 = arith.mulf %get3A_1553, %gather3A_1549 : vector<16xf32>
      %add3A_1555 = arith.addf %add3A_1546, %mul3A_1554 : vector<16xf32>
      %broadcast_in_dim3A_1556 = arith.constant 5 : i32
      %broadcast_in_dim3A_1557 = vector.broadcast %broadcast_in_dim3A_1556 : i32 to vector<16xi32>
      %gather3A_1558 = tpu.vector_load_idx %arg9[%iota3A, %broadcast_in_dim3A_1510, %broadcast_in_dim3A_1557, %and3A_1432] : memref<16x4x8x128xf32, #tpu.memory_space<vmem>>[vector<16xi32>, vector<16xi32>, vector<16xi32>, vector<16xi32>], vector<16xf32>,
      %get3A_1559 = arith.constant 13 : i32
      %get3A_1560 = arith.index_cast %get3A_1559 : i32 to index
      %get3A_1561 = arith.constant 0 : index
      %get3A_1562 = tpu.vector_load %arg10[%get3A_1560, %get3A_1561] {strides = array<i32>} : memref<32x16xf32, #tpu.memory_space<vmem>>, vector<16xf32>,
      %mul3A_1563 = arith.mulf %get3A_1562, %gather3A_1558 : vector<16xf32>
      %add3A_1564 = arith.addf %add3A_1555, %mul3A_1563 : vector<16xf32>
      %broadcast_in_dim3A_1565 = arith.constant 6 : i32
      %broadcast_in_dim3A_1566 = vector.broadcast %broadcast_in_dim3A_1565 : i32 to vector<16xi32>
      %gather3A_1567 = tpu.vector_load_idx %arg9[%iota3A, %broadcast_in_dim3A_1510, %broadcast_in_dim3A_1566, %and3A_1432] : memref<16x4x8x128xf32, #tpu.memory_space<vmem>>[vector<16xi32>, vector<16xi32>, vector<16xi32>, vector<16xi32>], vector<16xf32>,
      %get3A_1568 = arith.constant 14 : i32
      %get3A_1569 = arith.index_cast %get3A_1568 : i32 to index
      %get3A_1570 = arith.constant 0 : index
      %get3A_1571 = tpu.vector_load %arg10[%get3A_1569, %get3A_1570] {strides = array<i32>} : memref<32x16xf32, #tpu.memory_space<vmem>>, vector<16xf32>,
      %mul3A_1572 = arith.mulf %get3A_1571, %gather3A_1567 : vector<16xf32>
      %add3A_1573 = arith.addf %add3A_1564, %mul3A_1572 : vector<16xf32>
      %broadcast_in_dim3A_1574 = arith.constant 7 : i32
      %broadcast_in_dim3A_1575 = vector.broadcast %broadcast_in_dim3A_1574 : i32 to vector<16xi32>
      %gather3A_1576 = tpu.vector_load_idx %arg9[%iota3A, %broadcast_in_dim3A_1510, %broadcast_in_dim3A_1575, %and3A_1432] : memref<16x4x8x128xf32, #tpu.memory_space<vmem>>[vector<16xi32>, vector<16xi32>, vector<16xi32>, vector<16xi32>], vector<16xf32>,
      %get3A_1577 = arith.constant 15 : i32
      %get3A_1578 = arith.index_cast %get3A_1577 : i32 to index
      %get3A_1579 = arith.constant 0 : index
      %get3A_1580 = tpu.vector_load %arg10[%get3A_1578, %get3A_1579] {strides = array<i32>} : memref<32x16xf32, #tpu.memory_space<vmem>>, vector<16xf32>,
      %mul3A_1581 = arith.mulf %get3A_1580, %gather3A_1576 : vector<16xf32>
      %add3A_1582 = arith.addf %add3A_1573, %mul3A_1581 : vector<16xf32>
      %broadcast_in_dim3A_1583 = arith.constant 2 : i32
      %broadcast_in_dim3A_1584 = vector.broadcast %broadcast_in_dim3A_1583 : i32 to vector<16xi32>
      %broadcast_in_dim3A_1585 = arith.constant 0 : i32
      %broadcast_in_dim3A_1586 = vector.broadcast %broadcast_in_dim3A_1585 : i32 to vector<16xi32>
      %gather3A_1587 = tpu.vector_load_idx %arg9[%iota3A, %broadcast_in_dim3A_1584, %broadcast_in_dim3A_1586, %and3A_1432] : memref<16x4x8x128xf32, #tpu.memory_space<vmem>>[vector<16xi32>, vector<16xi32>, vector<16xi32>, vector<16xi32>], vector<16xf32>,
      %get3A_1588 = arith.constant 16 : i32
      %get3A_1589 = arith.index_cast %get3A_1588 : i32 to index
      %get3A_1590 = arith.constant 0 : index
      %get3A_1591 = tpu.vector_load %arg10[%get3A_1589, %get3A_1590] {strides = array<i32>} : memref<32x16xf32, #tpu.memory_space<vmem>>, vector<16xf32>,
      %mul3A_1592 = arith.mulf %get3A_1591, %gather3A_1587 : vector<16xf32>
      %add3A_1593 = arith.addf %add3A_1582, %mul3A_1592 : vector<16xf32>
      %broadcast_in_dim3A_1594 = arith.constant 1 : i32
      %broadcast_in_dim3A_1595 = vector.broadcast %broadcast_in_dim3A_1594 : i32 to vector<16xi32>
      %gather3A_1596 = tpu.vector_load_idx %arg9[%iota3A, %broadcast_in_dim3A_1584, %broadcast_in_dim3A_1595, %and3A_1432] : memref<16x4x8x128xf32, #tpu.memory_space<vmem>>[vector<16xi32>, vector<16xi32>, vector<16xi32>, vector<16xi32>], vector<16xf32>,
      %get3A_1597 = arith.constant 17 : i32
      %get3A_1598 = arith.index_cast %get3A_1597 : i32 to index
      %get3A_1599 = arith.constant 0 : index
      %get3A_1600 = tpu.vector_load %arg10[%get3A_1598, %get3A_1599] {strides = array<i32>} : memref<32x16xf32, #tpu.memory_space<vmem>>, vector<16xf32>,
      %mul3A_1601 = arith.mulf %get3A_1600, %gather3A_1596 : vector<16xf32>
      %add3A_1602 = arith.addf %add3A_1593, %mul3A_1601 : vector<16xf32>
      %broadcast_in_dim3A_1603 = arith.constant 2 : i32
      %broadcast_in_dim3A_1604 = vector.broadcast %broadcast_in_dim3A_1603 : i32 to vector<16xi32>
      %gather3A_1605 = tpu.vector_load_idx %arg9[%iota3A, %broadcast_in_dim3A_1584, %broadcast_in_dim3A_1604, %and3A_1432] : memref<16x4x8x128xf32, #tpu.memory_space<vmem>>[vector<16xi32>, vector<16xi32>, vector<16xi32>, vector<16xi32>], vector<16xf32>,
      %get3A_1606 = arith.constant 18 : i32
      %get3A_1607 = arith.index_cast %get3A_1606 : i32 to index
      %get3A_1608 = arith.constant 0 : index
      %get3A_1609 = tpu.vector_load %arg10[%get3A_1607, %get3A_1608] {strides = array<i32>} : memref<32x16xf32, #tpu.memory_space<vmem>>, vector<16xf32>,
      %mul3A_1610 = arith.mulf %get3A_1609, %gather3A_1605 : vector<16xf32>
      %add3A_1611 = arith.addf %add3A_1602, %mul3A_1610 : vector<16xf32>
      %broadcast_in_dim3A_1612 = arith.constant 3 : i32
      %broadcast_in_dim3A_1613 = vector.broadcast %broadcast_in_dim3A_1612 : i32 to vector<16xi32>
      %gather3A_1614 = tpu.vector_load_idx %arg9[%iota3A, %broadcast_in_dim3A_1584, %broadcast_in_dim3A_1613, %and3A_1432] : memref<16x4x8x128xf32, #tpu.memory_space<vmem>>[vector<16xi32>, vector<16xi32>, vector<16xi32>, vector<16xi32>], vector<16xf32>,
      %get3A_1615 = arith.constant 19 : i32
      %get3A_1616 = arith.index_cast %get3A_1615 : i32 to index
      %get3A_1617 = arith.constant 0 : index
      %get3A_1618 = tpu.vector_load %arg10[%get3A_1616, %get3A_1617] {strides = array<i32>} : memref<32x16xf32, #tpu.memory_space<vmem>>, vector<16xf32>,
      %mul3A_1619 = arith.mulf %get3A_1618, %gather3A_1614 : vector<16xf32>
      %add3A_1620 = arith.addf %add3A_1611, %mul3A_1619 : vector<16xf32>
      %broadcast_in_dim3A_1621 = arith.constant 4 : i32
      %broadcast_in_dim3A_1622 = vector.broadcast %broadcast_in_dim3A_1621 : i32 to vector<16xi32>
      %gather3A_1623 = tpu.vector_load_idx %arg9[%iota3A, %broadcast_in_dim3A_1584, %broadcast_in_dim3A_1622, %and3A_1432] : memref<16x4x8x128xf32, #tpu.memory_space<vmem>>[vector<16xi32>, vector<16xi32>, vector<16xi32>, vector<16xi32>], vector<16xf32>,
      %get3A_1624 = arith.constant 20 : i32
      %get3A_1625 = arith.index_cast %get3A_1624 : i32 to index
      %get3A_1626 = arith.constant 0 : index
      %get3A_1627 = tpu.vector_load %arg10[%get3A_1625, %get3A_1626] {strides = array<i32>} : memref<32x16xf32, #tpu.memory_space<vmem>>, vector<16xf32>,
      %mul3A_1628 = arith.mulf %get3A_1627, %gather3A_1623 : vector<16xf32>
      %add3A_1629 = arith.addf %add3A_1620, %mul3A_1628 : vector<16xf32>
      %broadcast_in_dim3A_1630 = arith.constant 5 : i32
      %broadcast_in_dim3A_1631 = vector.broadcast %broadcast_in_dim3A_1630 : i32 to vector<16xi32>
      %gather3A_1632 = tpu.vector_load_idx %arg9[%iota3A, %broadcast_in_dim3A_1584, %broadcast_in_dim3A_1631, %and3A_1432] : memref<16x4x8x128xf32, #tpu.memory_space<vmem>>[vector<16xi32>, vector<16xi32>, vector<16xi32>, vector<16xi32>], vector<16xf32>,
      %get3A_1633 = arith.constant 21 : i32
      %get3A_1634 = arith.index_cast %get3A_1633 : i32 to index
      %get3A_1635 = arith.constant 0 : index
      %get3A_1636 = tpu.vector_load %arg10[%get3A_1634, %get3A_1635] {strides = array<i32>} : memref<32x16xf32, #tpu.memory_space<vmem>>, vector<16xf32>,
      %mul3A_1637 = arith.mulf %get3A_1636, %gather3A_1632 : vector<16xf32>
      %add3A_1638 = arith.addf %add3A_1629, %mul3A_1637 : vector<16xf32>
      %broadcast_in_dim3A_1639 = arith.constant 6 : i32
      %broadcast_in_dim3A_1640 = vector.broadcast %broadcast_in_dim3A_1639 : i32 to vector<16xi32>
      %gather3A_1641 = tpu.vector_load_idx %arg9[%iota3A, %broadcast_in_dim3A_1584, %broadcast_in_dim3A_1640, %and3A_1432] : memref<16x4x8x128xf32, #tpu.memory_space<vmem>>[vector<16xi32>, vector<16xi32>, vector<16xi32>, vector<16xi32>], vector<16xf32>,
      %get3A_1642 = arith.constant 22 : i32
      %get3A_1643 = arith.index_cast %get3A_1642 : i32 to index
      %get3A_1644 = arith.constant 0 : index
      %get3A_1645 = tpu.vector_load %arg10[%get3A_1643, %get3A_1644] {strides = array<i32>} : memref<32x16xf32, #tpu.memory_space<vmem>>, vector<16xf32>,
      %mul3A_1646 = arith.mulf %get3A_1645, %gather3A_1641 : vector<16xf32>
      %add3A_1647 = arith.addf %add3A_1638, %mul3A_1646 : vector<16xf32>
      %broadcast_in_dim3A_1648 = arith.constant 7 : i32
      %broadcast_in_dim3A_1649 = vector.broadcast %broadcast_in_dim3A_1648 : i32 to vector<16xi32>
      %gather3A_1650 = tpu.vector_load_idx %arg9[%iota3A, %broadcast_in_dim3A_1584, %broadcast_in_dim3A_1649, %and3A_1432] : memref<16x4x8x128xf32, #tpu.memory_space<vmem>>[vector<16xi32>, vector<16xi32>, vector<16xi32>, vector<16xi32>], vector<16xf32>,
      %get3A_1651 = arith.constant 23 : i32
      %get3A_1652 = arith.index_cast %get3A_1651 : i32 to index
      %get3A_1653 = arith.constant 0 : index
      %get3A_1654 = tpu.vector_load %arg10[%get3A_1652, %get3A_1653] {strides = array<i32>} : memref<32x16xf32, #tpu.memory_space<vmem>>, vector<16xf32>,
      %mul3A_1655 = arith.mulf %get3A_1654, %gather3A_1650 : vector<16xf32>
      %add3A_1656 = arith.addf %add3A_1647, %mul3A_1655 : vector<16xf32>
      %broadcast_in_dim3A_1657 = arith.constant 3 : i32
      %broadcast_in_dim3A_1658 = vector.broadcast %broadcast_in_dim3A_1657 : i32 to vector<16xi32>
      %broadcast_in_dim3A_1659 = arith.constant 0 : i32
      %broadcast_in_dim3A_1660 = vector.broadcast %broadcast_in_dim3A_1659 : i32 to vector<16xi32>
      %gather3A_1661 = tpu.vector_load_idx %arg9[%iota3A, %broadcast_in_dim3A_1658, %broadcast_in_dim3A_1660, %and3A_1432] : memref<16x4x8x128xf32, #tpu.memory_space<vmem>>[vector<16xi32>, vector<16xi32>, vector<16xi32>, vector<16xi32>], vector<16xf32>,
      %get3A_1662 = arith.constant 24 : i32
      %get3A_1663 = arith.index_cast %get3A_1662 : i32 to index
      %get3A_1664 = arith.constant 0 : index
      %get3A_1665 = tpu.vector_load %arg10[%get3A_1663, %get3A_1664] {strides = array<i32>} : memref<32x16xf32, #tpu.memory_space<vmem>>, vector<16xf32>,
      %mul3A_1666 = arith.mulf %get3A_1665, %gather3A_1661 : vector<16xf32>
      %add3A_1667 = arith.addf %add3A_1656, %mul3A_1666 : vector<16xf32>
      %broadcast_in_dim3A_1668 = arith.constant 1 : i32
      %broadcast_in_dim3A_1669 = vector.broadcast %broadcast_in_dim3A_1668 : i32 to vector<16xi32>
      %gather3A_1670 = tpu.vector_load_idx %arg9[%iota3A, %broadcast_in_dim3A_1658, %broadcast_in_dim3A_1669, %and3A_1432] : memref<16x4x8x128xf32, #tpu.memory_space<vmem>>[vector<16xi32>, vector<16xi32>, vector<16xi32>, vector<16xi32>], vector<16xf32>,
      %get3A_1671 = arith.constant 25 : i32
      %get3A_1672 = arith.index_cast %get3A_1671 : i32 to index
      %get3A_1673 = arith.constant 0 : index
      %get3A_1674 = tpu.vector_load %arg10[%get3A_1672, %get3A_1673] {strides = array<i32>} : memref<32x16xf32, #tpu.memory_space<vmem>>, vector<16xf32>,
      %mul3A_1675 = arith.mulf %get3A_1674, %gather3A_1670 : vector<16xf32>
      %add3A_1676 = arith.addf %add3A_1667, %mul3A_1675 : vector<16xf32>
      %broadcast_in_dim3A_1677 = arith.constant 2 : i32
      %broadcast_in_dim3A_1678 = vector.broadcast %broadcast_in_dim3A_1677 : i32 to vector<16xi32>
      %gather3A_1679 = tpu.vector_load_idx %arg9[%iota3A, %broadcast_in_dim3A_1658, %broadcast_in_dim3A_1678, %and3A_1432] : memref<16x4x8x128xf32, #tpu.memory_space<vmem>>[vector<16xi32>, vector<16xi32>, vector<16xi32>, vector<16xi32>], vector<16xf32>,
      %get3A_1680 = arith.constant 26 : i32
      %get3A_1681 = arith.index_cast %get3A_1680 : i32 to index
      %get3A_1682 = arith.constant 0 : index
      %get3A_1683 = tpu.vector_load %arg10[%get3A_1681, %get3A_1682] {strides = array<i32>} : memref<32x16xf32, #tpu.memory_space<vmem>>, vector<16xf32>,
      %mul3A_1684 = arith.mulf %get3A_1683, %gather3A_1679 : vector<16xf32>
      %add3A_1685 = arith.addf %add3A_1676, %mul3A_1684 : vector<16xf32>
      %broadcast_in_dim3A_1686 = arith.constant 3 : i32
      %broadcast_in_dim3A_1687 = vector.broadcast %broadcast_in_dim3A_1686 : i32 to vector<16xi32>
      %gather3A_1688 = tpu.vector_load_idx %arg9[%iota3A, %broadcast_in_dim3A_1658, %broadcast_in_dim3A_1687, %and3A_1432] : memref<16x4x8x128xf32, #tpu.memory_space<vmem>>[vector<16xi32>, vector<16xi32>, vector<16xi32>, vector<16xi32>], vector<16xf32>,
      %get3A_1689 = arith.constant 27 : i32
      %get3A_1690 = arith.index_cast %get3A_1689 : i32 to index
      %get3A_1691 = arith.constant 0 : index
      %get3A_1692 = tpu.vector_load %arg10[%get3A_1690, %get3A_1691] {strides = array<i32>} : memref<32x16xf32, #tpu.memory_space<vmem>>, vector<16xf32>,
      %mul3A_1693 = arith.mulf %get3A_1692, %gather3A_1688 : vector<16xf32>
      %add3A_1694 = arith.addf %add3A_1685, %mul3A_1693 : vector<16xf32>
      %broadcast_in_dim3A_1695 = arith.constant 4 : i32
      %broadcast_in_dim3A_1696 = vector.broadcast %broadcast_in_dim3A_1695 : i32 to vector<16xi32>
      %gather3A_1697 = tpu.vector_load_idx %arg9[%iota3A, %broadcast_in_dim3A_1658, %broadcast_in_dim3A_1696, %and3A_1432] : memref<16x4x8x128xf32, #tpu.memory_space<vmem>>[vector<16xi32>, vector<16xi32>, vector<16xi32>, vector<16xi32>], vector<16xf32>,
      %get3A_1698 = arith.constant 28 : i32
      %get3A_1699 = arith.index_cast %get3A_1698 : i32 to index
      %get3A_1700 = arith.constant 0 : index
      %get3A_1701 = tpu.vector_load %arg10[%get3A_1699, %get3A_1700] {strides = array<i32>} : memref<32x16xf32, #tpu.memory_space<vmem>>, vector<16xf32>,
      %mul3A_1702 = arith.mulf %get3A_1701, %gather3A_1697 : vector<16xf32>
      %add3A_1703 = arith.addf %add3A_1694, %mul3A_1702 : vector<16xf32>
      %broadcast_in_dim3A_1704 = arith.constant 5 : i32
      %broadcast_in_dim3A_1705 = vector.broadcast %broadcast_in_dim3A_1704 : i32 to vector<16xi32>
      %gather3A_1706 = tpu.vector_load_idx %arg9[%iota3A, %broadcast_in_dim3A_1658, %broadcast_in_dim3A_1705, %and3A_1432] : memref<16x4x8x128xf32, #tpu.memory_space<vmem>>[vector<16xi32>, vector<16xi32>, vector<16xi32>, vector<16xi32>], vector<16xf32>,
      %get3A_1707 = arith.constant 29 : i32
      %get3A_1708 = arith.index_cast %get3A_1707 : i32 to index
      %get3A_1709 = arith.constant 0 : index
      %get3A_1710 = tpu.vector_load %arg10[%get3A_1708, %get3A_1709] {strides = array<i32>} : memref<32x16xf32, #tpu.memory_space<vmem>>, vector<16xf32>,
      %mul3A_1711 = arith.mulf %get3A_1710, %gather3A_1706 : vector<16xf32>
      %add3A_1712 = arith.addf %add3A_1703, %mul3A_1711 : vector<16xf32>
      %broadcast_in_dim3A_1713 = arith.constant 6 : i32
      %broadcast_in_dim3A_1714 = vector.broadcast %broadcast_in_dim3A_1713 : i32 to vector<16xi32>
      %gather3A_1715 = tpu.vector_load_idx %arg9[%iota3A, %broadcast_in_dim3A_1658, %broadcast_in_dim3A_1714, %and3A_1432] : memref<16x4x8x128xf32, #tpu.memory_space<vmem>>[vector<16xi32>, vector<16xi32>, vector<16xi32>, vector<16xi32>], vector<16xf32>,
      %get3A_1716 = arith.constant 30 : i32
      %get3A_1717 = arith.index_cast %get3A_1716 : i32 to index
      %get3A_1718 = arith.constant 0 : index
      %get3A_1719 = tpu.vector_load %arg10[%get3A_1717, %get3A_1718] {strides = array<i32>} : memref<32x16xf32, #tpu.memory_space<vmem>>, vector<16xf32>,
      %mul3A_1720 = arith.mulf %get3A_1719, %gather3A_1715 : vector<16xf32>
      %add3A_1721 = arith.addf %add3A_1712, %mul3A_1720 : vector<16xf32>
      %broadcast_in_dim3A_1722 = arith.constant 7 : i32
      %broadcast_in_dim3A_1723 = vector.broadcast %broadcast_in_dim3A_1722 : i32 to vector<16xi32>
      %gather3A_1724 = tpu.vector_load_idx %arg9[%iota3A, %broadcast_in_dim3A_1658, %broadcast_in_dim3A_1723, %and3A_1432] : memref<16x4x8x128xf32, #tpu.memory_space<vmem>>[vector<16xi32>, vector<16xi32>, vector<16xi32>, vector<16xi32>], vector<16xf32>,
      %get3A_1725 = arith.constant 31 : i32
      %get3A_1726 = arith.index_cast %get3A_1725 : i32 to index
      %get3A_1727 = arith.constant 0 : index
      %get3A_1728 = tpu.vector_load %arg10[%get3A_1726, %get3A_1727] {strides = array<i32>} : memref<32x16xf32, #tpu.memory_space<vmem>>, vector<16xf32>,
      %mul3A_1729 = arith.mulf %get3A_1728, %gather3A_1724 : vector<16xf32>
      %add3A_1730 = arith.addf %add3A_1721, %mul3A_1729 : vector<16xf32>
      %swap3A_1731 = arith.index_cast %mul3A_10 : i32 to index
      %swap3A_1732 = tpu.vector_load %arg11[%swap3A_1731] {strides = array<i32>} : memref<512xf32, #tpu.memory_space<vmem>>, vector<16xf32>,
      tpu.vector_store %arg11[%swap3A_1731], %add3A_1730 {strides = array<i32>} : memref<512xf32, #tpu.memory_space<vmem>>, vector<16xf32>,
    }
    %scan3A_7 = arith.constant 32 : i32
    "tpu.region"() ({
      %run_scoped3A = tpu.sem_alloc : memref<!tpu.dma_semaphore, #tpu.memory_space<semaphore_mem>>
      %dma_start3A = tpu.memref_slice %arg6[%mul3A_2] : memref<16384xf32, #tpu.memory_space<hbm>> -> memref<512xf32, #tpu.memory_space<hbm>>
      %dma_start3A_8 = tpu.memref_slice %arg6[%mul3A_2] : memref<16384xf32, #tpu.memory_space<hbm>> -> memref<512xf32, #tpu.memory_space<hbm>>
      tpu.enqueue_dma source(%arg11 : memref<512xf32, #tpu.memory_space<vmem>>) target(%dma_start3A_8 : memref<512xf32, #tpu.memory_space<hbm>>) target_semaphore(%run_scoped3A : memref<!tpu.dma_semaphore, #tpu.memory_space<semaphore_mem>>)
      %dma_wait3A = tpu.memref_slice %arg6[%mul3A_2] : memref<16384xf32, #tpu.memory_space<hbm>> -> memref<512xf32, #tpu.memory_space<hbm>>
      %dma_wait3A_9 = tpu.memref_slice %arg6[%mul3A_2] : memref<16384xf32, #tpu.memory_space<hbm>> -> memref<512xf32, #tpu.memory_space<hbm>>
      tpu.wait_dma2 semaphore(%run_scoped3A : memref<!tpu.dma_semaphore, #tpu.memory_space<semaphore_mem>>) src(%arg11 : memref<512xf32, #tpu.memory_space<vmem>>) dst(%dma_wait3A_9 : memref<512xf32, #tpu.memory_space<hbm>>)
      tpu.yield
    }) : () -> ()
    return
  }
}

</mosaic_0001>

<sc_bundles>
// kernel: kernel.3.cloned.1.call-start
scs
__scs_entry_jumppad:
0x0: {  	(pc) =	sbr.rel $0x88, $3  }
0x1: {  	(tag) =	ssettag $0x0;
	lr =	simm.s32 $0x1  }
0x2: {  	[smem:$0x3F9D] =	sst lr;
	_ =	strace $0xD0000000  }
0x3: {  	_ = 	snop  }
0x4: {  	_ = 	snop  }
0x5: {  	_ = 	snop  }
0x6: {  	_ = 	snop  }
0x7: {  	_ = 	snop  }
__scs_overlays_trampoline_lowered:
0x8: {  	[smem:$0x3FAC] =	sst s0  }
0x9: {  	[smem:$0x3FAD] =	sst s1  }
0xa: {  	[smem:$0x3FAE] =	sst s2  }
0xb: {  	[smem:$0x3FAF] =	sst s3  }
0xc: {  	[smem:$0x3FB0] =	sst s4  }
0xd: {  	[smem:$0x3FB1] =	sst s5  }
0xe: {  	[smem:$0x3FB2] =	sst s6  }
0xf: {  	[smem:$0x3FB3] =	sst s7  }
0x10: {  	[smem:$0x3FB4] =	sst s8  }
0x11: {  	[smem:$0x3FB5] =	sst s9;
	s0 =	simm.s32 @!p0 $0x0  }
0x12: {  	s1 =	sld [smem:$0x3F9B];
	s0 =	simm.s32 @p0 $0x1  }
0x13: {  	[smem:$0x3FB6] =	sst s0;
	s0 =	simm.s32 @!p1 $0x0  }
0x14: {  	s2 =	sld [smem:$0x3F9A];
	s0 =	simm.s32 @p1 $0x1  }
0x15: {  	[smem:$0x3FB7] =	sst s0;
	s0 =	simm.s32 @!p2 $0x0  }
0x16: {  	s3 =	sld [smem:$0x3FDB];
	s0 =	simm.s32 @p2 $0x1  }
0x17: {  	s4 =	simm.s32 $0x1BF5;
	[smem:$0x3FB9] =	sst s0  }
0x18: {  	s0 =	sld [smem:$0x3F9C];
	_ =	swait.ge [sflag:s4], $0x0  }
0x19: {  	s7 =	sld [smem:$0x3F9D]  }
0x1a: {  	s8 =	sadd.s32 $0xFFFFE003, lr  }
0x1b: {  	s9 =	sadd.s32 $0xFFFFFEF7, lr;
	s5 =	simm.s32 $0xFFFFFFFF;
	p2 =	slt.u32 s8, $0xFFFFF086  }
0x1c: {  	p1 =	slt.u32 s9, $0xF7A;
	s5 =	simm.s32 @!p2 $0x0  }
0x1d: {  	s5 =	simm.s32 @p1 $0x1;
	p0 =	seq.s32 s7, s2  }
0x1e: {  	s7 =	smul.u32 @!p0 $0xF7A, s2;
	p2 =	seq.s32 @!p0 s5, $0x0  }
0x1f: {  	s9 =	smul.u32 $0xF7A, s1;
	s8 =	simm.s32 @!p0 $0x1BF5;
	p2 =	por !p2, p0  }
0x20: {  	[sflag:s8] =	ssyncset.s32 @!p0 $0xFFFFF086;
	s6 =	sadd.s32 @!p0 s3, s7;
	s7 =	simm.s32 @!p0 $0x108  }
0x21: {  	s3 =	sadd.s32 s3, s9;
	s6 =	sadd.s32 @!p0 $0x88, s6;
	s7 =	simm.s32 @p2 $0x1082  }
0x22: {  	[simem:s7], [sflag:s8] =	dma.local @!p0 [hbm:s6], $0xF7A  }
0x23: {  	s9 =	sor.u32 $0xD0000000, s2;
	s6 =	simm.s32 $0x108;
	_ =	swait.ge @!p0 [sflag:s8], $0x0  }
0x24: {  	s3 =	sadd.s32 $0x88, s3;
	s6 =	simm.s32 @!p1 $0x1082;
	[sflag:s4] =	ssyncset.s32 $0xFFFFF086  }
0x25: {  	[simem:s6], [sflag:s4] =	dma.local [hbm:s3], $0xF7A  }
0x26: {  	[smem:$0x3F9D] =	sst s1;
	(tag) =	ssettag s2;
	_ =	strace s9  }
0x27: {  	s1 =	sld [smem:$0x3FAD]  }
0x28: {  	s2 =	sld [smem:$0x3FAE]  }
0x29: {  	s4 =	sld [smem:$0x3FB0]  }
0x2a: {  	p0 =	seq.s32 s5, $0x0;
	s5 =	sld [smem:$0x3FB1]  }
0x2b: {  	s6 =	sld [smem:$0x3FB2]  }
0x2c: {  	s7 =	sld [smem:$0x3FB3]  }
0x2d: {  	s3 =	simm.s32 $0x108;
	s8 =	sld [smem:$0x3FB4]  }
0x2e: {  	s3 =	simm.s32 @!p0 $0x1082;
	s9 =	sld [smem:$0x3FB5]  }
0x2f: {  	lr =	sadd.s32 s0, s3;
	s0 =	sld [smem:$0x3FAC]  }
0x30: {  	s3 =	sld [smem:$0x3FAF]  }
0x31: {  	[smem:$0x3FB8] =	sst s10  }
0x32: {  	s10 =	sld [smem:$0x3FB6];
	_ =	sdelay $0x3  }
0x33: {  	p0 =	seq.s32 s10, $0x1;
	s10 =	sld [smem:$0x3FB8];
	_ =	sdelay $0x3  }
0x34: {  	[smem:$0x3FB8] =	sst s10  }
0x35: {  	s10 =	sld [smem:$0x3FB7];
	_ =	sdelay $0x3  }
0x36: {  	p1 =	seq.s32 s10, $0x1;
	s10 =	sld [smem:$0x3FB8];
	_ =	sdelay $0x3  }
0x37: {  	[smem:$0x3FB8] =	sst s10  }
0x38: {  	s10 =	sld [smem:$0x3FB9]  }
0x39: {  	_ = 	snop;
	(pc) =	sbr.ind lr, $3  }
0x3a: {  	_ = 	snop  }
0x3b: {  	_ = 	snop  }
0x3c: {  	p2 =	seq.s32 s10, $0x1;
	s10 =	sld [smem:$0x3FB8]  }
0x3d: {  	_ =	shalt  }
0x3e: {  	_ =	shalt  }
0x3f: {  	_ =	shalt  }
0x40: {  	_ =	shalt  }
0x41: {  	_ =	shalt  }
0x42: {  	_ =	shalt  }
0x43: {  	_ =	shalt  }
0x44: {  	_ =	shalt  }
0x45: {  	_ =	shalt  }
0x46: {  	_ =	shalt  }
0x47: {  	_ =	shalt  }
0x48: {  	_ =	shalt  }
0x49: {  	_ =	shalt  }
0x4a: {  	_ =	shalt  }
0x4b: {  	_ =	shalt  }
0x4c: {  	_ =	shalt  }
0x4d: {  	_ =	shalt  }
0x4e: {  	_ =	shalt  }
0x4f: {  	_ =	shalt  }
0x50: {  	_ =	shalt  }
0x51: {  	_ =	shalt  }
0x52: {  	_ =	shalt  }
0x53: {  	_ =	shalt  }
0x54: {  	_ =	shalt  }
0x55: {  	_ =	shalt  }
0x56: {  	_ =	shalt  }
0x57: {  	_ =	shalt  }
0x58: {  	_ =	shalt  }
0x59: {  	_ =	shalt  }
0x5a: {  	_ =	shalt  }
0x5b: {  	_ =	shalt  }
0x5c: {  	_ =	shalt  }
0x5d: {  	_ =	shalt  }
0x5e: {  	_ =	shalt  }
0x5f: {  	_ =	shalt  }
0x60: {  	_ =	shalt  }
0x61: {  	_ =	shalt  }
0x62: {  	_ =	shalt  }
0x63: {  	_ =	shalt  }
0x64: {  	_ =	shalt  }
0x65: {  	_ =	shalt  }
0x66: {  	_ =	shalt  }
0x67: {  	_ =	shalt  }
0x68: {  	_ =	shalt  }
0x69: {  	_ =	shalt  }
0x6a: {  	_ =	shalt  }
0x6b: {  	_ =	shalt  }
0x6c: {  	_ =	shalt  }
0x6d: {  	_ =	shalt  }
0x6e: {  	_ =	shalt  }
0x6f: {  	_ =	shalt  }
0x70: {  	_ =	shalt  }
0x71: {  	_ =	shalt  }
0x72: {  	_ =	shalt  }
0x73: {  	_ =	shalt  }
0x74: {  	_ =	shalt  }
0x75: {  	_ =	shalt  }
0x76: {  	_ =	shalt  }
0x77: {  	_ =	shalt  }
0x78: {  	_ =	shalt  }
0x79: {  	_ =	shalt  }
0x7a: {  	_ =	shalt  }
0x7b: {  	_ =	shalt  }
0x7c: {  	_ =	shalt  }
0x7d: {  	_ =	shalt  }
0x7e: {  	_ =	shalt  }
0x7f: {  	_ =	shalt  }
0x80: {  	_ =	shalt  }
0x81: {  	_ =	shalt  }
0x82: {  	_ =	shalt  }
0x83: {  	_ =	shalt  }
0x84: {  	_ =	shalt  }
0x85: {  	_ =	shalt  }
0x86: {  	_ =	shalt  }
0x87: {  	_ =	shalt  }
.Lfunc_end0:
.L_simem_size_0:
called_computation_lowered:
.L_overlay_start_0:
0x88: {  	s2 =	sld [smem:$0x3FD9]  }
0x89: {  	s3 =	sld [smem:$0x3FFE];
	_ =	sdelay $0x1  }
0x8a: {  	s1 =	srdreg.scid  }
0x8b: {  	s0 =	sand.u32 $0x1, s1  }
0x8c: {  	s18 =	sshll.u32 s0, $0xA;
	s2 =	sadd.s32 s3, s2  }
0x8d: {  	s2 =	sadd.s32 s2, s18  }
0x8e: {  	[smem:$0x3FC4] =	sst s2  }
0x8f: {  	_ = 	snop  }
0x90: {  	s2 =	sld [smem:$0x3FC9]  }
0x91: {  	s19 =	sld [smem:$0x3FC8]  }
0x92: {  	s4 =	sld [smem:$0x3FC7]  }
0x93: {  	s5 =	sld [smem:$0x3FC6]  }
0x94: {  	s6 =	sld [smem:$0x3FD0];
	(tm) =	ssettm $0x1  }
0x95: {  	s7 =	sld [smem:$0x3FFB];
	_ =	sdelay $0x3  }
0x96: {  	_ =	strace s7  }
0x97: {  	s7 =	sld [smem:$0x3FFC];
	_ =	sdelay $0x3  }
0x98: {  	_ =	strace s7  }
0x99: {  	s7 =	sld [smem:$0x3FFD];
	_ =	sdelay $0x3  }
0x9a: {  	_ =	strace s7  }
0x9b: {  	_ =	strace $0x8FFFFFFF  }
0x9c: {  	s20 =	sld [smem:$0x3FDB];
	_ =	sdelay $0x1  }
0x9d: {  	s8 =	simm.s32 $_scs_section_size  }
0x9e: {  	s9 =	simm.s32 $_size__tile_overlayer_lowered;
	s10 =	simm.s32 $_tile_overlayer_lowered  }
0x9f: {  	s23 =	simm.s32 $0x1BFF;
	s22 =	sshll.u32 s10, $0x1;
	s7 =	sadd.s32 s8, s20  }
0xa0: {  	s11 =	simm.s32 $0x0;
	s21 =	sshll.u32 s9, $0x1;
	s9 =	sadd.s32 s22, s7  }
0xa1: {  	[timem:s11], [sflag:s23] =	dma.local [hbm:s9], s21  }
0xa2: {  	_ =	swait.ge [sflag:s23], s21  }
0xa3: {  	s8 =	ssub.s32 $0x0, s21;
	[sflag:s23] =	ssyncset.done $0x0  }
0xa4: {  	[sflag:s23] =	ssyncadd.s32 s8;
	_ =	sdelay $0x1  }
0xa5: {  	s24 =	simm.s32 $0x1B8B  }
0xa6: {  	_ =	swait.ge [sflag:s24], $0x1  }
0xa7: {  	[sflag:s24] =	ssyncset.done $0x0  }
0xa8: {  	s25 =	simm.s32 $0x1B8E;
	[sflag:s24] =	ssyncadd.s32 $0xFFFFFFFF  }
0xa9: {  	s26 =	simm.s32 $execute0_lowered;
	[smem:$0x3FD2] =	sst s25  }
0xaa: {  	s8 =	sshll.u32 s26, $0x1;
	_ =	strace $0x80000046;
	[dreg:$0x1] =	wrdreg $0xFFFFFFFF  }
0xab: {  	s28 =	simm.s32 $_size_execute0_lowered;
	s7 =	sadd.s32 s7, s8;
	[dreg:$0x0] =	wrdreg $0x0  }
0xac: {  	s8 =	sshll.u32 s28, $0x1;
	[dreg:$0x2] =	wrdreg s7  }
0xad: {  	[dreg:$0x3] =	wrdreg s8  }
0xae: {  	[dreg:$0x4] =	wrdreg $0xC0  }
0xaf: {  	_ =	task [dreg:s11], $0x5FFFF  }
0xb0: {  	[dreg:$0x1] =	wrdreg $0xFFFFFFFF  }
0xb1: {  	[dreg:$0x0] =	wrdreg $0x60  }
0xb2: {  	[dreg:$0x2] =	wrdreg s2  }
0xb3: {  	[dreg:$0x3] =	wrdreg s19  }
0xb4: {  	[dreg:$0x4] =	wrdreg s4  }
0xb5: {  	[dreg:$0x5] =	wrdreg s5  }
0xb6: {  	[dreg:$0x6] =	wrdreg s6  }
0xb7: {  	[dreg:$0x7] =	wrdreg $0x9  }
0xb8: {  	_ =	task.clear_ibuf [dreg:s11], $0x8FFFF;
	_ =	strace $0x90000046  }
0xb9: {  	s29 =	simm.s32 $0x9;
	_ =	strace $0x80000048  }
0xba: {  	_ =	swait.ge [sflag:s29], $0x1  }
0xbb: {  	[sflag:s29] =	ssyncadd.s32 $0xFFFFFFFF  }
0xbc: {  	_ =	strace $0x90000048  }
0xbd: {  	_ =	sfence  }
0xbe: {  	s30 =	sld [smem:$0x0];
	_ =	sdelay $0x2  }
0xbf: {  	s31 =	sshll.u32 s1, $0xD;
	s1 =	sshrl.u32 s1, $0x2  }
0xc0: {  	s3 =	sand.u32 $0x4000, s31;
	s1 =	sadd.s32 s1, s30  }
0xc1: {  	s0 =	sor.u32 s3, s0;
	s1 =	sshll.u32 s1, $0x11  }
0xc2: {  	s0 =	sor.u32 s1, s0  }
0xc3: {  	s0 =	sadd.s32 $0x8F2B, s0  }
0xc4: {  	[sflag:s0] =	ssyncadd.remote.s32 $0x1  }
0xc5: {  	_ =	sfence.sel $0xFFFF  }
0xc6: {  	[dreg:$0x0] =	wrdreg $0xFFFFFFFF;
	(pc) =	sbr.abs _section_cstart, $3  }
0xc7: {  	[dreg:$0x1] =	wrdreg $0xFFFFFFFF  }
0xc8: {  	_ =	task.clear_ibuf [dreg:s11], $0x2FFFF;
	_ =	strace $0x9FFFFFFF  }
0xc9: {  	(tm) =	ssettm $0x7FFFFFFF  }
tec
execute0_lowered:
.L_overlay_start_1:
0x0: {  	(tag) =	ssettag $0x1  }
0x1: {  	s3 =	rddreg [dreg:$0x0]  }
0x2: {  	s4 =	rddreg [dreg:$0x1]  }
0x3: {  	s0 =	rddreg [dreg:$0x2]  }
0x4: {  	s31 =	rddreg [dreg:$0x3]  }
0x5: {  	s5 =	rddreg [dreg:$0x4];
	v0 =	vlaneseq.u32;
	s2 =	simm.s32 $0x0  }
0x6: {  	s6 =	srdreg.scid;
	s1 =	stileid.u32;
	s10 =	simm.s32 $0x400;
	v0 =	vmul.u32 $0x1000, v0  }
0x7: {  	s11 =	simm.s32 $0x1400;
	s12 =	simm.s32 $0x2400;
	s13 =	simm.s32 $0x3400  }
0x8: {  	s14 =	simm.s32 $0x4400;
	s15 =	simm.s32 $0x5400;
	s16 =	simm.s32 $0x6400;
	v1 =	vor.u32 $0x80, v0  }
0x9: {  	s17 =	simm.s32 $0x7400;
	s18 =	simm.s32 $0x8400;
	s19 =	simm.s32 $0x9400;
	v2 =	vor.u32 $0x100, v0;
	v3 =	vor.u32 $0x180, v0;
	v4 =	vor.u32 $0x200, v0  }
0xa: {  	s20 =	simm.s32 $0xA400;
	s21 =	simm.s32 $0xB400;
	s22 =	simm.s32 $0xC400;
	v5 =	vor.u32 $0x280, v0;
	v6 =	vor.u32 $0x300, v0;
	v7 =	vor.u32 $0x380, v0  }
0xb: {  	s23 =	simm.s32 $0xD400;
	s24 =	simm.s32 $0xE400;
	s25 =	simm.s32 $0xF400;
	v8 =	vor.u32 $0x400, v0;
	v9 =	vor.u32 $0x480, v0;
	v10 =	vor.u32 $0x500, v0  }
0xc: {  	s26 =	simm.s32 $0x1;
	s28 =	simm.s32 $0x11400;
	[dreg:$0x6] =	wrdreg s0;
	v11 =	vor.u32 $0x580, v0;
	v12 =	vor.u32 $0x600, v0;
	v13 =	vor.u32 $0x680, v0  }
0xd: {  	s29 =	simm.s32 $0x0;
	[dreg:$0x7] =	wrdreg s31;
	s6 =	sand.u32 $0x1, s6;
	v14 =	vor.u32 $0x700, v0;
	v15 =	vor.u32 $0x780, v0;
	v16 =	vor.u32 $0x800, v0  }
0xe: {  	[smem:$0x7FF] =	sst s2;
	s8 =	sshll.u32 s1, $0x7;
	s7 =	ssub.s32 $0x2, s6;
	v17 =	vor.u32 $0x880, v0;
	v18 =	vor.u32 $0x900, v0;
	v19 =	vor.u32 $0x980, v0  }
0xf: {  	s6 =	sshll.u32 s6, $0x6;
	_ =	strace $0x80000047;
	s9 =	sshrl.u32 s7, $0x1;
	v20 =	vor.u32 $0xA00, v0;
	v21 =	vor.u32 $0xA80, v0;
	v22 =	vor.u32 $0xB00, v0  }
0x10: {  	s6 =	sor.u32 s6, s8;
	s8 =	simm.s32 $0x2;
	v23 =	vor.u32 $0xB80, v0;
	v24 =	vor.u32 $0xC00, v0;
	v25 =	vor.u32 $0xC80, v0;
	s7 =	ssub.s32 s7, s9  }
0x11: {  	v26 =	vor.u32 $0xD00, v0;
	v27 =	vor.u32 $0xD80, v0;
	v28 =	vor.u32 $0xE00, v0;
	s3 =	sadd.s32 s3, s6;
	s4 =	sadd.s32 s4, s6;
	s5 =	sadd.s32 s5, s6  }
0x12: {  	v29 =	vor.u32 $0xE80, v0;
	v30 =	vor.u32 $0xF00, v0;
	v31 =	vor.u32 $0xF80, v0;
	s9 =	simm.s32 $0x7A1400;
	s6 =	smax.u32 s7, $0x1;
	s7 =	simm.s32 $0x200  }
.LBB2_1:
0x13: {  	[tilespmem:s2], [sflag:$0x2] =	stream.linear.gather [hbm4b:s3+s2], $0x200, $0x38;
	[tilespmem:$0x11600] =	vst v63  }
0x14: {  	_ =	swait.ge [sflag:s8], $0x200  }
0x15: {  	[sflag:s8] =	ssyncset.done $0x0  }
0x16: {  	[sflag:s8] =	ssyncadd.s32 $0xFFFFFE00  }
0x17: {  	[tilespmem:s7], [sflag:$0x2] =	stream.linear.gather [hbm4b:s4+s2], $0x200, $0x38;
	[tilespmem:$0x11600] =	vst v63  }
0x18: {  	_ =	swait.ge [sflag:s8], $0x200  }
0x19: {  	[sflag:s8] =	ssyncset.done $0x0  }
0x1a: {  	s30 =	simm.s32 $0x0;
	[sflag:s8] =	ssyncadd.s32 $0xFFFFFE00  }
.LBB2_2:
0x1b: {  	s31 =	sshra.s32 s30, $0x2  }
0x1c: {  	v33 =	vld [tilespmem:s31+$0x0];
	_ =	sdelay $0x4  }
0x1d: {  	s0 =	rddreg [dreg:$0x6];
	v32 =	vand.u32 $0xFFFFFF80, v33  }
0x1e: {  	v34 =	vadd.s32 s0, v32  }
0x1f: {  	(v2sf) =	vpush v34, $0x0;
	_ =	sdelay $0x1  }
0x20: {  	(v2sf) =	vpush v34, $0x1;
	_ =	sdelay $0x1  }
0x21: {  	(v2sf) =	vpush v34, $0x2;
	_ =	sdelay $0x1  }
0x22: {  	(v2sf) =	vpush v34, $0x3;
	_ =	sdelay $0x1  }
0x23: {  	(v2sf) =	vpush v34, $0x4;
	_ =	sdelay $0x1  }
0x24: {  	(v2sf) =	vpush v34, $0x5;
	_ =	sdelay $0x1  }
0x25: {  	(v2sf) =	vpush v34, $0x6;
	_ =	sdelay $0x1  }
0x26: {  	(v2sf) =	vpush v34, $0x7  }
0x27: {  	s0 =	spop (v2sf)  }
0x28: {  	v32 =	vld [tilespmem:s31+$0x200];
	(v2sf) =	vpush v34, $0x8;
	[tilespmem:s10], [sflag:$0x1] =	stream.strided.gather [hbm4b:s0+s10], $0x1000, s9, s10, $0x38  }
0x29: {  	s0 =	spop (v2sf)  }
0x2a: {  	(v2sf) =	vpush v34, $0x9;
	[tilespmem:s11], [sflag:$0x1] =	stream.strided.gather [hbm4b:s0+s10], $0x1000, s9, s10, $0x38;
	[tilespmem:$0x11600] =	vst v63  }
0x2b: {  	s0 =	spop (v2sf)  }
0x2c: {  	(v2sf) =	vpush v34, $0xA;
	[tilespmem:s12], [sflag:$0x1] =	stream.strided.gather [hbm4b:s0+s10], $0x1000, s9, s10, $0x38;
	[tilespmem:$0x11600] =	vst v63  }
0x2d: {  	s0 =	spop (v2sf)  }
0x2e: {  	(v2sf) =	vpush v34, $0xB;
	[tilespmem:s13], [sflag:$0x1] =	stream.strided.gather [hbm4b:s0+s10], $0x1000, s9, s10, $0x38;
	[tilespmem:$0x11600] =	vst v63  }
0x2f: {  	s0 =	spop (v2sf)  }
0x30: {  	(v2sf) =	vpush v34, $0xC;
	[tilespmem:s14], [sflag:$0x1] =	stream.strided.gather [hbm4b:s0+s10], $0x1000, s9, s10, $0x38;
	[tilespmem:$0x11600] =	vst v63  }
0x31: {  	s0 =	spop (v2sf)  }
0x32: {  	(v2sf) =	vpush v34, $0xD;
	[tilespmem:s15], [sflag:$0x1] =	stream.strided.gather [hbm4b:s0+s10], $0x1000, s9, s10, $0x38;
	[tilespmem:$0x11600] =	vst v63  }
0x33: {  	s0 =	spop (v2sf)  }
0x34: {  	(v2sf) =	vpush v34, $0xE;
	[tilespmem:s16], [sflag:$0x1] =	stream.strided.gather [hbm4b:s0+s10], $0x1000, s9, s10, $0x38;
	[tilespmem:$0x11600] =	vst v63  }
0x35: {  	s0 =	spop (v2sf)  }
0x36: {  	(v2sf) =	vpush v34, $0xF;
	[tilespmem:s17], [sflag:$0x1] =	stream.strided.gather [hbm4b:s0+s10], $0x1000, s9, s10, $0x38;
	[tilespmem:$0x11600] =	vst v63  }
0x37: {  	s0 =	spop (v2sf)  }
0x38: {  	[tilespmem:s18], [sflag:$0x1] =	stream.strided.gather [hbm4b:s0+s10], $0x1000, s9, s10, $0x38;
	[tilespmem:$0x11600] =	vst v63  }
0x39: {  	s0 =	spop (v2sf)  }
0x3a: {  	[tilespmem:s19], [sflag:$0x1] =	stream.strided.gather [hbm4b:s0+s10], $0x1000, s9, s10, $0x38;
	[tilespmem:$0x11600] =	vst v63  }
0x3b: {  	s0 =	spop (v2sf)  }
0x3c: {  	[tilespmem:s20], [sflag:$0x1] =	stream.strided.gather [hbm4b:s0+s10], $0x1000, s9, s10, $0x38;
	[tilespmem:$0x11600] =	vst v63  }
0x3d: {  	s0 =	spop (v2sf)  }
0x3e: {  	[tilespmem:s21], [sflag:$0x1] =	stream.strided.gather [hbm4b:s0+s10], $0x1000, s9, s10, $0x38;
	[tilespmem:$0x11600] =	vst v63  }
0x3f: {  	s0 =	spop (v2sf)  }
0x40: {  	[tilespmem:s22], [sflag:$0x1] =	stream.strided.gather [hbm4b:s0+s10], $0x1000, s9, s10, $0x38;
	[tilespmem:$0x11600] =	vst v63  }
0x41: {  	s0 =	spop (v2sf)  }
0x42: {  	[tilespmem:s23], [sflag:$0x1] =	stream.strided.gather [hbm4b:s0+s10], $0x1000, s9, s10, $0x38;
	[tilespmem:$0x11600] =	vst v63  }
0x43: {  	s0 =	spop (v2sf)  }
0x44: {  	[tilespmem:s24], [sflag:$0x1] =	stream.strided.gather [hbm4b:s0+s10], $0x1000, s9, s10, $0x38;
	[tilespmem:$0x11600] =	vst v63  }
0x45: {  	s0 =	spop (v2sf)  }
0x46: {  	[tilespmem:s25], [sflag:$0x1] =	stream.strided.gather [hbm4b:s0+s10], $0x1000, s9, s10, $0x38;
	[tilespmem:$0x11600] =	vst v63  }
0x47: {  	_ =	swait.ge [sflag:s26], $0x1000  }
0x48: {  	[sflag:s26] =	ssyncset.done $0x0  }
0x49: {  	[sflag:s26] =	ssyncadd.s32 $0xFFFFF000  }
0x4a: {  	_ =	swait.ge [sflag:s26], $0x1000  }
0x4b: {  	[sflag:s26] =	ssyncset.done $0x0  }
0x4c: {  	[sflag:s26] =	ssyncadd.s32 $0xFFFFF000  }
0x4d: {  	_ =	swait.ge [sflag:s26], $0x1000  }
0x4e: {  	[sflag:s26] =	ssyncset.done $0x0  }
0x4f: {  	[sflag:s26] =	ssyncadd.s32 $0xFFFFF000  }
0x50: {  	_ =	swait.ge [sflag:s26], $0x1000  }
0x51: {  	[sflag:s26] =	ssyncset.done $0x0  }
0x52: {  	[sflag:s26] =	ssyncadd.s32 $0xFFFFF000  }
0x53: {  	_ =	swait.ge [sflag:s26], $0x1000  }
0x54: {  	[sflag:s26] =	ssyncset.done $0x0  }
0x55: {  	[sflag:s26] =	ssyncadd.s32 $0xFFFFF000  }
0x56: {  	_ =	swait.ge [sflag:s26], $0x1000  }
0x57: {  	[sflag:s26] =	ssyncset.done $0x0  }
0x58: {  	[sflag:s26] =	ssyncadd.s32 $0xFFFFF000  }
0x59: {  	_ =	swait.ge [sflag:s26], $0x1000  }
0x5a: {  	[sflag:s26] =	ssyncset.done $0x0  }
0x5b: {  	[sflag:s26] =	ssyncadd.s32 $0xFFFFF000  }
0x5c: {  	_ =	swait.ge [sflag:s26], $0x1000  }
0x5d: {  	[sflag:s26] =	ssyncset.done $0x0  }
0x5e: {  	[sflag:s26] =	ssyncadd.s32 $0xFFFFF000  }
0x5f: {  	_ =	swait.ge [sflag:s26], $0x1000  }
0x60: {  	[sflag:s26] =	ssyncset.done $0x0  }
0x61: {  	[sflag:s26] =	ssyncadd.s32 $0xFFFFF000  }
0x62: {  	_ =	swait.ge [sflag:s26], $0x1000  }
0x63: {  	[sflag:s26] =	ssyncset.done $0x0  }
0x64: {  	[sflag:s26] =	ssyncadd.s32 $0xFFFFF000  }
0x65: {  	_ =	swait.ge [sflag:s26], $0x1000  }
0x66: {  	[sflag:s26] =	ssyncset.done $0x0  }
0x67: {  	[sflag:s26] =	ssyncadd.s32 $0xFFFFF000  }
0x68: {  	_ =	swait.ge [sflag:s26], $0x1000  }
0x69: {  	[sflag:s26] =	ssyncset.done $0x0  }
0x6a: {  	[sflag:s26] =	ssyncadd.s32 $0xFFFFF000  }
0x6b: {  	_ =	swait.ge [sflag:s26], $0x1000  }
0x6c: {  	[sflag:s26] =	ssyncset.done $0x0  }
0x6d: {  	[sflag:s26] =	ssyncadd.s32 $0xFFFFF000  }
0x6e: {  	_ =	swait.ge [sflag:s26], $0x1000  }
0x6f: {  	[sflag:s26] =	ssyncset.done $0x0  }
0x70: {  	[sflag:s26] =	ssyncadd.s32 $0xFFFFF000  }
0x71: {  	v33 =	vand.u32 $0x7F, v33;
	_ =	swait.ge [sflag:s26], $0x1000  }
0x72: {  	v44 =	vor.u32 v0, v33;
	[sflag:s26] =	ssyncset.done $0x0  }
0x73: {  	[sflag:s26] =	ssyncadd.s32 $0xFFFFF000  }
0x74: {  	_ =	swait.ge [sflag:s26], $0x1000  }
0x75: {  	[sflag:s26] =	ssyncset.done $0x0  }
0x76: {  	[sflag:s26] =	ssyncadd.s32 $0xFFFFF000  }
0x77: {  	v34 =	vld.idx.msk [tilespmem:v44+s10+$0x0], $0xffff  }
0x78: {  	v35 =	vor.u32 v1, v33;
	_ =	sdelay $0x3  }
0x79: {  	[tilespmem:$0x10400] =	vst v34  }
0x7a: {  	v34 =	vld.idx.msk [tilespmem:v35+s10+$0x0], $0xffff  }
0x7b: {  	v45 =	vor.u32 v2, v33;
	_ =	sdelay $0x3  }
0x7c: {  	[tilespmem:$0x10480] =	vst v34  }
0x7d: {  	v34 =	vld.idx.msk [tilespmem:v45+s10+$0x0], $0xffff  }
0x7e: {  	v46 =	vor.u32 v3, v33;
	_ =	sdelay $0x3  }
0x7f: {  	[tilespmem:$0x10500] =	vst v34  }
0x80: {  	v34 =	vld.idx.msk [tilespmem:v46+s10+$0x0], $0xffff  }
0x81: {  	v47 =	vor.u32 v4, v33;
	_ =	sdelay $0x3  }
0x82: {  	[tilespmem:$0x10580] =	vst v34  }
0x83: {  	v34 =	vld.idx.msk [tilespmem:v47+s10+$0x0], $0xffff  }
0x84: {  	v48 =	vor.u32 v5, v33;
	_ =	sdelay $0x3  }
0x85: {  	[tilespmem:$0x10600] =	vst v34  }
0x86: {  	v34 =	vld.idx.msk [tilespmem:v48+s10+$0x0], $0xffff  }
0x87: {  	v49 =	vor.u32 v6, v33;
	_ =	sdelay $0x3  }
0x88: {  	[tilespmem:$0x10680] =	vst v34  }
0x89: {  	v34 =	vld.idx.msk [tilespmem:v49+s10+$0x0], $0xffff  }
0x8a: {  	v50 =	vor.u32 v7, v33;
	_ =	sdelay $0x3  }
0x8b: {  	[tilespmem:$0x10700] =	vst v34  }
0x8c: {  	v34 =	vld.idx.msk [tilespmem:v50+s10+$0x0], $0xffff  }
0x8d: {  	v51 =	vor.u32 v8, v33;
	_ =	sdelay $0x3  }
0x8e: {  	[tilespmem:$0x10780] =	vst v34  }
0x8f: {  	v34 =	vld.idx.msk [tilespmem:v51+s10+$0x0], $0xffff  }
0x90: {  	v52 =	vor.u32 v9, v33;
	_ =	sdelay $0x3  }
0x91: {  	[tilespmem:$0x10800] =	vst v34  }
0x92: {  	v34 =	vld.idx.msk [tilespmem:v52+s10+$0x0], $0xffff  }
0x93: {  	v53 =	vor.u32 v10, v33;
	_ =	sdelay $0x3  }
0x94: {  	[tilespmem:$0x10880] =	vst v34  }
0x95: {  	v34 =	vld.idx.msk [tilespmem:v53+s10+$0x0], $0xffff  }
0x96: {  	v54 =	vor.u32 v11, v33;
	_ =	sdelay $0x3  }
0x97: {  	[tilespmem:$0x10900] =	vst v34  }
0x98: {  	v34 =	vld.idx.msk [tilespmem:v54+s10+$0x0], $0xffff  }
0x99: {  	v55 =	vor.u32 v12, v33;
	_ =	sdelay $0x3  }
0x9a: {  	[tilespmem:$0x10980] =	vst v34  }
0x9b: {  	v34 =	vld.idx.msk [tilespmem:v55+s10+$0x0], $0xffff  }
0x9c: {  	v56 =	vor.u32 v13, v33;
	_ =	sdelay $0x3  }
0x9d: {  	[tilespmem:$0x10A00] =	vst v34  }
0x9e: {  	v34 =	vld.idx.msk [tilespmem:v56+s10+$0x0], $0xffff  }
0x9f: {  	v57 =	vor.u32 v14, v33;
	_ =	sdelay $0x3  }
0xa0: {  	[tilespmem:$0x10A80] =	vst v34  }
0xa1: {  	v34 =	vld.idx.msk [tilespmem:v57+s10+$0x0], $0xffff  }
0xa2: {  	v58 =	vor.u32 v15, v33;
	_ =	sdelay $0x3  }
0xa3: {  	[tilespmem:$0x10B00] =	vst v34  }
0xa4: {  	v34 =	vld.idx.msk [tilespmem:v58+s10+$0x0], $0xffff  }
0xa5: {  	v59 =	vor.u32 v16, v33;
	_ =	sdelay $0x3  }
0xa6: {  	[tilespmem:$0x10B80] =	vst v34  }
0xa7: {  	v34 =	vld.idx.msk [tilespmem:v59+s10+$0x0], $0xffff  }
0xa8: {  	v60 =	vor.u32 v17, v33;
	_ =	sdelay $0x3  }
0xa9: {  	[tilespmem:$0x10C00] =	vst v34  }
0xaa: {  	v34 =	vld.idx.msk [tilespmem:v60+s10+$0x0], $0xffff  }
0xab: {  	v61 =	vor.u32 v18, v33;
	_ =	sdelay $0x3  }
0xac: {  	[tilespmem:$0x10C80] =	vst v34  }
0xad: {  	v34 =	vld.idx.msk [tilespmem:v61+s10+$0x0], $0xffff  }
0xae: {  	v62 =	vor.u32 v19, v33;
	_ =	sdelay $0x3  }
0xaf: {  	[tilespmem:$0x10D00] =	vst v34  }
0xb0: {  	v34 =	vld.idx.msk [tilespmem:v62+s10+$0x0], $0xffff  }
0xb1: {  	v63 =	vor.u32 v20, v33;
	_ =	sdelay $0x3  }
0xb2: {  	[tilespmem:$0x10D80] =	vst v34  }
0xb3: {  	v34 =	vld.idx.msk [tilespmem:v63+s10+$0x0], $0xffff  }
0xb4: {  	v36 =	vor.u32 v21, v33;
	_ =	sdelay $0x3  }
0xb5: {  	[tilespmem:$0x10E00] =	vst v34  }
0xb6: {  	v34 =	vld.idx.msk [tilespmem:v36+s10+$0x0], $0xffff  }
0xb7: {  	v37 =	vor.u32 v22, v33;
	_ =	sdelay $0x3  }
0xb8: {  	[tilespmem:$0x10E80] =	vst v34  }
0xb9: {  	v34 =	vld.idx.msk [tilespmem:v37+s10+$0x0], $0xffff  }
0xba: {  	v38 =	vor.u32 v23, v33;
	_ =	sdelay $0x3  }
0xbb: {  	[tilespmem:$0x10F00] =	vst v34  }
0xbc: {  	v34 =	vld.idx.msk [tilespmem:v38+s10+$0x0], $0xffff  }
0xbd: {  	v39 =	vor.u32 v24, v33;
	_ =	sdelay $0x3  }
0xbe: {  	[tilespmem:$0x10F80] =	vst v34  }
0xbf: {  	v34 =	vld.idx.msk [tilespmem:v39+s10+$0x0], $0xffff  }
0xc0: {  	v40 =	vor.u32 v25, v33;
	_ =	sdelay $0x3  }
0xc1: {  	[tilespmem:$0x11000] =	vst v34  }
0xc2: {  	v34 =	vld.idx.msk [tilespmem:v40+s10+$0x0], $0xffff  }
0xc3: {  	v41 =	vor.u32 v26, v33;
	_ =	sdelay $0x3  }
0xc4: {  	[tilespmem:$0x11080] =	vst v34  }
0xc5: {  	v34 =	vld.idx.msk [tilespmem:v41+s10+$0x0], $0xffff  }
0xc6: {  	v42 =	vor.u32 v27, v33;
	_ =	sdelay $0x3  }
0xc7: {  	[tilespmem:$0x11100] =	vst v34  }
0xc8: {  	v34 =	vld.idx.msk [tilespmem:v42+s10+$0x0], $0xffff  }
0xc9: {  	v43 =	vor.u32 v28, v33;
	_ =	sdelay $0x3  }
0xca: {  	[tilespmem:$0x11180] =	vst v34  }
0xcb: {  	v34 =	vld.idx.msk [tilespmem:v43+s10+$0x0], $0xffff  }
0xcc: {  	v44 =	vor.u32 v29, v33;
	_ =	sdelay $0x3  }
0xcd: {  	[tilespmem:$0x11200] =	vst v34  }
0xce: {  	s0 =	rddreg [dreg:$0x7];
	v45 =	vand.u32 $0xFFFFFF80, v32;
	v34 =	vld.idx.msk [tilespmem:v44+s10+$0x0], $0xffff  }
0xcf: {  	v35 =	vadd.s32 s0, v45;
	v36 =	vor.u32 v30, v33  }
0xd0: {  	(v2sf) =	vpush v35, $0x0;
	_ =	sdelay $0x1  }
0xd1: {  	(v2sf) =	vpush v35, $0x1  }
0xd2: {  	[tilespmem:$0x11280] =	vst v34  }
0xd3: {  	(v2sf) =	vpush v35, $0x2;
	v34 =	vld.idx.msk [tilespmem:v36+s10+$0x0], $0xffff  }
0xd4: {  	v33 =	vor.u32 v31, v33  }
0xd5: {  	(v2sf) =	vpush v35, $0x3;
	_ =	sdelay $0x1  }
0xd6: {  	(v2sf) =	vpush v35, $0x4  }
0xd7: {  	[tilespmem:$0x11300] =	vst v34  }
0xd8: {  	(v2sf) =	vpush v35, $0x5;
	v33 =	vld.idx.msk [tilespmem:v33+s10+$0x0], $0xffff;
	_ =	sdelay $0x1  }
0xd9: {  	(v2sf) =	vpush v35, $0x6;
	_ =	sdelay $0x1  }
0xda: {  	(v2sf) =	vpush v35, $0x7  }
0xdb: {  	s0 =	spop (v2sf);
	[tilespmem:$0x11380] =	vst v33  }
0xdc: {  	(v2sf) =	vpush v35, $0x8;
	[tilespmem:s10], [sflag:$0x1] =	stream.strided.gather [hbm4b:s0+s10], $0x1000, s9, s10, $0x38;
	[tilespmem:$0x11600] =	vst v63  }
0xdd: {  	s0 =	spop (v2sf)  }
0xde: {  	(v2sf) =	vpush v35, $0x9;
	[tilespmem:s11], [sflag:$0x1] =	stream.strided.gather [hbm4b:s0+s10], $0x1000, s9, s10, $0x38;
	[tilespmem:$0x11600] =	vst v63  }
0xdf: {  	s0 =	spop (v2sf)  }
0xe0: {  	(v2sf) =	vpush v35, $0xA;
	[tilespmem:s12], [sflag:$0x1] =	stream.strided.gather [hbm4b:s0+s10], $0x1000, s9, s10, $0x38;
	[tilespmem:$0x11600] =	vst v63  }
0xe1: {  	s0 =	spop (v2sf)  }
0xe2: {  	(v2sf) =	vpush v35, $0xB;
	[tilespmem:s13], [sflag:$0x1] =	stream.strided.gather [hbm4b:s0+s10], $0x1000, s9, s10, $0x38;
	[tilespmem:$0x11600] =	vst v63  }
0xe3: {  	s0 =	spop (v2sf)  }
0xe4: {  	(v2sf) =	vpush v35, $0xC;
	[tilespmem:s14], [sflag:$0x1] =	stream.strided.gather [hbm4b:s0+s10], $0x1000, s9, s10, $0x38;
	[tilespmem:$0x11600] =	vst v63  }
0xe5: {  	s0 =	spop (v2sf)  }
0xe6: {  	(v2sf) =	vpush v35, $0xD;
	[tilespmem:s15], [sflag:$0x1] =	stream.strided.gather [hbm4b:s0+s10], $0x1000, s9, s10, $0x38;
	[tilespmem:$0x11600] =	vst v63  }
0xe7: {  	s0 =	spop (v2sf)  }
0xe8: {  	(v2sf) =	vpush v35, $0xE;
	[tilespmem:s16], [sflag:$0x1] =	stream.strided.gather [hbm4b:s0+s10], $0x1000, s9, s10, $0x38;
	[tilespmem:$0x11600] =	vst v63  }
0xe9: {  	s0 =	spop (v2sf)  }
0xea: {  	(v2sf) =	vpush v35, $0xF;
	[tilespmem:s17], [sflag:$0x1] =	stream.strided.gather [hbm4b:s0+s10], $0x1000, s9, s10, $0x38;
	[tilespmem:$0x11600] =	vst v63  }
0xeb: {  	s0 =	spop (v2sf)  }
0xec: {  	[tilespmem:s18], [sflag:$0x1] =	stream.strided.gather [hbm4b:s0+s10], $0x1000, s9, s10, $0x38;
	[tilespmem:$0x11600] =	vst v63  }
0xed: {  	s0 =	spop (v2sf)  }
0xee: {  	[tilespmem:s19], [sflag:$0x1] =	stream.strided.gather [hbm4b:s0+s10], $0x1000, s9, s10, $0x38;
	[tilespmem:$0x11600] =	vst v63  }
0xef: {  	s0 =	spop (v2sf)  }
0xf0: {  	[tilespmem:s20], [sflag:$0x1] =	stream.strided.gather [hbm4b:s0+s10], $0x1000, s9, s10, $0x38;
	[tilespmem:$0x11600] =	vst v63  }
0xf1: {  	s0 =	spop (v2sf)  }
0xf2: {  	[tilespmem:s21], [sflag:$0x1] =	stream.strided.gather [hbm4b:s0+s10], $0x1000, s9, s10, $0x38;
	[tilespmem:$0x11600] =	vst v63  }
0xf3: {  	s0 =	spop (v2sf)  }
0xf4: {  	[tilespmem:s22], [sflag:$0x1] =	stream.strided.gather [hbm4b:s0+s10], $0x1000, s9, s10, $0x38;
	[tilespmem:$0x11600] =	vst v63  }
0xf5: {  	s0 =	spop (v2sf)  }
0xf6: {  	[tilespmem:s23], [sflag:$0x1] =	stream.strided.gather [hbm4b:s0+s10], $0x1000, s9, s10, $0x38;
	[tilespmem:$0x11600] =	vst v63  }
0xf7: {  	s0 =	spop (v2sf)  }
0xf8: {  	[tilespmem:s24], [sflag:$0x1] =	stream.strided.gather [hbm4b:s0+s10], $0x1000, s9, s10, $0x38;
	[tilespmem:$0x11600] =	vst v63  }
0xf9: {  	s0 =	spop (v2sf)  }
0xfa: {  	[tilespmem:s25], [sflag:$0x1] =	stream.strided.gather [hbm4b:s0+s10], $0x1000, s9, s10, $0x38;
	[tilespmem:$0x11600] =	vst v63  }
0xfb: {  	_ =	swait.ge [sflag:s26], $0x1000  }
0xfc: {  	[sflag:s26] =	ssyncset.done $0x0  }
0xfd: {  	[sflag:s26] =	ssyncadd.s32 $0xFFFFF000  }
0xfe: {  	_ =	swait.ge [sflag:s26], $0x1000  }
0xff: {  	[sflag:s26] =	ssyncset.done $0x0  }
0x100: {  	[sflag:s26] =	ssyncadd.s32 $0xFFFFF000  }
0x101: {  	_ =	swait.ge [sflag:s26], $0x1000  }
0x102: {  	[sflag:s26] =	ssyncset.done $0x0  }
0x103: {  	[sflag:s26] =	ssyncadd.s32 $0xFFFFF000  }
0x104: {  	_ =	swait.ge [sflag:s26], $0x1000  }
0x105: {  	[sflag:s26] =	ssyncset.done $0x0  }
0x106: {  	[sflag:s26] =	ssyncadd.s32 $0xFFFFF000  }
0x107: {  	_ =	swait.ge [sflag:s26], $0x1000  }
0x108: {  	[sflag:s26] =	ssyncset.done $0x0  }
0x109: {  	[sflag:s26] =	ssyncadd.s32 $0xFFFFF000  }
0x10a: {  	_ =	swait.ge [sflag:s26], $0x1000  }
0x10b: {  	[sflag:s26] =	ssyncset.done $0x0  }
0x10c: {  	[sflag:s26] =	ssyncadd.s32 $0xFFFFF000  }
0x10d: {  	_ =	swait.ge [sflag:s26], $0x1000  }
0x10e: {  	[sflag:s26] =	ssyncset.done $0x0  }
0x10f: {  	[sflag:s26] =	ssyncadd.s32 $0xFFFFF000  }
0x110: {  	_ =	swait.ge [sflag:s26], $0x1000  }
0x111: {  	[sflag:s26] =	ssyncset.done $0x0  }
0x112: {  	[sflag:s26] =	ssyncadd.s32 $0xFFFFF000  }
0x113: {  	_ =	swait.ge [sflag:s26], $0x1000  }
0x114: {  	[sflag:s26] =	ssyncset.done $0x0  }
0x115: {  	[sflag:s26] =	ssyncadd.s32 $0xFFFFF000  }
0x116: {  	_ =	swait.ge [sflag:s26], $0x1000  }
0x117: {  	[sflag:s26] =	ssyncset.done $0x0  }
0x118: {  	[sflag:s26] =	ssyncadd.s32 $0xFFFFF000  }
0x119: {  	_ =	swait.ge [sflag:s26], $0x1000  }
0x11a: {  	[sflag:s26] =	ssyncset.done $0x0  }
0x11b: {  	[sflag:s26] =	ssyncadd.s32 $0xFFFFF000  }
0x11c: {  	_ =	swait.ge [sflag:s26], $0x1000  }
0x11d: {  	[sflag:s26] =	ssyncset.done $0x0  }
0x11e: {  	[sflag:s26] =	ssyncadd.s32 $0xFFFFF000  }
0x11f: {  	_ =	swait.ge [sflag:s26], $0x1000  }
0x120: {  	[sflag:s26] =	ssyncset.done $0x0  }
0x121: {  	[sflag:s26] =	ssyncadd.s32 $0xFFFFF000  }
0x122: {  	_ =	swait.ge [sflag:s26], $0x1000  }
0x123: {  	[sflag:s26] =	ssyncset.done $0x0  }
0x124: {  	[sflag:s26] =	ssyncadd.s32 $0xFFFFF000  }
0x125: {  	v32 =	vand.u32 $0x7F, v32;
	_ =	swait.ge [sflag:s26], $0x1000  }
0x126: {  	v46 =	vor.u32 v0, v32;
	[sflag:s26] =	ssyncset.done $0x0  }
0x127: {  	[sflag:s26] =	ssyncadd.s32 $0xFFFFF000  }
0x128: {  	v47 =	vor.u32 v1, v32;
	_ =	swait.ge [sflag:s26], $0x1000  }
0x129: {  	[sflag:s26] =	ssyncset.done $0x0  }
0x12a: {  	v48 =	vor.u32 v2, v32;
	[sflag:s26] =	ssyncadd.s32 $0xFFFFF000  }
0x12b: {  	v33 =	vld.idx.msk [tilespmem:v46+s10+$0x0], $0xffff  }
0x12c: {  	v37 =	vor.u32 v3, v32;
	v49 =	vld [tilespmem:$0x10400]  }
0x12d: {  	v34 =	vld.idx.msk [tilespmem:v47+s10+$0x0], $0xffff  }
0x12e: {  	v39 =	vor.u32 v4, v32;
	v38 =	vld [tilespmem:$0x10480]  }
0x12f: {  	v35 =	vld.idx.msk [tilespmem:v48+s10+$0x0], $0xffff  }
0x130: {  	v41 =	vor.u32 v5, v32;
	v40 =	vld [tilespmem:$0x10500]  }
0x131: {  	v50 =	vld.idx.msk [tilespmem:v37+s10+$0x0], $0xffff;
	v33 =	vmul.f32 v49, v33  }
0x132: {  	v42 =	vor.u32 v6, v32;
	v51 =	vld [tilespmem:$0x10580]  }
0x133: {  	v52 =	vld.idx.msk [tilespmem:v39+s10+$0x0], $0xffff;
	v34 =	vmul.f32 v38, v34;
	v33 =	vadd.f32 $0.0e+00, v33  }
0x134: {  	v43 =	vor.u32 v7, v32;
	v53 =	vld [tilespmem:$0x10600]  }
0x135: {  	v55 =	vld.idx.msk [tilespmem:v41+s10+$0x0], $0xffff;
	v54 =	vmul.f32 v40, v35;
	v33 =	vadd.f32 v34, v33  }
0x136: {  	v57 =	vor.u32 v8, v32;
	v56 =	vld [tilespmem:$0x10680]  }
0x137: {  	v59 =	vld.idx.msk [tilespmem:v42+s10+$0x0], $0xffff;
	v58 =	vmul.f32 v51, v50;
	v33 =	vadd.f32 v54, v33  }
0x138: {  	v61 =	vor.u32 v9, v32;
	v60 =	vld [tilespmem:$0x10700]  }
0x139: {  	v63 =	vld.idx.msk [tilespmem:v43+s10+$0x0], $0xffff;
	v62 =	vmul.f32 v53, v52;
	v33 =	vadd.f32 v58, v33  }
0x13a: {  	v45 =	vld [tilespmem:$0x10780]  }
0x13b: {  	v46 =	vor.u32 v10, v32;
	v48 =	vld.idx.msk [tilespmem:v57+s10+$0x0], $0xffff;
	v47 =	vmul.f32 v56, v55;
	v33 =	vadd.f32 v62, v33  }
0x13c: {  	v49 =	vld [tilespmem:$0x10800]  }
0x13d: {  	v50 =	vor.u32 v11, v32;
	v51 =	vmul.f32 v60, v59;
	v52 =	vld.idx.msk [tilespmem:v61+s10+$0x0], $0xffff;
	v33 =	vadd.f32 v47, v33  }
0x13e: {  	v53 =	vld [tilespmem:$0x10880]  }
0x13f: {  	v57 =	vld [tilespmem:$0x10900];
	v55 =	vmul.f32 v45, v63;
	v54 =	vor.u32 v12, v32;
	v33 =	vadd.f32 v51, v33  }
0x140: {  	v56 =	vld.idx.msk [tilespmem:v46+s10+$0x0], $0xffff  }
0x141: {  	v61 =	vld [tilespmem:$0x10980];
	v59 =	vmul.f32 v49, v48;
	v58 =	vor.u32 v13, v32;
	v33 =	vadd.f32 v55, v33  }
0x142: {  	v60 =	vld.idx.msk [tilespmem:v50+s10+$0x0], $0xffff  }
0x143: {  	v46 =	vld [tilespmem:$0x10A00];
	v63 =	vmul.f32 v53, v52;
	v62 =	vor.u32 v14, v32;
	v33 =	vadd.f32 v59, v33  }
0x144: {  	v45 =	vld.idx.msk [tilespmem:v54+s10+$0x0], $0xffff  }
0x145: {  	v48 =	vmul.f32 v57, v56;
	v50 =	vld [tilespmem:$0x10A80];
	v47 =	vor.u32 v15, v32;
	v33 =	vadd.f32 v63, v33  }
0x146: {  	v49 =	vld.idx.msk [tilespmem:v58+s10+$0x0], $0xffff  }
0x147: {  	v52 =	vmul.f32 v61, v60;
	v54 =	vld [tilespmem:$0x10B00];
	v51 =	vor.u32 v16, v32;
	v33 =	vadd.f32 v48, v33  }
0x148: {  	v53 =	vld.idx.msk [tilespmem:v62+s10+$0x0], $0xffff  }
0x149: {  	v58 =	vld [tilespmem:$0x10B80];
	v55 =	vor.u32 v17, v32;
	v56 =	vmul.f32 v46, v45;
	v33 =	vadd.f32 v52, v33  }
0x14a: {  	v57 =	vld.idx.msk [tilespmem:v47+s10+$0x0], $0xffff  }
0x14b: {  	v62 =	vld [tilespmem:$0x10C00];
	v59 =	vor.u32 v18, v32;
	v60 =	vmul.f32 v50, v49;
	v33 =	vadd.f32 v56, v33  }
0x14c: {  	v61 =	vld.idx.msk [tilespmem:v51+s10+$0x0], $0xffff  }
0x14d: {  	v47 =	vld [tilespmem:$0x10C80];
	v63 =	vor.u32 v19, v32;
	v45 =	vmul.f32 v54, v53;
	v33 =	vadd.f32 v60, v33  }
0x14e: {  	v46 =	vld.idx.msk [tilespmem:v55+s10+$0x0], $0xffff  }
0x14f: {  	v51 =	vld [tilespmem:$0x10D00];
	v48 =	vor.u32 v20, v32;
	v49 =	vmul.f32 v58, v57;
	v33 =	vadd.f32 v45, v33  }
0x150: {  	v50 =	vld.idx.msk [tilespmem:v59+s10+$0x0], $0xffff  }
0x151: {  	v55 =	vld [tilespmem:$0x10D80];
	v52 =	vor.u32 v21, v32;
	v53 =	vmul.f32 v62, v61;
	v33 =	vadd.f32 v49, v33  }
0x152: {  	v54 =	vld.idx.msk [tilespmem:v63+s10+$0x0], $0xffff  }
0x153: {  	v59 =	vld [tilespmem:$0x10E00];
	v56 =	vor.u32 v22, v32;
	v57 =	vmul.f32 v47, v46;
	v33 =	vadd.f32 v53, v33  }
0x154: {  	v58 =	vld.idx.msk [tilespmem:v48+s10+$0x0], $0xffff  }
0x155: {  	v63 =	vld [tilespmem:$0x10E80];
	v60 =	vor.u32 v23, v32;
	v61 =	vmul.f32 v51, v50;
	v33 =	vadd.f32 v57, v33  }
0x156: {  	v62 =	vld.idx.msk [tilespmem:v52+s10+$0x0], $0xffff  }
0x157: {  	v48 =	vld [tilespmem:$0x10F00];
	v45 =	vor.u32 v24, v32;
	v46 =	vmul.f32 v55, v54;
	v33 =	vadd.f32 v61, v33  }
0x158: {  	v47 =	vld.idx.msk [tilespmem:v56+s10+$0x0], $0xffff  }
0x159: {  	v52 =	vld [tilespmem:$0x10F80];
	v49 =	vor.u32 v25, v32;
	v50 =	vmul.f32 v59, v58;
	v33 =	vadd.f32 v46, v33  }
0x15a: {  	v51 =	vld.idx.msk [tilespmem:v60+s10+$0x0], $0xffff  }
0x15b: {  	v56 =	vld [tilespmem:$0x11000];
	v53 =	vor.u32 v26, v32;
	v54 =	vmul.f32 v63, v62;
	v33 =	vadd.f32 v50, v33  }
0x15c: {  	v55 =	vld.idx.msk [tilespmem:v45+s10+$0x0], $0xffff  }
0x15d: {  	v60 =	vld [tilespmem:$0x11080];
	v57 =	vor.u32 v27, v32;
	v58 =	vmul.f32 v48, v47;
	v33 =	vadd.f32 v54, v33  }
0x15e: {  	v59 =	vld.idx.msk [tilespmem:v49+s10+$0x0], $0xffff  }
0x15f: {  	v45 =	vld [tilespmem:$0x11100];
	v61 =	vor.u32 v28, v32;
	v62 =	vmul.f32 v52, v51;
	v33 =	vadd.f32 v58, v33  }
0x160: {  	v63 =	vld.idx.msk [tilespmem:v53+s10+$0x0], $0xffff  }
0x161: {  	v49 =	vld [tilespmem:$0x11180];
	v46 =	vor.u32 v29, v32;
	v47 =	vmul.f32 v56, v55;
	v33 =	vadd.f32 v62, v33  }
0x162: {  	v48 =	vld.idx.msk [tilespmem:v57+s10+$0x0], $0xffff  }
0x163: {  	v53 =	vld [tilespmem:$0x11200];
	v50 =	vor.u32 v30, v32;
	v51 =	vmul.f32 v60, v59;
	v33 =	vadd.f32 v47, v33  }
0x164: {  	v52 =	vld.idx.msk [tilespmem:v61+s10+$0x0], $0xffff  }
0x165: {  	v56 =	vld [tilespmem:$0x11280];
	v32 =	vor.u32 v31, v32;
	v54 =	vmul.f32 v45, v63;
	v33 =	vadd.f32 v51, v33  }
0x166: {  	v55 =	vld.idx.msk [tilespmem:v46+s10+$0x0], $0xffff  }
0x167: {  	v59 =	vld [tilespmem:$0x11300];
	v57 =	vmul.f32 v49, v48;
	v33 =	vadd.f32 v54, v33  }
0x168: {  	v58 =	vld.idx.msk [tilespmem:v50+s10+$0x0], $0xffff  }
0x169: {  	v61 =	vld [tilespmem:$0x11380];
	v60 =	vmul.f32 v53, v52;
	v33 =	vadd.f32 v57, v33  }
0x16a: {  	v32 =	vld.idx.msk [tilespmem:v32+s10+$0x0], $0xffff  }
0x16b: {  	v62 =	vmul.f32 v56, v55;
	v33 =	vadd.f32 v60, v33;
	_ =	sdelay $0x1  }
0x16c: {  	v63 =	vmul.f32 v59, v58;
	v33 =	vadd.f32 v62, v33  }
0x16d: {  	p0 =	sne.s32 s30, $0x7C0  }
.Ltmp0:
0x16e: {  	v32 =	vmul.f32 v61, v32;
	v33 =	vadd.f32 v63, v33;
	(pc) =	sbr.rel @p0 .LBB2_2-.Ltmp0, $3  }
0x16f: {  	_ = 	snop  }
0x170: {  	v32 =	vadd.f32 v32, v33;
	_ =	sdelay $0x1  }
0x171: {  	s30 =	sadd.s32 $0x40, s30;
	[tilespmem:s31+$0x11400] =	vst v32  }
0x172: {  	s29 =	sadd.s32 $0x1, s29  }
0x173: {  	p0 =	sne.s32 s29, s6  }
.Ltmp1:
0x174: {  	_ = 	snop;
	(pc) =	sbr.rel @p0 .LBB2_1-.Ltmp1, $4  }
0x175: {  	[hbm4b:s5+s2] =	stream.linear.scatter [tilespmem:s28], [sflag:$0x2], $0x200, $0x38;
	[tilespmem:$0x11600] =	vst v63  }
0x176: {  	_ =	swait.ge [sflag:s8], $0x200  }
0x177: {  	[sflag:s8] =	ssyncset.done $0x0  }
0x178: {  	[sflag:s8] =	ssyncadd.s32 $0xFFFFFE00  }
0x179: {  	_ =	sfence.sel $0x180000  }
0x17a: {  	[bflag:$0x0] =	sbarrier.arrive $0xFFFF  }
0x17b: {  	_ =	strace $0x90000047  }
0x17c: {  	[bflag:$0x2] =	sbarrier.arrive $0xFFFF  }
0x17d: {  	p0 =	sne.s32 s1, $0x0;
	s0 =	rddreg [dreg:$0x5]  }
0x17e: {  	s0 =	sadd.s32 @!p0 $0x100000, s0  }
0x17f: {  	[sflag:s0] =	ssyncadd.tile.s32 @!p0 $0x1;
	_ =	shalt  }
.Lfunc_end2:
_tile_overlayer_lowered:
.L_overlay_start_2:
0x180: {  	(tag) =	ssettag $0x2  }
0x181: {  	s0 =	rddreg [dreg:$0x0];
	s2 =	stileid.u32  }
0x182: {  	s1 =	rddreg [dreg:$0x1];
	p0 =	sne.s32 s2, $0x0  }
0x183: {  	s3 =	rddreg [dreg:$0x2];
	[bflag:$0x3] =	sbarrier.arrive $0xFFFF;
	s2 =	simm.s32 @!p0 $0x1C02  }
0x184: {  	[timem:s3], [sflag:s2] =	dma.local @!p0 [hbm:s0], s1  }
0x185: {  	s0 =	simm.s32 @!p0 $0x2  }
0x186: {  	_ =	swait.ge @!p0 [sflag:s0], s1  }
0x187: {  	s1 =	ssub.s32 @!p0 $0x0, s1;
	[sflag:s0] =	ssyncset.done @!p0 $0x0  }
0x188: {  	[sflag:s0] =	ssyncadd.s32 @!p0 s1  }
0x189: {  	[bflag:$0x3] =	sbarrier.arrive $0xFFFF  }
0x18a: {  	_ =	shalt  }

</sc_bundles>
